<compile_context>
chip_gen: v7x
topology: tpu7x:2x2x1
jax: 0.10.2.dev20260603
libtpu: 0.0.44.dev20260713+nightly
codegen_flags: <defaults>
</compile_context>

<pallas_src>
import functools

import jax
import jax.numpy as jnp
from jax import lax
from jax.experimental import pallas as pl
from jax.experimental.pallas import tpu as pltpu
from jax.experimental.pallas import tpu_sc as plsc

_UNITS = 32
_EPS = 1e-07
_NUM_SEG = 256
_N_TOK = 2048
_D_FEAT = 128
_NC = 2
_NS = 16
_NW = _NC * _NS
_F_SC = 32
_F_TC = _D_FEAT - _F_SC
_FPW = _F_SC // _NW
_FB_POST = 8
_FB_TC = 16



def _prep_kernel(xt_ref, idx_ref, lt_ref, ends_ref):
    eps = _EPS
    x = jnp.clip(xt_ref[...], eps, 1.0 - eps)
    lt_ref[0:_F_SC, :] = jnp.log(x)
    lt_ref[_F_SC : 2 * _F_SC, :] = jnp.log(1.0 - x)
    iota_s = lax.broadcasted_iota(jnp.int32, (_NUM_SEG, _N_TOK), 0)
    le = (idx_ref[:, :] <= iota_s).astype(jnp.int32)
    ends_ref[0, :] = jnp.sum(le, axis=1)


_GDN = lax.GatherDimensionNumbers(offset_dims=(), collapsed_slice_dims=(0,),
                                  start_index_map=(0,))


def _dyn_gather(v, idx_v):
    return lax.gather(v, idx_v[:, None], _GDN, (1,),
                      mode=lax.GatherScatterMode.PROMISE_IN_BOUNDS)


def _sc_accum(lt_hbm, ends_hbm, w_hbm, acc_hbm, lx_loc, l1_loc, ends_loc,
              w_loc, stage):
    wid = lax.axis_index("s") * _NC + lax.axis_index("c")
    f0 = wid * _FPW
    for f in range(_FPW):
        pltpu.sync_copy(lt_hbm.at[f0 + f],
                        lx_loc.at[pl.ds(f * _N_TOK, _N_TOK)])
        pltpu.sync_copy(lt_hbm.at[_F_SC + f0 + f],
                        l1_loc.at[pl.ds(f * _N_TOK, _N_TOK)])
    pltpu.sync_copy(ends_hbm, ends_loc)
    pltpu.sync_copy(w_hbm, w_loc)

    p = [[jnp.maximum(0.0, w_loc[2 * e + 1, pl.ds(16 * h, 16)])
          for h in range(2)] for e in range(4)]
    zero16 = jnp.zeros((16,), jnp.float32)
    lanes16 = lax.iota(jnp.int32, 16)
    zero16i = jnp.zeros((16,), jnp.int32)

    for f in range(_FPW):
        def seg_body(sidx, start, f=f):
            sa = (sidx // 16) * 16
            ev = ends_loc[pl.ds(sa, 16)]
            endf = jnp.sum(jnp.where(lanes16 == sidx - sa,
                                     ev.astype(jnp.float32), 0.0))
            end = endf.astype(jnp.int32)

            def tok_body(t, acc):
                ta = (t // 16) * 16
                lane_v = zero16i + (t - ta)
                lxb = _dyn_gather(lx_loc[pl.ds(f * _N_TOK + ta, 16)], lane_v)
                l1b = _dyn_gather(l1_loc[pl.ds(f * _N_TOK + ta, 16)], lane_v)
                new = []
                for e in range(4):
                    ls = lxb if e % 2 == 0 else l1b
                    for h in range(2):
                        new.append(acc[e * 2 + h] + jnp.exp(p[e][h] * ls))
                return tuple(new)

            acc = lax.fori_loop(start, end, tok_body, (zero16,) * 8)
            for e in range(4):
                for h in range(2):
                    stage[pl.ds(e * (_NUM_SEG * _UNITS) + sidx * _UNITS
                                + 16 * h, 16)] = acc[e * 2 + h]
            return end

        lax.fori_loop(0, _NUM_SEG, seg_body, 0)
        pltpu.sync_copy(stage, acc_hbm.at[f0 + f])


_sc_call = functools.partial(
    pl.kernel,
    out_type=jax.ShapeDtypeStruct((_F_SC, 4 * _NUM_SEG * _UNITS),
                                  jnp.float32),
    mesh=plsc.VectorSubcoreMesh(core_axis_name="c", subcore_axis_name="s",
                                num_cores=_NC, num_subcores=_NS),
    scratch_types=[
        pltpu.VMEM((_FPW * _N_TOK,), jnp.float32),
        pltpu.VMEM((_FPW * _N_TOK,), jnp.float32),
        pltpu.VMEM((_NUM_SEG,), jnp.int32),
        pltpu.VMEM((12, _UNITS), jnp.float32),
        pltpu.VMEM((4 * _NUM_SEG * _UNITS,), jnp.float32),
    ],
    compiler_params=pltpu.CompilerParams(needs_layout_passes=False),
)(_sc_accum)


def _post_kernel(_, acc_ref, w_ref, out_ref):
    eps = _EPS
    blk = _NUM_SEG * _UNITS

    def row128(r):
        return jnp.concatenate([w_ref[r : r + 1, :]] * 4, axis=1)

    q128 = [jnp.maximum(0.0, row128(2 * e)) for e in range(4)]
    ab128 = [row128(8 + e) for e in range(4)]
    for fl in range(_FB_POST):
        terms = []
        for e in range(4):
            a = jnp.reshape(acc_ref[fl : fl + 1, pl.ds(e * blk, blk)],
                            (64, 128))
            s = jnp.maximum(a, eps)
            terms.append(jnp.exp(q128[e] * jnp.log(s)) * ab128[e])
        num = terms[0] + terms[1]
        den = terms[2] + terms[3]
        mult = 2.0 * jnp.maximum(0.0, jnp.sign(den)) - 1.0
        den = jnp.where((den < eps) & (den > -eps), mult * eps, den)
        r64 = num / den
        for k in range(4):
            out_ref[slice(k, _NUM_SEG, 4), fl, :] = r64[:, 32 * k : 32 * k + 32]



def _tc_fused_kernel(xt_ref, idx_ref, w_ref, out_ref):
    eps = _EPS

    def col(row):
        return jnp.transpose(w_ref[row : row + 1, :])

    p_col = jnp.concatenate([jnp.maximum(0.0, col(r)) for r in (1, 3, 5, 7)],
                            axis=0)
    q_col = jnp.concatenate([jnp.maximum(0.0, col(r)) for r in (0, 2, 4, 6)],
                            axis=0)
    ab_col = jnp.concatenate([col(r) for r in (8, 9, 10, 11)], axis=0)

    idx_col = jnp.transpose(idx_ref[:, :])
    seg_iota = lax.broadcasted_iota(jnp.int32, (_N_TOK, _NUM_SEG), 1)
    oh_t = (idx_col == seg_iota).astype(jnp.float32)

    for f in range(_FB_TC):
        x = xt_ref[f : f + 1, :]
        x = jnp.clip(x, eps, 1.0 - eps)
        lx = jnp.log(x)
        l1 = jnp.log(1.0 - x)
        lx_b = jnp.broadcast_to(lx, (_UNITS, _N_TOK))
        l1_b = jnp.broadcast_to(l1, (_UNITS, _N_TOK))
        l_full = jnp.concatenate([lx_b, l1_b, lx_b, l1_b], axis=0)
        e_t = jnp.exp(p_col * l_full)
        acc = lax.dot(e_t, oh_t, preferred_element_type=jnp.float32)
        s = jnp.maximum(acc, eps)
        sq = jnp.exp(q_col * jnp.log(s))
        terms = sq * ab_col
        num = terms[0:32, :] + terms[32:64, :]
        den = terms[64:96, :] + terms[96:128, :]
        mult = 2.0 * jnp.maximum(0.0, jnp.sign(den)) - 1.0
        den = jnp.where((den < eps) & (den > -eps), mult * eps, den)
        res = num / den
        out_ref[:, f, :] = jnp.transpose(res)



@jax.jit
def kernel(inputs, index, w):
    xt = jnp.transpose(inputs)
    idx2d = index.reshape(1, _N_TOK)

    lt, ends2d = pl.pallas_call(
        _prep_kernel,
        grid=(1,),
        in_specs=[
            pl.BlockSpec((_F_SC, _N_TOK), lambda i: (0, 0)),
            pl.BlockSpec((1, _N_TOK), lambda i: (0, 0)),
        ],
        out_specs=[
            pl.BlockSpec((2 * _F_SC, _N_TOK), lambda i: (0, 0)),
            pl.BlockSpec((1, _NUM_SEG), lambda i: (0, 0)),
        ],
        out_shape=[
            jax.ShapeDtypeStruct((2 * _F_SC, _N_TOK), jnp.float32),
            jax.ShapeDtypeStruct((1, _NUM_SEG), jnp.int32),
        ],
    )(xt, idx2d)
    ends = ends2d.reshape(_NUM_SEG)
    acc = _sc_call(lt, ends, w)

    out_tc = pl.pallas_call(
        _tc_fused_kernel,
        grid=(_F_TC // _FB_TC,),
        in_specs=[
            pl.BlockSpec((_FB_TC, _N_TOK),
                         lambda i: (i + _F_SC // _FB_TC, 0)),
            pl.BlockSpec((1, _N_TOK), lambda i: (0, 0)),
            pl.BlockSpec((12, _UNITS), lambda i: (0, 0)),
        ],
        out_specs=pl.BlockSpec((_NUM_SEG, _FB_TC, _UNITS),
                               lambda i: (0, i + _F_SC // _FB_TC, 0)),
        out_shape=jax.ShapeDtypeStruct((_NUM_SEG, _D_FEAT, _UNITS),
                                       jnp.float32),
    )(xt, idx2d, w)

    out = pl.pallas_call(
        _post_kernel,
        grid=(_F_SC // _FB_POST,),
        in_specs=[
            pl.BlockSpec((_NUM_SEG, _FB_POST, _UNITS), lambda i: (0, i, 0)),
            pl.BlockSpec((_FB_POST, 4 * _NUM_SEG * _UNITS),
                         lambda i: (i, 0)),
            pl.BlockSpec((12, _UNITS), lambda i: (0, 0)),
        ],
        out_specs=pl.BlockSpec((_NUM_SEG, _FB_POST, _UNITS),
                               lambda i: (0, i, 0)),
        out_shape=jax.ShapeDtypeStruct((_NUM_SEG, _D_FEAT, _UNITS),
                                       jnp.float32),
        input_output_aliases={0: 0},
    )(out_tc, acc, w)
    return out

# --- scband reference (transcript-rebuilt; emitter-appended) ---
"""Pipeline reference for scband-laflayer-tf-43731357008690 (READ-ONLY COPY).

The authoritative reference and input builder live on the scoring server;
editing this copy changes nothing except your own understanding.
"""

import jax, jax.numpy as jnp
import numpy as np

UNITS = 32
EPS = 1e-07
NUM_SEG = 256
N_TOK = 2048
D_FEAT = 128


def setup_inputs(seed: int = 0) -> dict:
    key = jax.random.key(seed)
    k1, k2, k3 = jax.random.split(key, 3)
    inputs = jax.random.uniform(k1, (N_TOK, D_FEAT), dtype=jnp.float32)
    index = jnp.sort(jax.random.randint(k2, (N_TOK,), 0, NUM_SEG)).astype(jnp.int32)
    # pin the max segment id so the output shape is deterministic
    index = index.at[-1].set(NUM_SEG - 1)
    index = index.at[0].set(0)
    # keras add_weight with 'random_uniform' initializer: U(-0.05, 0.05)
    w = jax.random.uniform(k3, (12, UNITS), minval=-0.05, maxval=0.05, dtype=jnp.float32)
    return {"inputs": inputs, "index": index, "w": w}


def reference(inputs, index, w):
    eps = EPS
    sup = 1.0 - eps
    x = jnp.clip(inputs, eps, sup)            # [N, F]
    x = x[..., None]                           # [N, F, 1]
    e = jnp.array([1.0, -1.0, 1.0, -1.0], dtype=jnp.float32).reshape(1, 1, 4)
    exps = (1.0 - e) / 2.0 + x * e             # [N, F, 4]
    exps = exps[..., None]                     # [N, F, 4, 1]
    exps = jnp.power(exps, jax.nn.relu(w[jnp.array([1, 3, 5, 7])]))  # [N, F, 4, units]
    scatter = jax.ops.segment_sum(exps, index, num_segments=NUM_SEG)  # [S, F, 4, units]
    scatter = jnp.maximum(scatter, eps)
    sqrt_ = jnp.power(scatter, jax.nn.relu(w[jnp.array([0, 2, 4, 6])]))
    alpha_beta = w[jnp.array([8, 9, 10, 11])].reshape(1, 1, 4, -1)
    terms = sqrt_ * alpha_beta
    num_idx = jnp.array([1.0, 1.0, 0.0, 0.0], dtype=jnp.float32).reshape(1, 1, 4, 1)
    den_idx = jnp.array([0.0, 0.0, 1.0, 1.0], dtype=jnp.float32).reshape(1, 1, 4, 1)
    num = jnp.sum(terms * num_idx, axis=2)     # [S, F, units]
    den = jnp.sum(terms * den_idx, axis=2)     # [S, F, units]
    multiplier = 2.0 * jax.nn.relu(jnp.sign(den)) - 1.0
    den = jnp.where((den < eps) & (den > -eps), multiplier * eps, den)
    res = num / den
    return res

if __name__ == "__main__":
    import jax
    _d = setup_inputs()
    print(jax.jit(kernel)(*tuple(_d.values())))

</pallas_src>

<mosaic_0001>
#map = affine_map<(d0, d1) -> (0, 0)>
#map1 = affine_map<(d0, d1) -> (0)>
module attributes {stable_mosaic.version = 14 : i64} {
  func.func @_sc_accum(%arg0: i32, %arg1: i32, %arg2: memref<64x2048xf32, #tpu.memory_space<hbm>>, %arg3: memref<256xi32, #tpu.memory_space<hbm>>, %arg4: memref<12x32xf32, #tpu.memory_space<hbm>>, %arg5: memref<32x32768xf32, #tpu.memory_space<hbm>>, %arg6: memref<2048xf32, #tpu.memory_space<vmem>>, %arg7: memref<2048xf32, #tpu.memory_space<vmem>>, %arg8: memref<256xi32, #tpu.memory_space<vmem>>, %arg9: memref<12x32xf32, #tpu.memory_space<vmem>>, %arg10: memref<32768xf32, #tpu.memory_space<vmem>>) attributes {dimension_semantics = [#tpu.dimension_semantics<core_parallel>, #tpu.dimension_semantics<subcore_parallel>], iteration_bounds = array<i64: 2, 16>, scalar_prefetch = 0 : i64, scratch_operands = 5 : i64, tpu.core_type = #tpu.core_type<sc_vector_subcore>, window_params = [{transform_indices = #map}, {transform_indices = #map1}, {transform_indices = #map}, {transform_indices = #map}]} {
    %mul3A = arith.constant 2 : i32
    %mul3A_0 = arith.muli %arg1, %mul3A : i32
    %add3A = arith.addi %mul3A_0, %arg0 : i32
    %mul3A_1 = arith.constant 1 : i32
    %mul3A_2 = arith.muli %add3A, %mul3A_1 : i32
    %add3A_3 = arith.constant 0 : i32
    %add3A_4 = arith.addi %mul3A_2, %add3A_3 : i32
    "tpu.region"() ({
      %run_scoped3A = tpu.sem_alloc : memref<!tpu.dma_semaphore, #tpu.memory_space<semaphore_mem>>
      %dma_start3A = arith.constant 0 : i32
      %dma_start3A_74 = tpu.memref_slice %arg6[%dma_start3A] : memref<2048xf32, #tpu.memory_space<vmem>> -> memref<2048xf32, #tpu.memory_space<vmem>>
      %dma_start3A_75 = arith.constant 0 : i32
      %dma_start3A_76 = tpu.memref_slice %arg2[%add3A_4, %dma_start3A_75] : memref<64x2048xf32, #tpu.memory_space<hbm>> -> memref<1x2048xf32, #tpu.memory_space<hbm>>
      %dma_start3A_77 = tpu.memref_squeeze %dma_start3A_76 : memref<1x2048xf32, #tpu.memory_space<hbm>> -> memref<2048xf32, #tpu.memory_space<hbm>>
      %dma_start3A_78 = arith.constant 0 : i32
      %dma_start3A_79 = tpu.memref_slice %arg6[%dma_start3A_78] : memref<2048xf32, #tpu.memory_space<vmem>> -> memref<2048xf32, #tpu.memory_space<vmem>>
      %dma_start3A_80 = arith.constant 0 : i32
      %dma_start3A_81 = tpu.memref_slice %arg2[%add3A_4, %dma_start3A_80] : memref<64x2048xf32, #tpu.memory_space<hbm>> -> memref<1x2048xf32, #tpu.memory_space<hbm>>
      %dma_start3A_82 = tpu.memref_squeeze %dma_start3A_81 : memref<1x2048xf32, #tpu.memory_space<hbm>> -> memref<2048xf32, #tpu.memory_space<hbm>>
      tpu.enqueue_dma source(%dma_start3A_82 : memref<2048xf32, #tpu.memory_space<hbm>>) target(%dma_start3A_79 : memref<2048xf32, #tpu.memory_space<vmem>>) target_semaphore(%run_scoped3A : memref<!tpu.dma_semaphore, #tpu.memory_space<semaphore_mem>>)
      %dma_wait3A = arith.constant 0 : i32
      %dma_wait3A_83 = tpu.memref_slice %arg6[%dma_wait3A] : memref<2048xf32, #tpu.memory_space<vmem>> -> memref<2048xf32, #tpu.memory_space<vmem>>
      %dma_wait3A_84 = arith.constant 0 : i32
      %dma_wait3A_85 = tpu.memref_slice %arg2[%add3A_4, %dma_wait3A_84] : memref<64x2048xf32, #tpu.memory_space<hbm>> -> memref<1x2048xf32, #tpu.memory_space<hbm>>
      %dma_wait3A_86 = tpu.memref_squeeze %dma_wait3A_85 : memref<1x2048xf32, #tpu.memory_space<hbm>> -> memref<2048xf32, #tpu.memory_space<hbm>>
      %dma_wait3A_87 = arith.constant 0 : i32
      %dma_wait3A_88 = tpu.memref_slice %arg6[%dma_wait3A_87] : memref<2048xf32, #tpu.memory_space<vmem>> -> memref<2048xf32, #tpu.memory_space<vmem>>
      %dma_wait3A_89 = arith.constant 0 : i32
      %dma_wait3A_90 = tpu.memref_slice %arg2[%add3A_4, %dma_wait3A_89] : memref<64x2048xf32, #tpu.memory_space<hbm>> -> memref<1x2048xf32, #tpu.memory_space<hbm>>
      %dma_wait3A_91 = tpu.memref_squeeze %dma_wait3A_90 : memref<1x2048xf32, #tpu.memory_space<hbm>> -> memref<2048xf32, #tpu.memory_space<hbm>>
      tpu.wait_dma2 semaphore(%run_scoped3A : memref<!tpu.dma_semaphore, #tpu.memory_space<semaphore_mem>>) src(%dma_wait3A_91 : memref<2048xf32, #tpu.memory_space<hbm>>) dst(%dma_wait3A_88 : memref<2048xf32, #tpu.memory_space<vmem>>)
      tpu.yield
    }) : () -> ()
    %add3A_5 = arith.constant 32 : i32
    %add3A_6 = arith.addi %add3A_5, %mul3A_2 : i32
    %add3A_7 = arith.constant 0 : i32
    %add3A_8 = arith.addi %add3A_6, %add3A_7 : i32
    "tpu.region"() ({
      %run_scoped3A = tpu.sem_alloc : memref<!tpu.dma_semaphore, #tpu.memory_space<semaphore_mem>>
      %dma_start3A = arith.constant 0 : i32
      %dma_start3A_74 = tpu.memref_slice %arg7[%dma_start3A] : memref<2048xf32, #tpu.memory_space<vmem>> -> memref<2048xf32, #tpu.memory_space<vmem>>
      %dma_start3A_75 = arith.constant 0 : i32
      %dma_start3A_76 = tpu.memref_slice %arg2[%add3A_8, %dma_start3A_75] : memref<64x2048xf32, #tpu.memory_space<hbm>> -> memref<1x2048xf32, #tpu.memory_space<hbm>>
      %dma_start3A_77 = tpu.memref_squeeze %dma_start3A_76 : memref<1x2048xf32, #tpu.memory_space<hbm>> -> memref<2048xf32, #tpu.memory_space<hbm>>
      %dma_start3A_78 = arith.constant 0 : i32
      %dma_start3A_79 = tpu.memref_slice %arg7[%dma_start3A_78] : memref<2048xf32, #tpu.memory_space<vmem>> -> memref<2048xf32, #tpu.memory_space<vmem>>
      %dma_start3A_80 = arith.constant 0 : i32
      %dma_start3A_81 = tpu.memref_slice %arg2[%add3A_8, %dma_start3A_80] : memref<64x2048xf32, #tpu.memory_space<hbm>> -> memref<1x2048xf32, #tpu.memory_space<hbm>>
      %dma_start3A_82 = tpu.memref_squeeze %dma_start3A_81 : memref<1x2048xf32, #tpu.memory_space<hbm>> -> memref<2048xf32, #tpu.memory_space<hbm>>
      tpu.enqueue_dma source(%dma_start3A_82 : memref<2048xf32, #tpu.memory_space<hbm>>) target(%dma_start3A_79 : memref<2048xf32, #tpu.memory_space<vmem>>) target_semaphore(%run_scoped3A : memref<!tpu.dma_semaphore, #tpu.memory_space<semaphore_mem>>)
      %dma_wait3A = arith.constant 0 : i32
      %dma_wait3A_83 = tpu.memref_slice %arg7[%dma_wait3A] : memref<2048xf32, #tpu.memory_space<vmem>> -> memref<2048xf32, #tpu.memory_space<vmem>>
      %dma_wait3A_84 = arith.constant 0 : i32
      %dma_wait3A_85 = tpu.memref_slice %arg2[%add3A_8, %dma_wait3A_84] : memref<64x2048xf32, #tpu.memory_space<hbm>> -> memref<1x2048xf32, #tpu.memory_space<hbm>>
      %dma_wait3A_86 = tpu.memref_squeeze %dma_wait3A_85 : memref<1x2048xf32, #tpu.memory_space<hbm>> -> memref<2048xf32, #tpu.memory_space<hbm>>
      %dma_wait3A_87 = arith.constant 0 : i32
      %dma_wait3A_88 = tpu.memref_slice %arg7[%dma_wait3A_87] : memref<2048xf32, #tpu.memory_space<vmem>> -> memref<2048xf32, #tpu.memory_space<vmem>>
      %dma_wait3A_89 = arith.constant 0 : i32
      %dma_wait3A_90 = tpu.memref_slice %arg2[%add3A_8, %dma_wait3A_89] : memref<64x2048xf32, #tpu.memory_space<hbm>> -> memref<1x2048xf32, #tpu.memory_space<hbm>>
      %dma_wait3A_91 = tpu.memref_squeeze %dma_wait3A_90 : memref<1x2048xf32, #tpu.memory_space<hbm>> -> memref<2048xf32, #tpu.memory_space<hbm>>
      tpu.wait_dma2 semaphore(%run_scoped3A : memref<!tpu.dma_semaphore, #tpu.memory_space<semaphore_mem>>) src(%dma_wait3A_91 : memref<2048xf32, #tpu.memory_space<hbm>>) dst(%dma_wait3A_88 : memref<2048xf32, #tpu.memory_space<vmem>>)
      tpu.yield
    }) : () -> ()
    "tpu.region"() ({
      %run_scoped3A = tpu.sem_alloc : memref<!tpu.dma_semaphore, #tpu.memory_space<semaphore_mem>>
      tpu.enqueue_dma source(%arg3 : memref<256xi32, #tpu.memory_space<hbm>>) target(%arg8 : memref<256xi32, #tpu.memory_space<vmem>>) target_semaphore(%run_scoped3A : memref<!tpu.dma_semaphore, #tpu.memory_space<semaphore_mem>>)
      tpu.wait_dma2 semaphore(%run_scoped3A : memref<!tpu.dma_semaphore, #tpu.memory_space<semaphore_mem>>) src(%arg3 : memref<256xi32, #tpu.memory_space<hbm>>) dst(%arg8 : memref<256xi32, #tpu.memory_space<vmem>>)
      tpu.yield
    }) : () -> ()
    "tpu.region"() ({
      %run_scoped3A = tpu.sem_alloc : memref<!tpu.dma_semaphore, #tpu.memory_space<semaphore_mem>>
      tpu.enqueue_dma source(%arg4 : memref<12x32xf32, #tpu.memory_space<hbm>>) target(%arg9 : memref<12x32xf32, #tpu.memory_space<vmem>>) target_semaphore(%run_scoped3A : memref<!tpu.dma_semaphore, #tpu.memory_space<semaphore_mem>>)
      tpu.wait_dma2 semaphore(%run_scoped3A : memref<!tpu.dma_semaphore, #tpu.memory_space<semaphore_mem>>) src(%arg4 : memref<12x32xf32, #tpu.memory_space<hbm>>) dst(%arg9 : memref<12x32xf32, #tpu.memory_space<vmem>>)
      tpu.yield
    }) : () -> ()
    %get3A = arith.constant 1 : i32
    %get3A_9 = arith.index_cast %get3A : i32 to index
    %get3A_10 = arith.constant 0 : index
    %get3A_11 = tpu.vector_load %arg9[%get3A_9, %get3A_10] {strides = array<i32>} : memref<12x32xf32, #tpu.memory_space<vmem>>, vector<16xf32>,
    %max3A = arith.constant 0.000000e+00 : f32
    %max3A_12 = vector.broadcast %max3A : f32 to vector<16xf32>
    %max3A_13 = arith.maximumf %max3A_12, %get3A_11 : vector<16xf32>
    %get3A_14 = arith.constant 1 : i32
    %get3A_15 = arith.index_cast %get3A_14 : i32 to index
    %get3A_16 = arith.constant 16 : index
    %get3A_17 = tpu.vector_load %arg9[%get3A_15, %get3A_16] {strides = array<i32>} : memref<12x32xf32, #tpu.memory_space<vmem>>, vector<16xf32>,
    %max3A_18 = arith.constant 0.000000e+00 : f32
    %max3A_19 = vector.broadcast %max3A_18 : f32 to vector<16xf32>
    %max3A_20 = arith.maximumf %max3A_19, %get3A_17 : vector<16xf32>
    %get3A_21 = arith.constant 3 : i32
    %get3A_22 = arith.index_cast %get3A_21 : i32 to index
    %get3A_23 = arith.constant 0 : index
    %get3A_24 = tpu.vector_load %arg9[%get3A_22, %get3A_23] {strides = array<i32>} : memref<12x32xf32, #tpu.memory_space<vmem>>, vector<16xf32>,
    %max3A_25 = arith.constant 0.000000e+00 : f32
    %max3A_26 = vector.broadcast %max3A_25 : f32 to vector<16xf32>
    %max3A_27 = arith.maximumf %max3A_26, %get3A_24 : vector<16xf32>
    %get3A_28 = arith.constant 3 : i32
    %get3A_29 = arith.index_cast %get3A_28 : i32 to index
    %get3A_30 = arith.constant 16 : index
    %get3A_31 = tpu.vector_load %arg9[%get3A_29, %get3A_30] {strides = array<i32>} : memref<12x32xf32, #tpu.memory_space<vmem>>, vector<16xf32>,
    %max3A_32 = arith.constant 0.000000e+00 : f32
    %max3A_33 = vector.broadcast %max3A_32 : f32 to vector<16xf32>
    %max3A_34 = arith.maximumf %max3A_33, %get3A_31 : vector<16xf32>
    %get3A_35 = arith.constant 5 : i32
    %get3A_36 = arith.index_cast %get3A_35 : i32 to index
    %get3A_37 = arith.constant 0 : index
    %get3A_38 = tpu.vector_load %arg9[%get3A_36, %get3A_37] {strides = array<i32>} : memref<12x32xf32, #tpu.memory_space<vmem>>, vector<16xf32>,
    %max3A_39 = arith.constant 0.000000e+00 : f32
    %max3A_40 = vector.broadcast %max3A_39 : f32 to vector<16xf32>
    %max3A_41 = arith.maximumf %max3A_40, %get3A_38 : vector<16xf32>
    %get3A_42 = arith.constant 5 : i32
    %get3A_43 = arith.index_cast %get3A_42 : i32 to index
    %get3A_44 = arith.constant 16 : index
    %get3A_45 = tpu.vector_load %arg9[%get3A_43, %get3A_44] {strides = array<i32>} : memref<12x32xf32, #tpu.memory_space<vmem>>, vector<16xf32>,
    %max3A_46 = arith.constant 0.000000e+00 : f32
    %max3A_47 = vector.broadcast %max3A_46 : f32 to vector<16xf32>
    %max3A_48 = arith.maximumf %max3A_47, %get3A_45 : vector<16xf32>
    %get3A_49 = arith.constant 7 : i32
    %get3A_50 = arith.index_cast %get3A_49 : i32 to index
    %get3A_51 = arith.constant 0 : index
    %get3A_52 = tpu.vector_load %arg9[%get3A_50, %get3A_51] {strides = array<i32>} : memref<12x32xf32, #tpu.memory_space<vmem>>, vector<16xf32>,
    %max3A_53 = arith.constant 0.000000e+00 : f32
    %max3A_54 = vector.broadcast %max3A_53 : f32 to vector<16xf32>
    %max3A_55 = arith.maximumf %max3A_54, %get3A_52 : vector<16xf32>
    %get3A_56 = arith.constant 7 : i32
    %get3A_57 = arith.index_cast %get3A_56 : i32 to index
    %get3A_58 = arith.constant 16 : index
    %get3A_59 = tpu.vector_load %arg9[%get3A_57, %get3A_58] {strides = array<i32>} : memref<12x32xf32, #tpu.memory_space<vmem>>, vector<16xf32>,
    %max3A_60 = arith.constant 0.000000e+00 : f32
    %max3A_61 = vector.broadcast %max3A_60 : f32 to vector<16xf32>
    %max3A_62 = arith.maximumf %max3A_61, %get3A_59 : vector<16xf32>
    %broadcast_in_dim3A = arith.constant 0.000000e+00 : f32
    %broadcast_in_dim3A_63 = vector.broadcast %broadcast_in_dim3A : f32 to vector<16xf32>
    %iota3A = tpu.iota {dimensions = array<i32: 0>} : vector<16xi32>
    %broadcast_in_dim3A_64 = arith.constant 0 : i32
    %broadcast_in_dim3A_65 = vector.broadcast %broadcast_in_dim3A_64 : i32 to vector<16xi32>
    %scan3A = arith.constant 0 : i32
    %scan3A_66 = arith.constant 0 : i32
    %scan3A_67 = arith.constant 256 : i32
    %scan3A_68 = arith.addi %scan3A_66, %scan3A_67 : i32
    %scan3A_69 = arith.constant 1 : i32
    %scan3A_70 = scf.for %scan3A_74 = %scan3A_66 to %scan3A_68 step %scan3A_69 iter_args(%scan3A_75 = %scan3A) -> (i32)  : i32 {
      %jit3A = arith.constant 16 : i32
      %div3A = arith.divsi %scan3A_74, %jit3A : i32
      %sign3A = arith.constant 0 : i32
      %sign3A_76 = arith.cmpi sgt, %scan3A_74, %sign3A : i32
      %sign3A_77 = arith.extui %sign3A_76 : i1 to i32
      %sign3A_78 = arith.constant 0 : i32
      %sign3A_79 = arith.cmpi slt, %scan3A_74, %sign3A_78 : i32
      %sign3A_80 = arith.extui %sign3A_79 : i1 to i32
      %sign3A_81 = arith.subi %sign3A_77, %sign3A_80 : i32
      %sign3A_82 = arith.constant 0 : i32
      %sign3A_83 = arith.cmpi sgt, %jit3A, %sign3A_82 : i32
      %sign3A_84 = arith.extui %sign3A_83 : i1 to i32
      %sign3A_85 = arith.constant 0 : i32
      %sign3A_86 = arith.cmpi slt, %jit3A, %sign3A_85 : i32
      %sign3A_87 = arith.extui %sign3A_86 : i1 to i32
      %sign3A_88 = arith.subi %sign3A_84, %sign3A_87 : i32
      %ne3A = arith.cmpi ne, %sign3A_81, %sign3A_88 : i32
      %rem3A = arith.remsi %scan3A_74, %jit3A : i32
      %ne3A_89 = arith.constant 0 : i32
      %ne3A_90 = arith.cmpi ne, %rem3A, %ne3A_89 : i32
      %and3A = arith.andi %ne3A, %ne3A_90 : i1
      %sub3A = arith.constant 1 : i32
      %sub3A_91 = arith.subi %div3A, %sub3A : i32
      %select_n3A = arith.select %and3A, %sub3A_91, %div3A : i32
      %mul3A_92 = arith.constant 16 : i32
      %mul3A_93 = arith.muli %select_n3A, %mul3A_92 : i32
      %get3A_94 = arith.index_cast %mul3A_93 : i32 to index
      %get3A_95 = tpu.vector_load %arg8[%get3A_94] {strides = array<i32>} : memref<256xi32, #tpu.memory_space<vmem>>, vector<16xi32>,
      %sub3A_96 = arith.subi %scan3A_74, %mul3A_93 : i32
      %eq3A = vector.broadcast %sub3A_96 : i32 to vector<16xi32>
      %eq3A_97 = arith.cmpi eq, %iota3A, %eq3A : vector<16xi32>
      %convert_element_type3A = arith.sitofp %get3A_95 : vector<16xi32> to vector<16xf32>
      %jit3A_98 = arith.constant 0.000000e+00 : f32
      %broadcast_in_dim3A_99 = vector.broadcast %jit3A_98 : f32 to vector<16xf32>
      %select_n3A_100 = arith.select %eq3A_97, %convert_element_type3A, %broadcast_in_dim3A_99 : vector<16xi1>, vector<16xf32>
      %reduce_sum3A = arith.constant true
      %reduce_sum3A_101 = vector.broadcast %reduce_sum3A : i1 to vector<16xi1>
      %reduce_sum3A_102 = tpu.scan <sum>, %select_n3A_100 masked %reduce_sum3A_101 : vector<16xf32>, vector<16xi1> -> vector<16xf32>
      %reduce_sum3A_103 = vector.extract %reduce_sum3A_102[15] : f32 from vector<16xf32>
      %convert_element_type3A_104 = arith.fptosi %reduce_sum3A_103 : f32 to i32
      %while3A = arith.subi %convert_element_type3A_104, %scan3A_75 : i32
      %while3A_105 = arith.addi %scan3A_75, %while3A : i32
      %while3A_106 = arith.constant 1 : i32
      %while3A_107 = arith.divsi %while3A, %while3A_106 : i32
      %while3A_108 = arith.muli %while3A_107, %while3A_106 : i32
      %while3A_109 = arith.addi %scan3A_75, %while3A_108 : i32
      %while3A_110 = arith.constant 1 : i32
      %while3A_111:8 = scf.for %while3A_177 = %scan3A_75 to %while3A_109 step %while3A_110 iter_args(%while3A_178 = %broadcast_in_dim3A_63, %while3A_179 = %broadcast_in_dim3A_63, %while3A_180 = %broadcast_in_dim3A_63, %while3A_181 = %broadcast_in_dim3A_63, %while3A_182 = %broadcast_in_dim3A_63, %while3A_183 = %broadcast_in_dim3A_63, %while3A_184 = %broadcast_in_dim3A_63, %while3A_185 = %broadcast_in_dim3A_63) -> (vector<16xf32>, vector<16xf32>, vector<16xf32>, vector<16xf32>, vector<16xf32>, vector<16xf32>, vector<16xf32>, vector<16xf32>)  : i32 {
        %jit3A_186 = arith.constant 16 : i32
        %div3A_187 = arith.divsi %while3A_177, %jit3A_186 : i32
        %sign3A_188 = arith.constant 0 : i32
        %sign3A_189 = arith.cmpi sgt, %while3A_177, %sign3A_188 : i32
        %sign3A_190 = arith.extui %sign3A_189 : i1 to i32
        %sign3A_191 = arith.constant 0 : i32
        %sign3A_192 = arith.cmpi slt, %while3A_177, %sign3A_191 : i32
        %sign3A_193 = arith.extui %sign3A_192 : i1 to i32
        %sign3A_194 = arith.subi %sign3A_190, %sign3A_193 : i32
        %sign3A_195 = arith.constant 0 : i32
        %sign3A_196 = arith.cmpi sgt, %jit3A_186, %sign3A_195 : i32
        %sign3A_197 = arith.extui %sign3A_196 : i1 to i32
        %sign3A_198 = arith.constant 0 : i32
        %sign3A_199 = arith.cmpi slt, %jit3A_186, %sign3A_198 : i32
        %sign3A_200 = arith.extui %sign3A_199 : i1 to i32
        %sign3A_201 = arith.subi %sign3A_197, %sign3A_200 : i32
        %ne3A_202 = arith.cmpi ne, %sign3A_194, %sign3A_201 : i32
        %rem3A_203 = arith.remsi %while3A_177, %jit3A_186 : i32
        %ne3A_204 = arith.constant 0 : i32
        %ne3A_205 = arith.cmpi ne, %rem3A_203, %ne3A_204 : i32
        %and3A_206 = arith.andi %ne3A_202, %ne3A_205 : i1
        %sub3A_207 = arith.constant 1 : i32
        %sub3A_208 = arith.subi %div3A_187, %sub3A_207 : i32
        %select_n3A_209 = arith.select %and3A_206, %sub3A_208, %div3A_187 : i32
        %mul3A_210 = arith.constant 16 : i32
        %mul3A_211 = arith.muli %select_n3A_209, %mul3A_210 : i32
        %sub3A_212 = arith.subi %while3A_177, %mul3A_211 : i32
        %add3A_213 = vector.broadcast %sub3A_212 : i32 to vector<16xi32>
        %add3A_214 = arith.addi %broadcast_in_dim3A_65, %add3A_213 : vector<16xi32>
        %add3A_215 = arith.constant 0 : i32
        %add3A_216 = arith.addi %add3A_215, %mul3A_211 : i32
        %get3A_217 = arith.index_cast %add3A_216 : i32 to index
        %get3A_218 = tpu.vector_load %arg6[%get3A_217] {strides = array<i32>} : memref<2048xf32, #tpu.memory_space<vmem>>, vector<16xf32>,
        %broadcast_in_dim3A_219 = vector.shape_cast %add3A_214 : vector<16xi32> to vector<16x1xi32>
        %gather3A = vector.shape_cast %broadcast_in_dim3A_219 : vector<16x1xi32> to vector<16xi32>
        %gather3A_220 = tpu.dynamic_gather %get3A_218[%gather3A] in [0] : vector<16xf32>, vector<16xi32> -> vector<16xf32>
        %add3A_221 = arith.constant 0 : i32
        %add3A_222 = arith.addi %add3A_221, %mul3A_211 : i32
        %get3A_223 = arith.index_cast %add3A_222 : i32 to index
        %get3A_224 = tpu.vector_load %arg7[%get3A_223] {strides = array<i32>} : memref<2048xf32, #tpu.memory_space<vmem>>, vector<16xf32>,
        %broadcast_in_dim3A_225 = vector.shape_cast %add3A_214 : vector<16xi32> to vector<16x1xi32>
        %gather3A_226 = vector.shape_cast %broadcast_in_dim3A_225 : vector<16x1xi32> to vector<16xi32>
        %gather3A_227 = tpu.dynamic_gather %get3A_224[%gather3A_226] in [0] : vector<16xf32>, vector<16xi32> -> vector<16xf32>
        %mul3A_228 = arith.mulf %max3A_13, %gather3A_220 : vector<16xf32>
        %exp3A = math.exp %mul3A_228 : vector<16xf32>
        %add3A_229 = arith.addf %while3A_178, %exp3A : vector<16xf32>
        %mul3A_230 = arith.mulf %max3A_20, %gather3A_220 : vector<16xf32>
        %exp3A_231 = math.exp %mul3A_230 : vector<16xf32>
        %add3A_232 = arith.addf %while3A_179, %exp3A_231 : vector<16xf32>
        %mul3A_233 = arith.mulf %max3A_27, %gather3A_227 : vector<16xf32>
        %exp3A_234 = math.exp %mul3A_233 : vector<16xf32>
        %add3A_235 = arith.addf %while3A_180, %exp3A_234 : vector<16xf32>
        %mul3A_236 = arith.mulf %max3A_34, %gather3A_227 : vector<16xf32>
        %exp3A_237 = math.exp %mul3A_236 : vector<16xf32>
        %add3A_238 = arith.addf %while3A_181, %exp3A_237 : vector<16xf32>
        %mul3A_239 = arith.mulf %max3A_41, %gather3A_220 : vector<16xf32>
        %exp3A_240 = math.exp %mul3A_239 : vector<16xf32>
        %add3A_241 = arith.addf %while3A_182, %exp3A_240 : vector<16xf32>
        %mul3A_242 = arith.mulf %max3A_48, %gather3A_220 : vector<16xf32>
        %exp3A_243 = math.exp %mul3A_242 : vector<16xf32>
        %add3A_244 = arith.addf %while3A_183, %exp3A_243 : vector<16xf32>
        %mul3A_245 = arith.mulf %max3A_55, %gather3A_227 : vector<16xf32>
        %exp3A_246 = math.exp %mul3A_245 : vector<16xf32>
        %add3A_247 = arith.addf %while3A_184, %exp3A_246 : vector<16xf32>
        %mul3A_248 = arith.mulf %max3A_62, %gather3A_227 : vector<16xf32>
        %exp3A_249 = math.exp %mul3A_248 : vector<16xf32>
        %add3A_250 = arith.addf %while3A_185, %exp3A_249 : vector<16xf32>
        scf.yield %add3A_229, %add3A_232, %add3A_235, %add3A_238, %add3A_241, %add3A_244, %add3A_247, %add3A_250 : vector<16xf32>, vector<16xf32>, vector<16xf32>, vector<16xf32>, vector<16xf32>, vector<16xf32>, vector<16xf32>, vector<16xf32>
      }
      %while3A_112 = arith.constant 1 : i32
      %while3A_113:8 = scf.for %while3A_177 = %while3A_109 to %while3A_105 step %while3A_112 iter_args(%while3A_178 = %while3A_111#0, %while3A_179 = %while3A_111#1, %while3A_180 = %while3A_111#2, %while3A_181 = %while3A_111#3, %while3A_182 = %while3A_111#4, %while3A_183 = %while3A_111#5, %while3A_184 = %while3A_111#6, %while3A_185 = %while3A_111#7) -> (vector<16xf32>, vector<16xf32>, vector<16xf32>, vector<16xf32>, vector<16xf32>, vector<16xf32>, vector<16xf32>, vector<16xf32>)  : i32 {
        %jit3A_186 = arith.constant 16 : i32
        %div3A_187 = arith.divsi %while3A_177, %jit3A_186 : i32
        %sign3A_188 = arith.constant 0 : i32
        %sign3A_189 = arith.cmpi sgt, %while3A_177, %sign3A_188 : i32
        %sign3A_190 = arith.extui %sign3A_189 : i1 to i32
        %sign3A_191 = arith.constant 0 : i32
        %sign3A_192 = arith.cmpi slt, %while3A_177, %sign3A_191 : i32
        %sign3A_193 = arith.extui %sign3A_192 : i1 to i32
        %sign3A_194 = arith.subi %sign3A_190, %sign3A_193 : i32
        %sign3A_195 = arith.constant 0 : i32
        %sign3A_196 = arith.cmpi sgt, %jit3A_186, %sign3A_195 : i32
        %sign3A_197 = arith.extui %sign3A_196 : i1 to i32
        %sign3A_198 = arith.constant 0 : i32
        %sign3A_199 = arith.cmpi slt, %jit3A_186, %sign3A_198 : i32
        %sign3A_200 = arith.extui %sign3A_199 : i1 to i32
        %sign3A_201 = arith.subi %sign3A_197, %sign3A_200 : i32
        %ne3A_202 = arith.cmpi ne, %sign3A_194, %sign3A_201 : i32
        %rem3A_203 = arith.remsi %while3A_177, %jit3A_186 : i32
        %ne3A_204 = arith.constant 0 : i32
        %ne3A_205 = arith.cmpi ne, %rem3A_203, %ne3A_204 : i32
        %and3A_206 = arith.andi %ne3A_202, %ne3A_205 : i1
        %sub3A_207 = arith.constant 1 : i32
        %sub3A_208 = arith.subi %div3A_187, %sub3A_207 : i32
        %select_n3A_209 = arith.select %and3A_206, %sub3A_208, %div3A_187 : i32
        %mul3A_210 = arith.constant 16 : i32
        %mul3A_211 = arith.muli %select_n3A_209, %mul3A_210 : i32
        %sub3A_212 = arith.subi %while3A_177, %mul3A_211 : i32
        %add3A_213 = vector.broadcast %sub3A_212 : i32 to vector<16xi32>
        %add3A_214 = arith.addi %broadcast_in_dim3A_65, %add3A_213 : vector<16xi32>
        %add3A_215 = arith.constant 0 : i32
        %add3A_216 = arith.addi %add3A_215, %mul3A_211 : i32
        %get3A_217 = arith.index_cast %add3A_216 : i32 to index
        %get3A_218 = tpu.vector_load %arg6[%get3A_217] {strides = array<i32>} : memref<2048xf32, #tpu.memory_space<vmem>>, vector<16xf32>,
        %broadcast_in_dim3A_219 = vector.shape_cast %add3A_214 : vector<16xi32> to vector<16x1xi32>
        %gather3A = vector.shape_cast %broadcast_in_dim3A_219 : vector<16x1xi32> to vector<16xi32>
        %gather3A_220 = tpu.dynamic_gather %get3A_218[%gather3A] in [0] : vector<16xf32>, vector<16xi32> -> vector<16xf32>
        %add3A_221 = arith.constant 0 : i32
        %add3A_222 = arith.addi %add3A_221, %mul3A_211 : i32
        %get3A_223 = arith.index_cast %add3A_222 : i32 to index
        %get3A_224 = tpu.vector_load %arg7[%get3A_223] {strides = array<i32>} : memref<2048xf32, #tpu.memory_space<vmem>>, vector<16xf32>,
        %broadcast_in_dim3A_225 = vector.shape_cast %add3A_214 : vector<16xi32> to vector<16x1xi32>
        %gather3A_226 = vector.shape_cast %broadcast_in_dim3A_225 : vector<16x1xi32> to vector<16xi32>
        %gather3A_227 = tpu.dynamic_gather %get3A_224[%gather3A_226] in [0] : vector<16xf32>, vector<16xi32> -> vector<16xf32>
        %mul3A_228 = arith.mulf %max3A_13, %gather3A_220 : vector<16xf32>
        %exp3A = math.exp %mul3A_228 : vector<16xf32>
        %add3A_229 = arith.addf %while3A_178, %exp3A : vector<16xf32>
        %mul3A_230 = arith.mulf %max3A_20, %gather3A_220 : vector<16xf32>
        %exp3A_231 = math.exp %mul3A_230 : vector<16xf32>
        %add3A_232 = arith.addf %while3A_179, %exp3A_231 : vector<16xf32>
        %mul3A_233 = arith.mulf %max3A_27, %gather3A_227 : vector<16xf32>
        %exp3A_234 = math.exp %mul3A_233 : vector<16xf32>
        %add3A_235 = arith.addf %while3A_180, %exp3A_234 : vector<16xf32>
        %mul3A_236 = arith.mulf %max3A_34, %gather3A_227 : vector<16xf32>
        %exp3A_237 = math.exp %mul3A_236 : vector<16xf32>
        %add3A_238 = arith.addf %while3A_181, %exp3A_237 : vector<16xf32>
        %mul3A_239 = arith.mulf %max3A_41, %gather3A_220 : vector<16xf32>
        %exp3A_240 = math.exp %mul3A_239 : vector<16xf32>
        %add3A_241 = arith.addf %while3A_182, %exp3A_240 : vector<16xf32>
        %mul3A_242 = arith.mulf %max3A_48, %gather3A_220 : vector<16xf32>
        %exp3A_243 = math.exp %mul3A_242 : vector<16xf32>
        %add3A_244 = arith.addf %while3A_183, %exp3A_243 : vector<16xf32>
        %mul3A_245 = arith.mulf %max3A_55, %gather3A_227 : vector<16xf32>
        %exp3A_246 = math.exp %mul3A_245 : vector<16xf32>
        %add3A_247 = arith.addf %while3A_184, %exp3A_246 : vector<16xf32>
        %mul3A_248 = arith.mulf %max3A_62, %gather3A_227 : vector<16xf32>
        %exp3A_249 = math.exp %mul3A_248 : vector<16xf32>
        %add3A_250 = arith.addf %while3A_185, %exp3A_249 : vector<16xf32>
        scf.yield %add3A_229, %add3A_232, %add3A_235, %add3A_238, %add3A_241, %add3A_244, %add3A_247, %add3A_250 : vector<16xf32>, vector<16xf32>, vector<16xf32>, vector<16xf32>, vector<16xf32>, vector<16xf32>, vector<16xf32>, vector<16xf32>
      }
      %mul3A_114 = arith.constant 32 : i32
      %mul3A_115 = arith.muli %scan3A_74, %mul3A_114 : i32
      %add3A_116 = arith.constant 0 : i32
      %add3A_117 = arith.addi %add3A_116, %mul3A_115 : i32
      %add3A_118 = arith.constant 0 : i32
      %add3A_119 = arith.addi %add3A_117, %add3A_118 : i32
      %swap3A = arith.index_cast %add3A_119 : i32 to index
      %swap3A_120 = tpu.vector_load %arg10[%swap3A] {strides = array<i32>} : memref<32768xf32, #tpu.memory_space<vmem>>, vector<16xf32>,
      tpu.vector_store %arg10[%swap3A], %while3A_113#0 {strides = array<i32>} : memref<32768xf32, #tpu.memory_space<vmem>>, vector<16xf32>,
      %mul3A_121 = arith.constant 32 : i32
      %mul3A_122 = arith.muli %scan3A_74, %mul3A_121 : i32
      %add3A_123 = arith.constant 0 : i32
      %add3A_124 = arith.addi %add3A_123, %mul3A_122 : i32
      %add3A_125 = arith.constant 16 : i32
      %add3A_126 = arith.addi %add3A_124, %add3A_125 : i32
      %swap3A_127 = arith.index_cast %add3A_126 : i32 to index
      %swap3A_128 = tpu.vector_load %arg10[%swap3A_127] {strides = array<i32>} : memref<32768xf32, #tpu.memory_space<vmem>>, vector<16xf32>,
      tpu.vector_store %arg10[%swap3A_127], %while3A_113#1 {strides = array<i32>} : memref<32768xf32, #tpu.memory_space<vmem>>, vector<16xf32>,
      %mul3A_129 = arith.constant 32 : i32
      %mul3A_130 = arith.muli %scan3A_74, %mul3A_129 : i32
      %add3A_131 = arith.constant 8192 : i32
      %add3A_132 = arith.addi %add3A_131, %mul3A_130 : i32
      %add3A_133 = arith.constant 0 : i32
      %add3A_134 = arith.addi %add3A_132, %add3A_133 : i32
      %swap3A_135 = arith.index_cast %add3A_134 : i32 to index
      %swap3A_136 = tpu.vector_load %arg10[%swap3A_135] {strides = array<i32>} : memref<32768xf32, #tpu.memory_space<vmem>>, vector<16xf32>,
      tpu.vector_store %arg10[%swap3A_135], %while3A_113#2 {strides = array<i32>} : memref<32768xf32, #tpu.memory_space<vmem>>, vector<16xf32>,
      %mul3A_137 = arith.constant 32 : i32
      %mul3A_138 = arith.muli %scan3A_74, %mul3A_137 : i32
      %add3A_139 = arith.constant 8192 : i32
      %add3A_140 = arith.addi %add3A_139, %mul3A_138 : i32
      %add3A_141 = arith.constant 16 : i32
      %add3A_142 = arith.addi %add3A_140, %add3A_141 : i32
      %swap3A_143 = arith.index_cast %add3A_142 : i32 to index
      %swap3A_144 = tpu.vector_load %arg10[%swap3A_143] {strides = array<i32>} : memref<32768xf32, #tpu.memory_space<vmem>>, vector<16xf32>,
      tpu.vector_store %arg10[%swap3A_143], %while3A_113#3 {strides = array<i32>} : memref<32768xf32, #tpu.memory_space<vmem>>, vector<16xf32>,
      %mul3A_145 = arith.constant 32 : i32
      %mul3A_146 = arith.muli %scan3A_74, %mul3A_145 : i32
      %add3A_147 = arith.constant 16384 : i32
      %add3A_148 = arith.addi %add3A_147, %mul3A_146 : i32
      %add3A_149 = arith.constant 0 : i32
      %add3A_150 = arith.addi %add3A_148, %add3A_149 : i32
      %swap3A_151 = arith.index_cast %add3A_150 : i32 to index
      %swap3A_152 = tpu.vector_load %arg10[%swap3A_151] {strides = array<i32>} : memref<32768xf32, #tpu.memory_space<vmem>>, vector<16xf32>,
      tpu.vector_store %arg10[%swap3A_151], %while3A_113#4 {strides = array<i32>} : memref<32768xf32, #tpu.memory_space<vmem>>, vector<16xf32>,
      %mul3A_153 = arith.constant 32 : i32
      %mul3A_154 = arith.muli %scan3A_74, %mul3A_153 : i32
      %add3A_155 = arith.constant 16384 : i32
      %add3A_156 = arith.addi %add3A_155, %mul3A_154 : i32
      %add3A_157 = arith.constant 16 : i32
      %add3A_158 = arith.addi %add3A_156, %add3A_157 : i32
      %swap3A_159 = arith.index_cast %add3A_158 : i32 to index
      %swap3A_160 = tpu.vector_load %arg10[%swap3A_159] {strides = array<i32>} : memref<32768xf32, #tpu.memory_space<vmem>>, vector<16xf32>,
      tpu.vector_store %arg10[%swap3A_159], %while3A_113#5 {strides = array<i32>} : memref<32768xf32, #tpu.memory_space<vmem>>, vector<16xf32>,
      %mul3A_161 = arith.constant 32 : i32
      %mul3A_162 = arith.muli %scan3A_74, %mul3A_161 : i32
      %add3A_163 = arith.constant 24576 : i32
      %add3A_164 = arith.addi %add3A_163, %mul3A_162 : i32
      %add3A_165 = arith.constant 0 : i32
      %add3A_166 = arith.addi %add3A_164, %add3A_165 : i32
      %swap3A_167 = arith.index_cast %add3A_166 : i32 to index
      %swap3A_168 = tpu.vector_load %arg10[%swap3A_167] {strides = array<i32>} : memref<32768xf32, #tpu.memory_space<vmem>>, vector<16xf32>,
      tpu.vector_store %arg10[%swap3A_167], %while3A_113#6 {strides = array<i32>} : memref<32768xf32, #tpu.memory_space<vmem>>, vector<16xf32>,
      %mul3A_169 = arith.constant 32 : i32
      %mul3A_170 = arith.muli %scan3A_74, %mul3A_169 : i32
      %add3A_171 = arith.constant 24576 : i32
      %add3A_172 = arith.addi %add3A_171, %mul3A_170 : i32
      %add3A_173 = arith.constant 16 : i32
      %add3A_174 = arith.addi %add3A_172, %add3A_173 : i32
      %swap3A_175 = arith.index_cast %add3A_174 : i32 to index
      %swap3A_176 = tpu.vector_load %arg10[%swap3A_175] {strides = array<i32>} : memref<32768xf32, #tpu.memory_space<vmem>>, vector<16xf32>,
      tpu.vector_store %arg10[%swap3A_175], %while3A_113#7 {strides = array<i32>} : memref<32768xf32, #tpu.memory_space<vmem>>, vector<16xf32>,
      scf.yield %convert_element_type3A_104 : i32
    }
    %scan3A_71 = arith.constant 256 : i32
    %add3A_72 = arith.constant 0 : i32
    %add3A_73 = arith.addi %mul3A_2, %add3A_72 : i32
    "tpu.region"() ({
      %run_scoped3A = tpu.sem_alloc : memref<!tpu.dma_semaphore, #tpu.memory_space<semaphore_mem>>
      %dma_start3A = arith.constant 0 : i32
      %dma_start3A_74 = tpu.memref_slice %arg5[%add3A_73, %dma_start3A] : memref<32x32768xf32, #tpu.memory_space<hbm>> -> memref<1x32768xf32, #tpu.memory_space<hbm>>
      %dma_start3A_75 = tpu.memref_squeeze %dma_start3A_74 : memref<1x32768xf32, #tpu.memory_space<hbm>> -> memref<32768xf32, #tpu.memory_space<hbm>>
      %dma_start3A_76 = arith.constant 0 : i32
      %dma_start3A_77 = tpu.memref_slice %arg5[%add3A_73, %dma_start3A_76] : memref<32x32768xf32, #tpu.memory_space<hbm>> -> memref<1x32768xf32, #tpu.memory_space<hbm>>
      %dma_start3A_78 = tpu.memref_squeeze %dma_start3A_77 : memref<1x32768xf32, #tpu.memory_space<hbm>> -> memref<32768xf32, #tpu.memory_space<hbm>>
      tpu.enqueue_dma source(%arg10 : memref<32768xf32, #tpu.memory_space<vmem>>) target(%dma_start3A_78 : memref<32768xf32, #tpu.memory_space<hbm>>) target_semaphore(%run_scoped3A : memref<!tpu.dma_semaphore, #tpu.memory_space<semaphore_mem>>)
      %dma_wait3A = arith.constant 0 : i32
      %dma_wait3A_79 = tpu.memref_slice %arg5[%add3A_73, %dma_wait3A] : memref<32x32768xf32, #tpu.memory_space<hbm>> -> memref<1x32768xf32, #tpu.memory_space<hbm>>
      %dma_wait3A_80 = tpu.memref_squeeze %dma_wait3A_79 : memref<1x32768xf32, #tpu.memory_space<hbm>> -> memref<32768xf32, #tpu.memory_space<hbm>>
      %dma_wait3A_81 = arith.constant 0 : i32
      %dma_wait3A_82 = tpu.memref_slice %arg5[%add3A_73, %dma_wait3A_81] : memref<32x32768xf32, #tpu.memory_space<hbm>> -> memref<1x32768xf32, #tpu.memory_space<hbm>>
      %dma_wait3A_83 = tpu.memref_squeeze %dma_wait3A_82 : memref<1x32768xf32, #tpu.memory_space<hbm>> -> memref<32768xf32, #tpu.memory_space<hbm>>
      tpu.wait_dma2 semaphore(%run_scoped3A : memref<!tpu.dma_semaphore, #tpu.memory_space<semaphore_mem>>) src(%arg10 : memref<32768xf32, #tpu.memory_space<vmem>>) dst(%dma_wait3A_83 : memref<32768xf32, #tpu.memory_space<hbm>>)
      tpu.yield
    }) : () -> ()
    return
  }
}

module attributes {stable_mosaic.version = 14 : i64} {
  func.func @_tc_fused_kernel(%arg0: i32, %arg1: memref<16x2048xf32, #tpu.memory_space<vmem>>, %arg2: memref<1x2048xi32, #tpu.memory_space<vmem>>, %arg3: memref<12x32xf32, #tpu.memory_space<vmem>>, %arg4: memref<256x16x32xf32, #tpu.memory_space<vmem>>) attributes {dimension_semantics = [#tpu.dimension_semantics<arbitrary>], iteration_bounds = array<i64: 6>, scalar_prefetch = 0 : i64, scratch_operands = 0 : i64, tpu.core_type = #tpu.core_type<tc>, window_params = [{transform_indices = @transform_0, window_bounds = array<i64: 16, 2048>}, {pipeline_mode = #tpu.pipeline_mode<synchronous>, transform_indices = @transform_1, window_bounds = array<i64: 1, 2048>}, {pipeline_mode = #tpu.pipeline_mode<synchronous>, transform_indices = @transform_2, window_bounds = array<i64: 12, 32>}, {transform_indices = @transform_3, window_bounds = array<i64: 256, 16, 32>}]} {
    %get3A = arith.constant 1 : index
    %get3A_0 = arith.constant 0 : index
    %get3A_1 = vector.load %arg3[%get3A, %get3A_0] : memref<12x32xf32, #tpu.memory_space<vmem>>, vector<1x32xf32>
    %transpose3A = tpu.transpose %get3A_1, [1, 0] : vector<1x32xf32> -> vector<32x1xf32>
    %max3A = arith.constant 0.000000e+00 : f32
    %max3A_2 = vector.broadcast %max3A : f32 to vector<32x1xf32>
    %max3A_3 = arith.maximumf %max3A_2, %transpose3A : vector<32x1xf32>
    %get3A_4 = arith.constant 3 : index
    %get3A_5 = arith.constant 0 : index
    %get3A_6 = vector.load %arg3[%get3A_4, %get3A_5] : memref<12x32xf32, #tpu.memory_space<vmem>>, vector<1x32xf32>
    %transpose3A_7 = tpu.transpose %get3A_6, [1, 0] : vector<1x32xf32> -> vector<32x1xf32>
    %max3A_8 = arith.constant 0.000000e+00 : f32
    %max3A_9 = vector.broadcast %max3A_8 : f32 to vector<32x1xf32>
    %max3A_10 = arith.maximumf %max3A_9, %transpose3A_7 : vector<32x1xf32>
    %get3A_11 = arith.constant 5 : index
    %get3A_12 = arith.constant 0 : index
    %get3A_13 = vector.load %arg3[%get3A_11, %get3A_12] : memref<12x32xf32, #tpu.memory_space<vmem>>, vector<1x32xf32>
    %transpose3A_14 = tpu.transpose %get3A_13, [1, 0] : vector<1x32xf32> -> vector<32x1xf32>
    %max3A_15 = arith.constant 0.000000e+00 : f32
    %max3A_16 = vector.broadcast %max3A_15 : f32 to vector<32x1xf32>
    %max3A_17 = arith.maximumf %max3A_16, %transpose3A_14 : vector<32x1xf32>
    %get3A_18 = arith.constant 7 : index
    %get3A_19 = arith.constant 0 : index
    %get3A_20 = vector.load %arg3[%get3A_18, %get3A_19] : memref<12x32xf32, #tpu.memory_space<vmem>>, vector<1x32xf32>
    %transpose3A_21 = tpu.transpose %get3A_20, [1, 0] : vector<1x32xf32> -> vector<32x1xf32>
    %max3A_22 = arith.constant 0.000000e+00 : f32
    %max3A_23 = vector.broadcast %max3A_22 : f32 to vector<32x1xf32>
    %max3A_24 = arith.maximumf %max3A_23, %transpose3A_21 : vector<32x1xf32>
    %concatenate3A = tpu.concatenate %max3A_3, %max3A_10, %max3A_17, %max3A_24 in 0 : vector<32x1xf32>, vector<32x1xf32>, vector<32x1xf32>, vector<32x1xf32> -> vector<128x1xf32>
    %get3A_25 = arith.constant 0 : index
    %get3A_26 = arith.constant 0 : index
    %get3A_27 = vector.load %arg3[%get3A_25, %get3A_26] : memref<12x32xf32, #tpu.memory_space<vmem>>, vector<1x32xf32>
    %transpose3A_28 = tpu.transpose %get3A_27, [1, 0] : vector<1x32xf32> -> vector<32x1xf32>
    %max3A_29 = arith.constant 0.000000e+00 : f32
    %max3A_30 = vector.broadcast %max3A_29 : f32 to vector<32x1xf32>
    %max3A_31 = arith.maximumf %max3A_30, %transpose3A_28 : vector<32x1xf32>
    %get3A_32 = arith.constant 2 : index
    %get3A_33 = arith.constant 0 : index
    %get3A_34 = vector.load %arg3[%get3A_32, %get3A_33] : memref<12x32xf32, #tpu.memory_space<vmem>>, vector<1x32xf32>
    %transpose3A_35 = tpu.transpose %get3A_34, [1, 0] : vector<1x32xf32> -> vector<32x1xf32>
    %max3A_36 = arith.constant 0.000000e+00 : f32
    %max3A_37 = vector.broadcast %max3A_36 : f32 to vector<32x1xf32>
    %max3A_38 = arith.maximumf %max3A_37, %transpose3A_35 : vector<32x1xf32>
    %get3A_39 = arith.constant 4 : index
    %get3A_40 = arith.constant 0 : index
    %get3A_41 = vector.load %arg3[%get3A_39, %get3A_40] : memref<12x32xf32, #tpu.memory_space<vmem>>, vector<1x32xf32>
    %transpose3A_42 = tpu.transpose %get3A_41, [1, 0] : vector<1x32xf32> -> vector<32x1xf32>
    %max3A_43 = arith.constant 0.000000e+00 : f32
    %max3A_44 = vector.broadcast %max3A_43 : f32 to vector<32x1xf32>
    %max3A_45 = arith.maximumf %max3A_44, %transpose3A_42 : vector<32x1xf32>
    %get3A_46 = arith.constant 6 : index
    %get3A_47 = arith.constant 0 : index
    %get3A_48 = vector.load %arg3[%get3A_46, %get3A_47] : memref<12x32xf32, #tpu.memory_space<vmem>>, vector<1x32xf32>
    %transpose3A_49 = tpu.transpose %get3A_48, [1, 0] : vector<1x32xf32> -> vector<32x1xf32>
    %max3A_50 = arith.constant 0.000000e+00 : f32
    %max3A_51 = vector.broadcast %max3A_50 : f32 to vector<32x1xf32>
    %max3A_52 = arith.maximumf %max3A_51, %transpose3A_49 : vector<32x1xf32>
    %concatenate3A_53 = tpu.concatenate %max3A_31, %max3A_38, %max3A_45, %max3A_52 in 0 : vector<32x1xf32>, vector<32x1xf32>, vector<32x1xf32>, vector<32x1xf32> -> vector<128x1xf32>
    %get3A_54 = arith.constant 8 : index
    %get3A_55 = arith.constant 0 : index
    %get3A_56 = vector.load %arg3[%get3A_54, %get3A_55] : memref<12x32xf32, #tpu.memory_space<vmem>>, vector<1x32xf32>
    %transpose3A_57 = tpu.transpose %get3A_56, [1, 0] : vector<1x32xf32> -> vector<32x1xf32>
    %get3A_58 = arith.constant 9 : index
    %get3A_59 = arith.constant 0 : index
    %get3A_60 = vector.load %arg3[%get3A_58, %get3A_59] : memref<12x32xf32, #tpu.memory_space<vmem>>, vector<1x32xf32>
    %transpose3A_61 = tpu.transpose %get3A_60, [1, 0] : vector<1x32xf32> -> vector<32x1xf32>
    %get3A_62 = arith.constant 10 : index
    %get3A_63 = arith.constant 0 : index
    %get3A_64 = vector.load %arg3[%get3A_62, %get3A_63] : memref<12x32xf32, #tpu.memory_space<vmem>>, vector<1x32xf32>
    %transpose3A_65 = tpu.transpose %get3A_64, [1, 0] : vector<1x32xf32> -> vector<32x1xf32>
    %get3A_66 = arith.constant 11 : index
    %get3A_67 = arith.constant 0 : index
    %get3A_68 = vector.load %arg3[%get3A_66, %get3A_67] : memref<12x32xf32, #tpu.memory_space<vmem>>, vector<1x32xf32>
    %transpose3A_69 = tpu.transpose %get3A_68, [1, 0] : vector<1x32xf32> -> vector<32x1xf32>
    %concatenate3A_70 = tpu.concatenate %transpose3A_57, %transpose3A_61, %transpose3A_65, %transpose3A_69 in 0 : vector<32x1xf32>, vector<32x1xf32>, vector<32x1xf32>, vector<32x1xf32> -> vector<128x1xf32>
    %get3A_71 = arith.constant 0 : index
    %get3A_72 = arith.constant 0 : index
    %get3A_73 = vector.load %arg2[%get3A_71, %get3A_72] : memref<1x2048xi32, #tpu.memory_space<vmem>>, vector<1x2048xi32>
    %transpose3A_74 = tpu.transpose %get3A_73, [1, 0] : vector<1x2048xi32> -> vector<2048x1xi32>
    %iota3A = tpu.iota {dimensions = array<i32: 1>} : vector<2048x256xi32>
    %eq3A = vector.broadcast %transpose3A_74 : vector<2048x1xi32> to vector<2048x256xi32>
    %eq3A_75 = arith.cmpi eq, %eq3A, %iota3A : vector<2048x256xi32>
    %convert_element_type3A = arith.extui %eq3A_75 : vector<2048x256xi1> to vector<2048x256xi32>
    %convert_element_type3A_76 = arith.sitofp %convert_element_type3A : vector<2048x256xi32> to vector<2048x256xf32>
    %get3A_77 = arith.constant 0 : index
    %get3A_78 = arith.constant 0 : index
    %get3A_79 = vector.load %arg1[%get3A_77, %get3A_78] : memref<16x2048xf32, #tpu.memory_space<vmem>>, vector<1x2048xf32>
    %jit3A = arith.constant 1.000000e-07 : f32
    %jit3A_80 = arith.constant 0.99999988 : f32
    %max3A_81 = vector.broadcast %jit3A : f32 to vector<1x2048xf32>
    %max3A_82 = arith.maximumf %max3A_81, %get3A_79 : vector<1x2048xf32>
    %min3A = vector.broadcast %jit3A_80 : f32 to vector<1x2048xf32>
    %min3A_83 = arith.minimumf %min3A, %max3A_82 : vector<1x2048xf32>
    %log3A = math.log %min3A_83 : vector<1x2048xf32>
    %sub3A = arith.constant 1.000000e+00 : f32
    %sub3A_84 = vector.broadcast %sub3A : f32 to vector<1x2048xf32>
    %sub3A_85 = arith.subf %sub3A_84, %min3A_83 : vector<1x2048xf32>
    %log3A_86 = math.log %sub3A_85 : vector<1x2048xf32>
    %broadcast_in_dim3A = vector.shape_cast %log3A : vector<1x2048xf32> to vector<1x2048xf32>
    %broadcast_in_dim3A_87 = vector.broadcast %broadcast_in_dim3A : vector<1x2048xf32> to vector<32x2048xf32>
    %broadcast_in_dim3A_88 = vector.shape_cast %log3A_86 : vector<1x2048xf32> to vector<1x2048xf32>
    %broadcast_in_dim3A_89 = vector.broadcast %broadcast_in_dim3A_88 : vector<1x2048xf32> to vector<32x2048xf32>
    %concatenate3A_90 = tpu.concatenate %broadcast_in_dim3A_87, %broadcast_in_dim3A_89, %broadcast_in_dim3A_87, %broadcast_in_dim3A_89 in 0 : vector<32x2048xf32>, vector<32x2048xf32>, vector<32x2048xf32>, vector<32x2048xf32> -> vector<128x2048xf32>
    %mul3A = vector.broadcast %concatenate3A : vector<128x1xf32> to vector<128x2048xf32>
    %mul3A_91 = arith.mulf %mul3A, %concatenate3A_90 : vector<128x2048xf32>
    %exp3A = math.exp %mul3A_91 : vector<128x2048xf32>
    %dot_general3A = arith.constant dense<0.000000e+00> : vector<128x256xf32>
    %dot_general3A_92 = tpu.matmul %exp3A, %convert_element_type3A_76, %dot_general3A {dimension_numbers = #tpu.dot_dimension_numbers<[1], [0], [0], [1], [0, 0, 1, 1], [], []>, transpose_lhs_hint = false} : vector<128x2048xf32>, vector<2048x256xf32>, vector<128x256xf32> -> vector<128x256xf32>
    %max3A_93 = arith.constant 1.000000e-07 : f32
    %max3A_94 = vector.broadcast %max3A_93 : f32 to vector<128x256xf32>
    %max3A_95 = arith.maximumf %dot_general3A_92, %max3A_94 : vector<128x256xf32>
    %log3A_96 = math.log %max3A_95 : vector<128x256xf32>
    %mul3A_97 = vector.broadcast %concatenate3A_53 : vector<128x1xf32> to vector<128x256xf32>
    %mul3A_98 = arith.mulf %mul3A_97, %log3A_96 : vector<128x256xf32>
    %exp3A_99 = math.exp %mul3A_98 : vector<128x256xf32>
    %mul3A_100 = vector.broadcast %concatenate3A_70 : vector<128x1xf32> to vector<128x256xf32>
    %mul3A_101 = arith.mulf %exp3A_99, %mul3A_100 : vector<128x256xf32>
    %slice3A = vector.extract_strided_slice %mul3A_101 {offsets = [0, 0], sizes = [32, 256], strides = [1, 1]} : vector<128x256xf32> to vector<32x256xf32>
    %slice3A_102 = vector.extract_strided_slice %mul3A_101 {offsets = [32, 0], sizes = [32, 256], strides = [1, 1]} : vector<128x256xf32> to vector<32x256xf32>
    %add3A = arith.addf %slice3A, %slice3A_102 : vector<32x256xf32>
    %slice3A_103 = vector.extract_strided_slice %mul3A_101 {offsets = [64, 0], sizes = [32, 256], strides = [1, 1]} : vector<128x256xf32> to vector<32x256xf32>
    %slice3A_104 = vector.extract_strided_slice %mul3A_101 {offsets = [96, 0], sizes = [32, 256], strides = [1, 1]} : vector<128x256xf32> to vector<32x256xf32>
    %add3A_105 = arith.addf %slice3A_103, %slice3A_104 : vector<32x256xf32>
    %sign3A = tpu.bitcast %add3A_105 : vector<32x256xf32> -> vector<32x256xi32>
    %sign3A_106 = arith.constant -2147483648 : i32
    %sign3A_107 = vector.broadcast %sign3A_106 : i32 to vector<32x256xi32>
    %sign3A_108 = arith.andi %sign3A, %sign3A_107 : vector<32x256xi32>
    %sign3A_109 = arith.constant 1065353216 : i32
    %sign3A_110 = vector.broadcast %sign3A_109 : i32 to vector<32x256xi32>
    %sign3A_111 = arith.ori %sign3A_110, %sign3A_108 : vector<32x256xi32>
    %sign3A_112 = tpu.bitcast %sign3A_111 : vector<32x256xi32> -> vector<32x256xf32>
    %sign3A_113 = math.absf %add3A_105 : vector<32x256xf32>
    %sign3A_114 = arith.constant 0.000000e+00 : f32
    %sign3A_115 = vector.broadcast %sign3A_114 : f32 to vector<32x256xf32>
    %sign3A_116 = arith.cmpf ogt, %sign3A_113, %sign3A_115 : vector<32x256xf32>
    %sign3A_117 = arith.select %sign3A_116, %sign3A_112, %add3A_105 : vector<32x256xi1>, vector<32x256xf32>
    %max3A_118 = arith.constant 0.000000e+00 : f32
    %max3A_119 = vector.broadcast %max3A_118 : f32 to vector<32x256xf32>
    %max3A_120 = arith.maximumf %max3A_119, %sign3A_117 : vector<32x256xf32>
    %mul3A_121 = arith.constant 2.000000e+00 : f32
    %mul3A_122 = vector.broadcast %mul3A_121 : f32 to vector<32x256xf32>
    %mul3A_123 = arith.mulf %mul3A_122, %max3A_120 : vector<32x256xf32>
    %sub3A_124 = arith.constant 1.000000e+00 : f32
    %sub3A_125 = vector.broadcast %sub3A_124 : f32 to vector<32x256xf32>
    %sub3A_126 = arith.subf %mul3A_123, %sub3A_125 : vector<32x256xf32>
    %lt3A = arith.constant 1.000000e-07 : f32
    %lt3A_127 = vector.broadcast %lt3A : f32 to vector<32x256xf32>
    %lt3A_128 = arith.cmpf olt, %add3A_105, %lt3A_127 : vector<32x256xf32>
    %gt3A = arith.constant -1.000000e-07 : f32
    %gt3A_129 = vector.broadcast %gt3A : f32 to vector<32x256xf32>
    %gt3A_130 = arith.cmpf ogt, %add3A_105, %gt3A_129 : vector<32x256xf32>
    %and3A = arith.andi %lt3A_128, %gt3A_130 : vector<32x256xi1>
    %mul3A_131 = arith.constant 1.000000e-07 : f32
    %mul3A_132 = vector.broadcast %mul3A_131 : f32 to vector<32x256xf32>
    %mul3A_133 = arith.mulf %sub3A_126, %mul3A_132 : vector<32x256xf32>
    %select_n3A = arith.select %and3A, %mul3A_133, %add3A_105 : vector<32x256xi1>, vector<32x256xf32>
    %div3A = arith.divf %add3A, %select_n3A : vector<32x256xf32>
    %transpose3A_134 = tpu.transpose %div3A, [1, 0] : vector<32x256xf32> -> vector<256x32xf32>
    %swap3A = arith.constant 0 : index
    %swap3A_135 = arith.constant 0 : index
    %swap3A_136 = arith.constant 0 : index
    %swap3A_137 = vector.load %arg4[%swap3A, %swap3A_135, %swap3A_136] : memref<256x16x32xf32, #tpu.memory_space<vmem>>, vector<256x1x32xf32>
    %swap3A_138 = vector.shape_cast %swap3A_137 : vector<256x1x32xf32> to vector<256x32xf32>
    %swap3A_139 = vector.shape_cast %transpose3A_134 : vector<256x32xf32> to vector<256x1x32xf32>
    tpu.vector_store %arg4[%swap3A, %swap3A_135, %swap3A_136], %swap3A_139 {strides = array<i32>} : memref<256x16x32xf32, #tpu.memory_space<vmem>>, vector<256x1x32xf32>,
    %get3A_140 = arith.constant 1 : index
    %get3A_141 = arith.constant 0 : index
    %get3A_142 = vector.load %arg1[%get3A_140, %get3A_141] : memref<16x2048xf32, #tpu.memory_space<vmem>>, vector<1x2048xf32>
    %jit3A_143 = arith.constant 1.000000e-07 : f32
    %jit3A_144 = arith.constant 0.99999988 : f32
    %max3A_145 = vector.broadcast %jit3A_143 : f32 to vector<1x2048xf32>
    %max3A_146 = arith.maximumf %max3A_145, %get3A_142 : vector<1x2048xf32>
    %min3A_147 = vector.broadcast %jit3A_144 : f32 to vector<1x2048xf32>
    %min3A_148 = arith.minimumf %min3A_147, %max3A_146 : vector<1x2048xf32>
    %log3A_149 = math.log %min3A_148 : vector<1x2048xf32>
    %sub3A_150 = arith.constant 1.000000e+00 : f32
    %sub3A_151 = vector.broadcast %sub3A_150 : f32 to vector<1x2048xf32>
    %sub3A_152 = arith.subf %sub3A_151, %min3A_148 : vector<1x2048xf32>
    %log3A_153 = math.log %sub3A_152 : vector<1x2048xf32>
    %broadcast_in_dim3A_154 = vector.shape_cast %log3A_149 : vector<1x2048xf32> to vector<1x2048xf32>
    %broadcast_in_dim3A_155 = vector.broadcast %broadcast_in_dim3A_154 : vector<1x2048xf32> to vector<32x2048xf32>
    %broadcast_in_dim3A_156 = vector.shape_cast %log3A_153 : vector<1x2048xf32> to vector<1x2048xf32>
    %broadcast_in_dim3A_157 = vector.broadcast %broadcast_in_dim3A_156 : vector<1x2048xf32> to vector<32x2048xf32>
    %concatenate3A_158 = tpu.concatenate %broadcast_in_dim3A_155, %broadcast_in_dim3A_157, %broadcast_in_dim3A_155, %broadcast_in_dim3A_157 in 0 : vector<32x2048xf32>, vector<32x2048xf32>, vector<32x2048xf32>, vector<32x2048xf32> -> vector<128x2048xf32>
    %mul3A_159 = vector.broadcast %concatenate3A : vector<128x1xf32> to vector<128x2048xf32>
    %mul3A_160 = arith.mulf %mul3A_159, %concatenate3A_158 : vector<128x2048xf32>
    %exp3A_161 = math.exp %mul3A_160 : vector<128x2048xf32>
    %dot_general3A_162 = arith.constant dense<0.000000e+00> : vector<128x256xf32>
    %dot_general3A_163 = tpu.matmul %exp3A_161, %convert_element_type3A_76, %dot_general3A_162 {dimension_numbers = #tpu.dot_dimension_numbers<[1], [0], [0], [1], [0, 0, 1, 1], [], []>, transpose_lhs_hint = false} : vector<128x2048xf32>, vector<2048x256xf32>, vector<128x256xf32> -> vector<128x256xf32>
    %max3A_164 = arith.constant 1.000000e-07 : f32
    %max3A_165 = vector.broadcast %max3A_164 : f32 to vector<128x256xf32>
    %max3A_166 = arith.maximumf %dot_general3A_163, %max3A_165 : vector<128x256xf32>
    %log3A_167 = math.log %max3A_166 : vector<128x256xf32>
    %mul3A_168 = vector.broadcast %concatenate3A_53 : vector<128x1xf32> to vector<128x256xf32>
    %mul3A_169 = arith.mulf %mul3A_168, %log3A_167 : vector<128x256xf32>
    %exp3A_170 = math.exp %mul3A_169 : vector<128x256xf32>
    %mul3A_171 = vector.broadcast %concatenate3A_70 : vector<128x1xf32> to vector<128x256xf32>
    %mul3A_172 = arith.mulf %exp3A_170, %mul3A_171 : vector<128x256xf32>
    %slice3A_173 = vector.extract_strided_slice %mul3A_172 {offsets = [0, 0], sizes = [32, 256], strides = [1, 1]} : vector<128x256xf32> to vector<32x256xf32>
    %slice3A_174 = vector.extract_strided_slice %mul3A_172 {offsets = [32, 0], sizes = [32, 256], strides = [1, 1]} : vector<128x256xf32> to vector<32x256xf32>
    %add3A_175 = arith.addf %slice3A_173, %slice3A_174 : vector<32x256xf32>
    %slice3A_176 = vector.extract_strided_slice %mul3A_172 {offsets = [64, 0], sizes = [32, 256], strides = [1, 1]} : vector<128x256xf32> to vector<32x256xf32>
    %slice3A_177 = vector.extract_strided_slice %mul3A_172 {offsets = [96, 0], sizes = [32, 256], strides = [1, 1]} : vector<128x256xf32> to vector<32x256xf32>
    %add3A_178 = arith.addf %slice3A_176, %slice3A_177 : vector<32x256xf32>
    %sign3A_179 = tpu.bitcast %add3A_178 : vector<32x256xf32> -> vector<32x256xi32>
    %sign3A_180 = arith.constant -2147483648 : i32
    %sign3A_181 = vector.broadcast %sign3A_180 : i32 to vector<32x256xi32>
    %sign3A_182 = arith.andi %sign3A_179, %sign3A_181 : vector<32x256xi32>
    %sign3A_183 = arith.constant 1065353216 : i32
    %sign3A_184 = vector.broadcast %sign3A_183 : i32 to vector<32x256xi32>
    %sign3A_185 = arith.ori %sign3A_184, %sign3A_182 : vector<32x256xi32>
    %sign3A_186 = tpu.bitcast %sign3A_185 : vector<32x256xi32> -> vector<32x256xf32>
    %sign3A_187 = math.absf %add3A_178 : vector<32x256xf32>
    %sign3A_188 = arith.constant 0.000000e+00 : f32
    %sign3A_189 = vector.broadcast %sign3A_188 : f32 to vector<32x256xf32>
    %sign3A_190 = arith.cmpf ogt, %sign3A_187, %sign3A_189 : vector<32x256xf32>
    %sign3A_191 = arith.select %sign3A_190, %sign3A_186, %add3A_178 : vector<32x256xi1>, vector<32x256xf32>
    %max3A_192 = arith.constant 0.000000e+00 : f32
    %max3A_193 = vector.broadcast %max3A_192 : f32 to vector<32x256xf32>
    %max3A_194 = arith.maximumf %max3A_193, %sign3A_191 : vector<32x256xf32>
    %mul3A_195 = arith.constant 2.000000e+00 : f32
    %mul3A_196 = vector.broadcast %mul3A_195 : f32 to vector<32x256xf32>
    %mul3A_197 = arith.mulf %mul3A_196, %max3A_194 : vector<32x256xf32>
    %sub3A_198 = arith.constant 1.000000e+00 : f32
    %sub3A_199 = vector.broadcast %sub3A_198 : f32 to vector<32x256xf32>
    %sub3A_200 = arith.subf %mul3A_197, %sub3A_199 : vector<32x256xf32>
    %lt3A_201 = arith.constant 1.000000e-07 : f32
    %lt3A_202 = vector.broadcast %lt3A_201 : f32 to vector<32x256xf32>
    %lt3A_203 = arith.cmpf olt, %add3A_178, %lt3A_202 : vector<32x256xf32>
    %gt3A_204 = arith.constant -1.000000e-07 : f32
    %gt3A_205 = vector.broadcast %gt3A_204 : f32 to vector<32x256xf32>
    %gt3A_206 = arith.cmpf ogt, %add3A_178, %gt3A_205 : vector<32x256xf32>
    %and3A_207 = arith.andi %lt3A_203, %gt3A_206 : vector<32x256xi1>
    %mul3A_208 = arith.constant 1.000000e-07 : f32
    %mul3A_209 = vector.broadcast %mul3A_208 : f32 to vector<32x256xf32>
    %mul3A_210 = arith.mulf %sub3A_200, %mul3A_209 : vector<32x256xf32>
    %select_n3A_211 = arith.select %and3A_207, %mul3A_210, %add3A_178 : vector<32x256xi1>, vector<32x256xf32>
    %div3A_212 = arith.divf %add3A_175, %select_n3A_211 : vector<32x256xf32>
    %transpose3A_213 = tpu.transpose %div3A_212, [1, 0] : vector<32x256xf32> -> vector<256x32xf32>
    %swap3A_214 = arith.constant 0 : index
    %swap3A_215 = arith.constant 1 : index
    %swap3A_216 = arith.constant 0 : index
    %swap3A_217 = vector.load %arg4[%swap3A_214, %swap3A_215, %swap3A_216] : memref<256x16x32xf32, #tpu.memory_space<vmem>>, vector<256x1x32xf32>
    %swap3A_218 = vector.shape_cast %swap3A_217 : vector<256x1x32xf32> to vector<256x32xf32>
    %swap3A_219 = vector.shape_cast %transpose3A_213 : vector<256x32xf32> to vector<256x1x32xf32>
    tpu.vector_store %arg4[%swap3A_214, %swap3A_215, %swap3A_216], %swap3A_219 {strides = array<i32>} : memref<256x16x32xf32, #tpu.memory_space<vmem>>, vector<256x1x32xf32>,
    %get3A_220 = arith.constant 2 : index
    %get3A_221 = arith.constant 0 : index
    %get3A_222 = vector.load %arg1[%get3A_220, %get3A_221] : memref<16x2048xf32, #tpu.memory_space<vmem>>, vector<1x2048xf32>
    %jit3A_223 = arith.constant 1.000000e-07 : f32
    %jit3A_224 = arith.constant 0.99999988 : f32
    %max3A_225 = vector.broadcast %jit3A_223 : f32 to vector<1x2048xf32>
    %max3A_226 = arith.maximumf %max3A_225, %get3A_222 : vector<1x2048xf32>
    %min3A_227 = vector.broadcast %jit3A_224 : f32 to vector<1x2048xf32>
    %min3A_228 = arith.minimumf %min3A_227, %max3A_226 : vector<1x2048xf32>
    %log3A_229 = math.log %min3A_228 : vector<1x2048xf32>
    %sub3A_230 = arith.constant 1.000000e+00 : f32
    %sub3A_231 = vector.broadcast %sub3A_230 : f32 to vector<1x2048xf32>
    %sub3A_232 = arith.subf %sub3A_231, %min3A_228 : vector<1x2048xf32>
    %log3A_233 = math.log %sub3A_232 : vector<1x2048xf32>
    %broadcast_in_dim3A_234 = vector.shape_cast %log3A_229 : vector<1x2048xf32> to vector<1x2048xf32>
    %broadcast_in_dim3A_235 = vector.broadcast %broadcast_in_dim3A_234 : vector<1x2048xf32> to vector<32x2048xf32>
    %broadcast_in_dim3A_236 = vector.shape_cast %log3A_233 : vector<1x2048xf32> to vector<1x2048xf32>
    %broadcast_in_dim3A_237 = vector.broadcast %broadcast_in_dim3A_236 : vector<1x2048xf32> to vector<32x2048xf32>
    %concatenate3A_238 = tpu.concatenate %broadcast_in_dim3A_235, %broadcast_in_dim3A_237, %broadcast_in_dim3A_235, %broadcast_in_dim3A_237 in 0 : vector<32x2048xf32>, vector<32x2048xf32>, vector<32x2048xf32>, vector<32x2048xf32> -> vector<128x2048xf32>
    %mul3A_239 = vector.broadcast %concatenate3A : vector<128x1xf32> to vector<128x2048xf32>
    %mul3A_240 = arith.mulf %mul3A_239, %concatenate3A_238 : vector<128x2048xf32>
    %exp3A_241 = math.exp %mul3A_240 : vector<128x2048xf32>
    %dot_general3A_242 = arith.constant dense<0.000000e+00> : vector<128x256xf32>
    %dot_general3A_243 = tpu.matmul %exp3A_241, %convert_element_type3A_76, %dot_general3A_242 {dimension_numbers = #tpu.dot_dimension_numbers<[1], [0], [0], [1], [0, 0, 1, 1], [], []>, transpose_lhs_hint = false} : vector<128x2048xf32>, vector<2048x256xf32>, vector<128x256xf32> -> vector<128x256xf32>
    %max3A_244 = arith.constant 1.000000e-07 : f32
    %max3A_245 = vector.broadcast %max3A_244 : f32 to vector<128x256xf32>
    %max3A_246 = arith.maximumf %dot_general3A_243, %max3A_245 : vector<128x256xf32>
    %log3A_247 = math.log %max3A_246 : vector<128x256xf32>
    %mul3A_248 = vector.broadcast %concatenate3A_53 : vector<128x1xf32> to vector<128x256xf32>
    %mul3A_249 = arith.mulf %mul3A_248, %log3A_247 : vector<128x256xf32>
    %exp3A_250 = math.exp %mul3A_249 : vector<128x256xf32>
    %mul3A_251 = vector.broadcast %concatenate3A_70 : vector<128x1xf32> to vector<128x256xf32>
    %mul3A_252 = arith.mulf %exp3A_250, %mul3A_251 : vector<128x256xf32>
    %slice3A_253 = vector.extract_strided_slice %mul3A_252 {offsets = [0, 0], sizes = [32, 256], strides = [1, 1]} : vector<128x256xf32> to vector<32x256xf32>
    %slice3A_254 = vector.extract_strided_slice %mul3A_252 {offsets = [32, 0], sizes = [32, 256], strides = [1, 1]} : vector<128x256xf32> to vector<32x256xf32>
    %add3A_255 = arith.addf %slice3A_253, %slice3A_254 : vector<32x256xf32>
    %slice3A_256 = vector.extract_strided_slice %mul3A_252 {offsets = [64, 0], sizes = [32, 256], strides = [1, 1]} : vector<128x256xf32> to vector<32x256xf32>
    %slice3A_257 = vector.extract_strided_slice %mul3A_252 {offsets = [96, 0], sizes = [32, 256], strides = [1, 1]} : vector<128x256xf32> to vector<32x256xf32>
    %add3A_258 = arith.addf %slice3A_256, %slice3A_257 : vector<32x256xf32>
    %sign3A_259 = tpu.bitcast %add3A_258 : vector<32x256xf32> -> vector<32x256xi32>
    %sign3A_260 = arith.constant -2147483648 : i32
    %sign3A_261 = vector.broadcast %sign3A_260 : i32 to vector<32x256xi32>
    %sign3A_262 = arith.andi %sign3A_259, %sign3A_261 : vector<32x256xi32>
    %sign3A_263 = arith.constant 1065353216 : i32
    %sign3A_264 = vector.broadcast %sign3A_263 : i32 to vector<32x256xi32>
    %sign3A_265 = arith.ori %sign3A_264, %sign3A_262 : vector<32x256xi32>
    %sign3A_266 = tpu.bitcast %sign3A_265 : vector<32x256xi32> -> vector<32x256xf32>
    %sign3A_267 = math.absf %add3A_258 : vector<32x256xf32>
    %sign3A_268 = arith.constant 0.000000e+00 : f32
    %sign3A_269 = vector.broadcast %sign3A_268 : f32 to vector<32x256xf32>
    %sign3A_270 = arith.cmpf ogt, %sign3A_267, %sign3A_269 : vector<32x256xf32>
    %sign3A_271 = arith.select %sign3A_270, %sign3A_266, %add3A_258 : vector<32x256xi1>, vector<32x256xf32>
    %max3A_272 = arith.constant 0.000000e+00 : f32
    %max3A_273 = vector.broadcast %max3A_272 : f32 to vector<32x256xf32>
    %max3A_274 = arith.maximumf %max3A_273, %sign3A_271 : vector<32x256xf32>
    %mul3A_275 = arith.constant 2.000000e+00 : f32
    %mul3A_276 = vector.broadcast %mul3A_275 : f32 to vector<32x256xf32>
    %mul3A_277 = arith.mulf %mul3A_276, %max3A_274 : vector<32x256xf32>
    %sub3A_278 = arith.constant 1.000000e+00 : f32
    %sub3A_279 = vector.broadcast %sub3A_278 : f32 to vector<32x256xf32>
    %sub3A_280 = arith.subf %mul3A_277, %sub3A_279 : vector<32x256xf32>
    %lt3A_281 = arith.constant 1.000000e-07 : f32
    %lt3A_282 = vector.broadcast %lt3A_281 : f32 to vector<32x256xf32>
    %lt3A_283 = arith.cmpf olt, %add3A_258, %lt3A_282 : vector<32x256xf32>
    %gt3A_284 = arith.constant -1.000000e-07 : f32
    %gt3A_285 = vector.broadcast %gt3A_284 : f32 to vector<32x256xf32>
    %gt3A_286 = arith.cmpf ogt, %add3A_258, %gt3A_285 : vector<32x256xf32>
    %and3A_287 = arith.andi %lt3A_283, %gt3A_286 : vector<32x256xi1>
    %mul3A_288 = arith.constant 1.000000e-07 : f32
    %mul3A_289 = vector.broadcast %mul3A_288 : f32 to vector<32x256xf32>
    %mul3A_290 = arith.mulf %sub3A_280, %mul3A_289 : vector<32x256xf32>
    %select_n3A_291 = arith.select %and3A_287, %mul3A_290, %add3A_258 : vector<32x256xi1>, vector<32x256xf32>
    %div3A_292 = arith.divf %add3A_255, %select_n3A_291 : vector<32x256xf32>
    %transpose3A_293 = tpu.transpose %div3A_292, [1, 0] : vector<32x256xf32> -> vector<256x32xf32>
    %swap3A_294 = arith.constant 0 : index
    %swap3A_295 = arith.constant 2 : index
    %swap3A_296 = arith.constant 0 : index
    %swap3A_297 = vector.load %arg4[%swap3A_294, %swap3A_295, %swap3A_296] : memref<256x16x32xf32, #tpu.memory_space<vmem>>, vector<256x1x32xf32>
    %swap3A_298 = vector.shape_cast %swap3A_297 : vector<256x1x32xf32> to vector<256x32xf32>
    %swap3A_299 = vector.shape_cast %transpose3A_293 : vector<256x32xf32> to vector<256x1x32xf32>
    tpu.vector_store %arg4[%swap3A_294, %swap3A_295, %swap3A_296], %swap3A_299 {strides = array<i32>} : memref<256x16x32xf32, #tpu.memory_space<vmem>>, vector<256x1x32xf32>,
    %get3A_300 = arith.constant 3 : index
    %get3A_301 = arith.constant 0 : index
    %get3A_302 = vector.load %arg1[%get3A_300, %get3A_301] : memref<16x2048xf32, #tpu.memory_space<vmem>>, vector<1x2048xf32>
    %jit3A_303 = arith.constant 1.000000e-07 : f32
    %jit3A_304 = arith.constant 0.99999988 : f32
    %max3A_305 = vector.broadcast %jit3A_303 : f32 to vector<1x2048xf32>
    %max3A_306 = arith.maximumf %max3A_305, %get3A_302 : vector<1x2048xf32>
    %min3A_307 = vector.broadcast %jit3A_304 : f32 to vector<1x2048xf32>
    %min3A_308 = arith.minimumf %min3A_307, %max3A_306 : vector<1x2048xf32>
    %log3A_309 = math.log %min3A_308 : vector<1x2048xf32>
    %sub3A_310 = arith.constant 1.000000e+00 : f32
    %sub3A_311 = vector.broadcast %sub3A_310 : f32 to vector<1x2048xf32>
    %sub3A_312 = arith.subf %sub3A_311, %min3A_308 : vector<1x2048xf32>
    %log3A_313 = math.log %sub3A_312 : vector<1x2048xf32>
    %broadcast_in_dim3A_314 = vector.shape_cast %log3A_309 : vector<1x2048xf32> to vector<1x2048xf32>
    %broadcast_in_dim3A_315 = vector.broadcast %broadcast_in_dim3A_314 : vector<1x2048xf32> to vector<32x2048xf32>
    %broadcast_in_dim3A_316 = vector.shape_cast %log3A_313 : vector<1x2048xf32> to vector<1x2048xf32>
    %broadcast_in_dim3A_317 = vector.broadcast %broadcast_in_dim3A_316 : vector<1x2048xf32> to vector<32x2048xf32>
    %concatenate3A_318 = tpu.concatenate %broadcast_in_dim3A_315, %broadcast_in_dim3A_317, %broadcast_in_dim3A_315, %broadcast_in_dim3A_317 in 0 : vector<32x2048xf32>, vector<32x2048xf32>, vector<32x2048xf32>, vector<32x2048xf32> -> vector<128x2048xf32>
    %mul3A_319 = vector.broadcast %concatenate3A : vector<128x1xf32> to vector<128x2048xf32>
    %mul3A_320 = arith.mulf %mul3A_319, %concatenate3A_318 : vector<128x2048xf32>
    %exp3A_321 = math.exp %mul3A_320 : vector<128x2048xf32>
    %dot_general3A_322 = arith.constant dense<0.000000e+00> : vector<128x256xf32>
    %dot_general3A_323 = tpu.matmul %exp3A_321, %convert_element_type3A_76, %dot_general3A_322 {dimension_numbers = #tpu.dot_dimension_numbers<[1], [0], [0], [1], [0, 0, 1, 1], [], []>, transpose_lhs_hint = false} : vector<128x2048xf32>, vector<2048x256xf32>, vector<128x256xf32> -> vector<128x256xf32>
    %max3A_324 = arith.constant 1.000000e-07 : f32
    %max3A_325 = vector.broadcast %max3A_324 : f32 to vector<128x256xf32>
    %max3A_326 = arith.maximumf %dot_general3A_323, %max3A_325 : vector<128x256xf32>
    %log3A_327 = math.log %max3A_326 : vector<128x256xf32>
    %mul3A_328 = vector.broadcast %concatenate3A_53 : vector<128x1xf32> to vector<128x256xf32>
    %mul3A_329 = arith.mulf %mul3A_328, %log3A_327 : vector<128x256xf32>
    %exp3A_330 = math.exp %mul3A_329 : vector<128x256xf32>
    %mul3A_331 = vector.broadcast %concatenate3A_70 : vector<128x1xf32> to vector<128x256xf32>
    %mul3A_332 = arith.mulf %exp3A_330, %mul3A_331 : vector<128x256xf32>
    %slice3A_333 = vector.extract_strided_slice %mul3A_332 {offsets = [0, 0], sizes = [32, 256], strides = [1, 1]} : vector<128x256xf32> to vector<32x256xf32>
    %slice3A_334 = vector.extract_strided_slice %mul3A_332 {offsets = [32, 0], sizes = [32, 256], strides = [1, 1]} : vector<128x256xf32> to vector<32x256xf32>
    %add3A_335 = arith.addf %slice3A_333, %slice3A_334 : vector<32x256xf32>
    %slice3A_336 = vector.extract_strided_slice %mul3A_332 {offsets = [64, 0], sizes = [32, 256], strides = [1, 1]} : vector<128x256xf32> to vector<32x256xf32>
    %slice3A_337 = vector.extract_strided_slice %mul3A_332 {offsets = [96, 0], sizes = [32, 256], strides = [1, 1]} : vector<128x256xf32> to vector<32x256xf32>
    %add3A_338 = arith.addf %slice3A_336, %slice3A_337 : vector<32x256xf32>
    %sign3A_339 = tpu.bitcast %add3A_338 : vector<32x256xf32> -> vector<32x256xi32>
    %sign3A_340 = arith.constant -2147483648 : i32
    %sign3A_341 = vector.broadcast %sign3A_340 : i32 to vector<32x256xi32>
    %sign3A_342 = arith.andi %sign3A_339, %sign3A_341 : vector<32x256xi32>
    %sign3A_343 = arith.constant 1065353216 : i32
    %sign3A_344 = vector.broadcast %sign3A_343 : i32 to vector<32x256xi32>
    %sign3A_345 = arith.ori %sign3A_344, %sign3A_342 : vector<32x256xi32>
    %sign3A_346 = tpu.bitcast %sign3A_345 : vector<32x256xi32> -> vector<32x256xf32>
    %sign3A_347 = math.absf %add3A_338 : vector<32x256xf32>
    %sign3A_348 = arith.constant 0.000000e+00 : f32
    %sign3A_349 = vector.broadcast %sign3A_348 : f32 to vector<32x256xf32>
    %sign3A_350 = arith.cmpf ogt, %sign3A_347, %sign3A_349 : vector<32x256xf32>
    %sign3A_351 = arith.select %sign3A_350, %sign3A_346, %add3A_338 : vector<32x256xi1>, vector<32x256xf32>
    %max3A_352 = arith.constant 0.000000e+00 : f32
    %max3A_353 = vector.broadcast %max3A_352 : f32 to vector<32x256xf32>
    %max3A_354 = arith.maximumf %max3A_353, %sign3A_351 : vector<32x256xf32>
    %mul3A_355 = arith.constant 2.000000e+00 : f32
    %mul3A_356 = vector.broadcast %mul3A_355 : f32 to vector<32x256xf32>
    %mul3A_357 = arith.mulf %mul3A_356, %max3A_354 : vector<32x256xf32>
    %sub3A_358 = arith.constant 1.000000e+00 : f32
    %sub3A_359 = vector.broadcast %sub3A_358 : f32 to vector<32x256xf32>
    %sub3A_360 = arith.subf %mul3A_357, %sub3A_359 : vector<32x256xf32>
    %lt3A_361 = arith.constant 1.000000e-07 : f32
    %lt3A_362 = vector.broadcast %lt3A_361 : f32 to vector<32x256xf32>
    %lt3A_363 = arith.cmpf olt, %add3A_338, %lt3A_362 : vector<32x256xf32>
    %gt3A_364 = arith.constant -1.000000e-07 : f32
    %gt3A_365 = vector.broadcast %gt3A_364 : f32 to vector<32x256xf32>
    %gt3A_366 = arith.cmpf ogt, %add3A_338, %gt3A_365 : vector<32x256xf32>
    %and3A_367 = arith.andi %lt3A_363, %gt3A_366 : vector<32x256xi1>
    %mul3A_368 = arith.constant 1.000000e-07 : f32
    %mul3A_369 = vector.broadcast %mul3A_368 : f32 to vector<32x256xf32>
    %mul3A_370 = arith.mulf %sub3A_360, %mul3A_369 : vector<32x256xf32>
    %select_n3A_371 = arith.select %and3A_367, %mul3A_370, %add3A_338 : vector<32x256xi1>, vector<32x256xf32>
    %div3A_372 = arith.divf %add3A_335, %select_n3A_371 : vector<32x256xf32>
    %transpose3A_373 = tpu.transpose %div3A_372, [1, 0] : vector<32x256xf32> -> vector<256x32xf32>
    %swap3A_374 = arith.constant 0 : index
    %swap3A_375 = arith.constant 3 : index
    %swap3A_376 = arith.constant 0 : index
    %swap3A_377 = vector.load %arg4[%swap3A_374, %swap3A_375, %swap3A_376] : memref<256x16x32xf32, #tpu.memory_space<vmem>>, vector<256x1x32xf32>
    %swap3A_378 = vector.shape_cast %swap3A_377 : vector<256x1x32xf32> to vector<256x32xf32>
    %swap3A_379 = vector.shape_cast %transpose3A_373 : vector<256x32xf32> to vector<256x1x32xf32>
    tpu.vector_store %arg4[%swap3A_374, %swap3A_375, %swap3A_376], %swap3A_379 {strides = array<i32>} : memref<256x16x32xf32, #tpu.memory_space<vmem>>, vector<256x1x32xf32>,
    %get3A_380 = arith.constant 4 : index
    %get3A_381 = arith.constant 0 : index
    %get3A_382 = vector.load %arg1[%get3A_380, %get3A_381] : memref<16x2048xf32, #tpu.memory_space<vmem>>, vector<1x2048xf32>
    %jit3A_383 = arith.constant 1.000000e-07 : f32
    %jit3A_384 = arith.constant 0.99999988 : f32
    %max3A_385 = vector.broadcast %jit3A_383 : f32 to vector<1x2048xf32>
    %max3A_386 = arith.maximumf %max3A_385, %get3A_382 : vector<1x2048xf32>
    %min3A_387 = vector.broadcast %jit3A_384 : f32 to vector<1x2048xf32>
    %min3A_388 = arith.minimumf %min3A_387, %max3A_386 : vector<1x2048xf32>
    %log3A_389 = math.log %min3A_388 : vector<1x2048xf32>
    %sub3A_390 = arith.constant 1.000000e+00 : f32
    %sub3A_391 = vector.broadcast %sub3A_390 : f32 to vector<1x2048xf32>
    %sub3A_392 = arith.subf %sub3A_391, %min3A_388 : vector<1x2048xf32>
    %log3A_393 = math.log %sub3A_392 : vector<1x2048xf32>
    %broadcast_in_dim3A_394 = vector.shape_cast %log3A_389 : vector<1x2048xf32> to vector<1x2048xf32>
    %broadcast_in_dim3A_395 = vector.broadcast %broadcast_in_dim3A_394 : vector<1x2048xf32> to vector<32x2048xf32>
    %broadcast_in_dim3A_396 = vector.shape_cast %log3A_393 : vector<1x2048xf32> to vector<1x2048xf32>
    %broadcast_in_dim3A_397 = vector.broadcast %broadcast_in_dim3A_396 : vector<1x2048xf32> to vector<32x2048xf32>
    %concatenate3A_398 = tpu.concatenate %broadcast_in_dim3A_395, %broadcast_in_dim3A_397, %broadcast_in_dim3A_395, %broadcast_in_dim3A_397 in 0 : vector<32x2048xf32>, vector<32x2048xf32>, vector<32x2048xf32>, vector<32x2048xf32> -> vector<128x2048xf32>
    %mul3A_399 = vector.broadcast %concatenate3A : vector<128x1xf32> to vector<128x2048xf32>
    %mul3A_400 = arith.mulf %mul3A_399, %concatenate3A_398 : vector<128x2048xf32>
    %exp3A_401 = math.exp %mul3A_400 : vector<128x2048xf32>
    %dot_general3A_402 = arith.constant dense<0.000000e+00> : vector<128x256xf32>
    %dot_general3A_403 = tpu.matmul %exp3A_401, %convert_element_type3A_76, %dot_general3A_402 {dimension_numbers = #tpu.dot_dimension_numbers<[1], [0], [0], [1], [0, 0, 1, 1], [], []>, transpose_lhs_hint = false} : vector<128x2048xf32>, vector<2048x256xf32>, vector<128x256xf32> -> vector<128x256xf32>
    %max3A_404 = arith.constant 1.000000e-07 : f32
    %max3A_405 = vector.broadcast %max3A_404 : f32 to vector<128x256xf32>
    %max3A_406 = arith.maximumf %dot_general3A_403, %max3A_405 : vector<128x256xf32>
    %log3A_407 = math.log %max3A_406 : vector<128x256xf32>
    %mul3A_408 = vector.broadcast %concatenate3A_53 : vector<128x1xf32> to vector<128x256xf32>
    %mul3A_409 = arith.mulf %mul3A_408, %log3A_407 : vector<128x256xf32>
    %exp3A_410 = math.exp %mul3A_409 : vector<128x256xf32>
    %mul3A_411 = vector.broadcast %concatenate3A_70 : vector<128x1xf32> to vector<128x256xf32>
    %mul3A_412 = arith.mulf %exp3A_410, %mul3A_411 : vector<128x256xf32>
    %slice3A_413 = vector.extract_strided_slice %mul3A_412 {offsets = [0, 0], sizes = [32, 256], strides = [1, 1]} : vector<128x256xf32> to vector<32x256xf32>
    %slice3A_414 = vector.extract_strided_slice %mul3A_412 {offsets = [32, 0], sizes = [32, 256], strides = [1, 1]} : vector<128x256xf32> to vector<32x256xf32>
    %add3A_415 = arith.addf %slice3A_413, %slice3A_414 : vector<32x256xf32>
    %slice3A_416 = vector.extract_strided_slice %mul3A_412 {offsets = [64, 0], sizes = [32, 256], strides = [1, 1]} : vector<128x256xf32> to vector<32x256xf32>
    %slice3A_417 = vector.extract_strided_slice %mul3A_412 {offsets = [96, 0], sizes = [32, 256], strides = [1, 1]} : vector<128x256xf32> to vector<32x256xf32>
    %add3A_418 = arith.addf %slice3A_416, %slice3A_417 : vector<32x256xf32>
    %sign3A_419 = tpu.bitcast %add3A_418 : vector<32x256xf32> -> vector<32x256xi32>
    %sign3A_420 = arith.constant -2147483648 : i32
    %sign3A_421 = vector.broadcast %sign3A_420 : i32 to vector<32x256xi32>
    %sign3A_422 = arith.andi %sign3A_419, %sign3A_421 : vector<32x256xi32>
    %sign3A_423 = arith.constant 1065353216 : i32
    %sign3A_424 = vector.broadcast %sign3A_423 : i32 to vector<32x256xi32>
    %sign3A_425 = arith.ori %sign3A_424, %sign3A_422 : vector<32x256xi32>
    %sign3A_426 = tpu.bitcast %sign3A_425 : vector<32x256xi32> -> vector<32x256xf32>
    %sign3A_427 = math.absf %add3A_418 : vector<32x256xf32>
    %sign3A_428 = arith.constant 0.000000e+00 : f32
    %sign3A_429 = vector.broadcast %sign3A_428 : f32 to vector<32x256xf32>
    %sign3A_430 = arith.cmpf ogt, %sign3A_427, %sign3A_429 : vector<32x256xf32>
    %sign3A_431 = arith.select %sign3A_430, %sign3A_426, %add3A_418 : vector<32x256xi1>, vector<32x256xf32>
    %max3A_432 = arith.constant 0.000000e+00 : f32
    %max3A_433 = vector.broadcast %max3A_432 : f32 to vector<32x256xf32>
    %max3A_434 = arith.maximumf %max3A_433, %sign3A_431 : vector<32x256xf32>
    %mul3A_435 = arith.constant 2.000000e+00 : f32
    %mul3A_436 = vector.broadcast %mul3A_435 : f32 to vector<32x256xf32>
    %mul3A_437 = arith.mulf %mul3A_436, %max3A_434 : vector<32x256xf32>
    %sub3A_438 = arith.constant 1.000000e+00 : f32
    %sub3A_439 = vector.broadcast %sub3A_438 : f32 to vector<32x256xf32>
    %sub3A_440 = arith.subf %mul3A_437, %sub3A_439 : vector<32x256xf32>
    %lt3A_441 = arith.constant 1.000000e-07 : f32
    %lt3A_442 = vector.broadcast %lt3A_441 : f32 to vector<32x256xf32>
    %lt3A_443 = arith.cmpf olt, %add3A_418, %lt3A_442 : vector<32x256xf32>
    %gt3A_444 = arith.constant -1.000000e-07 : f32
    %gt3A_445 = vector.broadcast %gt3A_444 : f32 to vector<32x256xf32>
    %gt3A_446 = arith.cmpf ogt, %add3A_418, %gt3A_445 : vector<32x256xf32>
    %and3A_447 = arith.andi %lt3A_443, %gt3A_446 : vector<32x256xi1>
    %mul3A_448 = arith.constant 1.000000e-07 : f32
    %mul3A_449 = vector.broadcast %mul3A_448 : f32 to vector<32x256xf32>
    %mul3A_450 = arith.mulf %sub3A_440, %mul3A_449 : vector<32x256xf32>
    %select_n3A_451 = arith.select %and3A_447, %mul3A_450, %add3A_418 : vector<32x256xi1>, vector<32x256xf32>
    %div3A_452 = arith.divf %add3A_415, %select_n3A_451 : vector<32x256xf32>
    %transpose3A_453 = tpu.transpose %div3A_452, [1, 0] : vector<32x256xf32> -> vector<256x32xf32>
    %swap3A_454 = arith.constant 0 : index
    %swap3A_455 = arith.constant 4 : index
    %swap3A_456 = arith.constant 0 : index
    %swap3A_457 = vector.load %arg4[%swap3A_454, %swap3A_455, %swap3A_456] : memref<256x16x32xf32, #tpu.memory_space<vmem>>, vector<256x1x32xf32>
    %swap3A_458 = vector.shape_cast %swap3A_457 : vector<256x1x32xf32> to vector<256x32xf32>
    %swap3A_459 = vector.shape_cast %transpose3A_453 : vector<256x32xf32> to vector<256x1x32xf32>
    tpu.vector_store %arg4[%swap3A_454, %swap3A_455, %swap3A_456], %swap3A_459 {strides = array<i32>} : memref<256x16x32xf32, #tpu.memory_space<vmem>>, vector<256x1x32xf32>,
    %get3A_460 = arith.constant 5 : index
    %get3A_461 = arith.constant 0 : index
    %get3A_462 = vector.load %arg1[%get3A_460, %get3A_461] : memref<16x2048xf32, #tpu.memory_space<vmem>>, vector<1x2048xf32>
    %jit3A_463 = arith.constant 1.000000e-07 : f32
    %jit3A_464 = arith.constant 0.99999988 : f32
    %max3A_465 = vector.broadcast %jit3A_463 : f32 to vector<1x2048xf32>
    %max3A_466 = arith.maximumf %max3A_465, %get3A_462 : vector<1x2048xf32>
    %min3A_467 = vector.broadcast %jit3A_464 : f32 to vector<1x2048xf32>
    %min3A_468 = arith.minimumf %min3A_467, %max3A_466 : vector<1x2048xf32>
    %log3A_469 = math.log %min3A_468 : vector<1x2048xf32>
    %sub3A_470 = arith.constant 1.000000e+00 : f32
    %sub3A_471 = vector.broadcast %sub3A_470 : f32 to vector<1x2048xf32>
    %sub3A_472 = arith.subf %sub3A_471, %min3A_468 : vector<1x2048xf32>
    %log3A_473 = math.log %sub3A_472 : vector<1x2048xf32>
    %broadcast_in_dim3A_474 = vector.shape_cast %log3A_469 : vector<1x2048xf32> to vector<1x2048xf32>
    %broadcast_in_dim3A_475 = vector.broadcast %broadcast_in_dim3A_474 : vector<1x2048xf32> to vector<32x2048xf32>
    %broadcast_in_dim3A_476 = vector.shape_cast %log3A_473 : vector<1x2048xf32> to vector<1x2048xf32>
    %broadcast_in_dim3A_477 = vector.broadcast %broadcast_in_dim3A_476 : vector<1x2048xf32> to vector<32x2048xf32>
    %concatenate3A_478 = tpu.concatenate %broadcast_in_dim3A_475, %broadcast_in_dim3A_477, %broadcast_in_dim3A_475, %broadcast_in_dim3A_477 in 0 : vector<32x2048xf32>, vector<32x2048xf32>, vector<32x2048xf32>, vector<32x2048xf32> -> vector<128x2048xf32>
    %mul3A_479 = vector.broadcast %concatenate3A : vector<128x1xf32> to vector<128x2048xf32>
    %mul3A_480 = arith.mulf %mul3A_479, %concatenate3A_478 : vector<128x2048xf32>
    %exp3A_481 = math.exp %mul3A_480 : vector<128x2048xf32>
    %dot_general3A_482 = arith.constant dense<0.000000e+00> : vector<128x256xf32>
    %dot_general3A_483 = tpu.matmul %exp3A_481, %convert_element_type3A_76, %dot_general3A_482 {dimension_numbers = #tpu.dot_dimension_numbers<[1], [0], [0], [1], [0, 0, 1, 1], [], []>, transpose_lhs_hint = false} : vector<128x2048xf32>, vector<2048x256xf32>, vector<128x256xf32> -> vector<128x256xf32>
    %max3A_484 = arith.constant 1.000000e-07 : f32
    %max3A_485 = vector.broadcast %max3A_484 : f32 to vector<128x256xf32>
    %max3A_486 = arith.maximumf %dot_general3A_483, %max3A_485 : vector<128x256xf32>
    %log3A_487 = math.log %max3A_486 : vector<128x256xf32>
    %mul3A_488 = vector.broadcast %concatenate3A_53 : vector<128x1xf32> to vector<128x256xf32>
    %mul3A_489 = arith.mulf %mul3A_488, %log3A_487 : vector<128x256xf32>
    %exp3A_490 = math.exp %mul3A_489 : vector<128x256xf32>
    %mul3A_491 = vector.broadcast %concatenate3A_70 : vector<128x1xf32> to vector<128x256xf32>
    %mul3A_492 = arith.mulf %exp3A_490, %mul3A_491 : vector<128x256xf32>
    %slice3A_493 = vector.extract_strided_slice %mul3A_492 {offsets = [0, 0], sizes = [32, 256], strides = [1, 1]} : vector<128x256xf32> to vector<32x256xf32>
    %slice3A_494 = vector.extract_strided_slice %mul3A_492 {offsets = [32, 0], sizes = [32, 256], strides = [1, 1]} : vector<128x256xf32> to vector<32x256xf32>
    %add3A_495 = arith.addf %slice3A_493, %slice3A_494 : vector<32x256xf32>
    %slice3A_496 = vector.extract_strided_slice %mul3A_492 {offsets = [64, 0], sizes = [32, 256], strides = [1, 1]} : vector<128x256xf32> to vector<32x256xf32>
    %slice3A_497 = vector.extract_strided_slice %mul3A_492 {offsets = [96, 0], sizes = [32, 256], strides = [1, 1]} : vector<128x256xf32> to vector<32x256xf32>
    %add3A_498 = arith.addf %slice3A_496, %slice3A_497 : vector<32x256xf32>
    %sign3A_499 = tpu.bitcast %add3A_498 : vector<32x256xf32> -> vector<32x256xi32>
    %sign3A_500 = arith.constant -2147483648 : i32
    %sign3A_501 = vector.broadcast %sign3A_500 : i32 to vector<32x256xi32>
    %sign3A_502 = arith.andi %sign3A_499, %sign3A_501 : vector<32x256xi32>
    %sign3A_503 = arith.constant 1065353216 : i32
    %sign3A_504 = vector.broadcast %sign3A_503 : i32 to vector<32x256xi32>
    %sign3A_505 = arith.ori %sign3A_504, %sign3A_502 : vector<32x256xi32>
    %sign3A_506 = tpu.bitcast %sign3A_505 : vector<32x256xi32> -> vector<32x256xf32>
    %sign3A_507 = math.absf %add3A_498 : vector<32x256xf32>
    %sign3A_508 = arith.constant 0.000000e+00 : f32
    %sign3A_509 = vector.broadcast %sign3A_508 : f32 to vector<32x256xf32>
    %sign3A_510 = arith.cmpf ogt, %sign3A_507, %sign3A_509 : vector<32x256xf32>
    %sign3A_511 = arith.select %sign3A_510, %sign3A_506, %add3A_498 : vector<32x256xi1>, vector<32x256xf32>
    %max3A_512 = arith.constant 0.000000e+00 : f32
    %max3A_513 = vector.broadcast %max3A_512 : f32 to vector<32x256xf32>
    %max3A_514 = arith.maximumf %max3A_513, %sign3A_511 : vector<32x256xf32>
    %mul3A_515 = arith.constant 2.000000e+00 : f32
    %mul3A_516 = vector.broadcast %mul3A_515 : f32 to vector<32x256xf32>
    %mul3A_517 = arith.mulf %mul3A_516, %max3A_514 : vector<32x256xf32>
    %sub3A_518 = arith.constant 1.000000e+00 : f32
    %sub3A_519 = vector.broadcast %sub3A_518 : f32 to vector<32x256xf32>
    %sub3A_520 = arith.subf %mul3A_517, %sub3A_519 : vector<32x256xf32>
    %lt3A_521 = arith.constant 1.000000e-07 : f32
    %lt3A_522 = vector.broadcast %lt3A_521 : f32 to vector<32x256xf32>
    %lt3A_523 = arith.cmpf olt, %add3A_498, %lt3A_522 : vector<32x256xf32>
    %gt3A_524 = arith.constant -1.000000e-07 : f32
    %gt3A_525 = vector.broadcast %gt3A_524 : f32 to vector<32x256xf32>
    %gt3A_526 = arith.cmpf ogt, %add3A_498, %gt3A_525 : vector<32x256xf32>
    %and3A_527 = arith.andi %lt3A_523, %gt3A_526 : vector<32x256xi1>
    %mul3A_528 = arith.constant 1.000000e-07 : f32
    %mul3A_529 = vector.broadcast %mul3A_528 : f32 to vector<32x256xf32>
    %mul3A_530 = arith.mulf %sub3A_520, %mul3A_529 : vector<32x256xf32>
    %select_n3A_531 = arith.select %and3A_527, %mul3A_530, %add3A_498 : vector<32x256xi1>, vector<32x256xf32>
    %div3A_532 = arith.divf %add3A_495, %select_n3A_531 : vector<32x256xf32>
    %transpose3A_533 = tpu.transpose %div3A_532, [1, 0] : vector<32x256xf32> -> vector<256x32xf32>
    %swap3A_534 = arith.constant 0 : index
    %swap3A_535 = arith.constant 5 : index
    %swap3A_536 = arith.constant 0 : index
    %swap3A_537 = vector.load %arg4[%swap3A_534, %swap3A_535, %swap3A_536] : memref<256x16x32xf32, #tpu.memory_space<vmem>>, vector<256x1x32xf32>
    %swap3A_538 = vector.shape_cast %swap3A_537 : vector<256x1x32xf32> to vector<256x32xf32>
    %swap3A_539 = vector.shape_cast %transpose3A_533 : vector<256x32xf32> to vector<256x1x32xf32>
    tpu.vector_store %arg4[%swap3A_534, %swap3A_535, %swap3A_536], %swap3A_539 {strides = array<i32>} : memref<256x16x32xf32, #tpu.memory_space<vmem>>, vector<256x1x32xf32>,
    %get3A_540 = arith.constant 6 : index
    %get3A_541 = arith.constant 0 : index
    %get3A_542 = vector.load %arg1[%get3A_540, %get3A_541] : memref<16x2048xf32, #tpu.memory_space<vmem>>, vector<1x2048xf32>
    %jit3A_543 = arith.constant 1.000000e-07 : f32
    %jit3A_544 = arith.constant 0.99999988 : f32
    %max3A_545 = vector.broadcast %jit3A_543 : f32 to vector<1x2048xf32>
    %max3A_546 = arith.maximumf %max3A_545, %get3A_542 : vector<1x2048xf32>
    %min3A_547 = vector.broadcast %jit3A_544 : f32 to vector<1x2048xf32>
    %min3A_548 = arith.minimumf %min3A_547, %max3A_546 : vector<1x2048xf32>
    %log3A_549 = math.log %min3A_548 : vector<1x2048xf32>
    %sub3A_550 = arith.constant 1.000000e+00 : f32
    %sub3A_551 = vector.broadcast %sub3A_550 : f32 to vector<1x2048xf32>
    %sub3A_552 = arith.subf %sub3A_551, %min3A_548 : vector<1x2048xf32>
    %log3A_553 = math.log %sub3A_552 : vector<1x2048xf32>
    %broadcast_in_dim3A_554 = vector.shape_cast %log3A_549 : vector<1x2048xf32> to vector<1x2048xf32>
    %broadcast_in_dim3A_555 = vector.broadcast %broadcast_in_dim3A_554 : vector<1x2048xf32> to vector<32x2048xf32>
    %broadcast_in_dim3A_556 = vector.shape_cast %log3A_553 : vector<1x2048xf32> to vector<1x2048xf32>
    %broadcast_in_dim3A_557 = vector.broadcast %broadcast_in_dim3A_556 : vector<1x2048xf32> to vector<32x2048xf32>
    %concatenate3A_558 = tpu.concatenate %broadcast_in_dim3A_555, %broadcast_in_dim3A_557, %broadcast_in_dim3A_555, %broadcast_in_dim3A_557 in 0 : vector<32x2048xf32>, vector<32x2048xf32>, vector<32x2048xf32>, vector<32x2048xf32> -> vector<128x2048xf32>
    %mul3A_559 = vector.broadcast %concatenate3A : vector<128x1xf32> to vector<128x2048xf32>
    %mul3A_560 = arith.mulf %mul3A_559, %concatenate3A_558 : vector<128x2048xf32>
    %exp3A_561 = math.exp %mul3A_560 : vector<128x2048xf32>
    %dot_general3A_562 = arith.constant dense<0.000000e+00> : vector<128x256xf32>
    %dot_general3A_563 = tpu.matmul %exp3A_561, %convert_element_type3A_76, %dot_general3A_562 {dimension_numbers = #tpu.dot_dimension_numbers<[1], [0], [0], [1], [0, 0, 1, 1], [], []>, transpose_lhs_hint = false} : vector<128x2048xf32>, vector<2048x256xf32>, vector<128x256xf32> -> vector<128x256xf32>
    %max3A_564 = arith.constant 1.000000e-07 : f32
    %max3A_565 = vector.broadcast %max3A_564 : f32 to vector<128x256xf32>
    %max3A_566 = arith.maximumf %dot_general3A_563, %max3A_565 : vector<128x256xf32>
    %log3A_567 = math.log %max3A_566 : vector<128x256xf32>
    %mul3A_568 = vector.broadcast %concatenate3A_53 : vector<128x1xf32> to vector<128x256xf32>
    %mul3A_569 = arith.mulf %mul3A_568, %log3A_567 : vector<128x256xf32>
    %exp3A_570 = math.exp %mul3A_569 : vector<128x256xf32>
    %mul3A_571 = vector.broadcast %concatenate3A_70 : vector<128x1xf32> to vector<128x256xf32>
    %mul3A_572 = arith.mulf %exp3A_570, %mul3A_571 : vector<128x256xf32>
    %slice3A_573 = vector.extract_strided_slice %mul3A_572 {offsets = [0, 0], sizes = [32, 256], strides = [1, 1]} : vector<128x256xf32> to vector<32x256xf32>
    %slice3A_574 = vector.extract_strided_slice %mul3A_572 {offsets = [32, 0], sizes = [32, 256], strides = [1, 1]} : vector<128x256xf32> to vector<32x256xf32>
    %add3A_575 = arith.addf %slice3A_573, %slice3A_574 : vector<32x256xf32>
    %slice3A_576 = vector.extract_strided_slice %mul3A_572 {offsets = [64, 0], sizes = [32, 256], strides = [1, 1]} : vector<128x256xf32> to vector<32x256xf32>
    %slice3A_577 = vector.extract_strided_slice %mul3A_572 {offsets = [96, 0], sizes = [32, 256], strides = [1, 1]} : vector<128x256xf32> to vector<32x256xf32>
    %add3A_578 = arith.addf %slice3A_576, %slice3A_577 : vector<32x256xf32>
    %sign3A_579 = tpu.bitcast %add3A_578 : vector<32x256xf32> -> vector<32x256xi32>
    %sign3A_580 = arith.constant -2147483648 : i32
    %sign3A_581 = vector.broadcast %sign3A_580 : i32 to vector<32x256xi32>
    %sign3A_582 = arith.andi %sign3A_579, %sign3A_581 : vector<32x256xi32>
    %sign3A_583 = arith.constant 1065353216 : i32
    %sign3A_584 = vector.broadcast %sign3A_583 : i32 to vector<32x256xi32>
    %sign3A_585 = arith.ori %sign3A_584, %sign3A_582 : vector<32x256xi32>
    %sign3A_586 = tpu.bitcast %sign3A_585 : vector<32x256xi32> -> vector<32x256xf32>
    %sign3A_587 = math.absf %add3A_578 : vector<32x256xf32>
    %sign3A_588 = arith.constant 0.000000e+00 : f32
    %sign3A_589 = vector.broadcast %sign3A_588 : f32 to vector<32x256xf32>
    %sign3A_590 = arith.cmpf ogt, %sign3A_587, %sign3A_589 : vector<32x256xf32>
    %sign3A_591 = arith.select %sign3A_590, %sign3A_586, %add3A_578 : vector<32x256xi1>, vector<32x256xf32>
    %max3A_592 = arith.constant 0.000000e+00 : f32
    %max3A_593 = vector.broadcast %max3A_592 : f32 to vector<32x256xf32>
    %max3A_594 = arith.maximumf %max3A_593, %sign3A_591 : vector<32x256xf32>
    %mul3A_595 = arith.constant 2.000000e+00 : f32
    %mul3A_596 = vector.broadcast %mul3A_595 : f32 to vector<32x256xf32>
    %mul3A_597 = arith.mulf %mul3A_596, %max3A_594 : vector<32x256xf32>
    %sub3A_598 = arith.constant 1.000000e+00 : f32
    %sub3A_599 = vector.broadcast %sub3A_598 : f32 to vector<32x256xf32>
    %sub3A_600 = arith.subf %mul3A_597, %sub3A_599 : vector<32x256xf32>
    %lt3A_601 = arith.constant 1.000000e-07 : f32
    %lt3A_602 = vector.broadcast %lt3A_601 : f32 to vector<32x256xf32>
    %lt3A_603 = arith.cmpf olt, %add3A_578, %lt3A_602 : vector<32x256xf32>
    %gt3A_604 = arith.constant -1.000000e-07 : f32
    %gt3A_605 = vector.broadcast %gt3A_604 : f32 to vector<32x256xf32>
    %gt3A_606 = arith.cmpf ogt, %add3A_578, %gt3A_605 : vector<32x256xf32>
    %and3A_607 = arith.andi %lt3A_603, %gt3A_606 : vector<32x256xi1>
    %mul3A_608 = arith.constant 1.000000e-07 : f32
    %mul3A_609 = vector.broadcast %mul3A_608 : f32 to vector<32x256xf32>
    %mul3A_610 = arith.mulf %sub3A_600, %mul3A_609 : vector<32x256xf32>
    %select_n3A_611 = arith.select %and3A_607, %mul3A_610, %add3A_578 : vector<32x256xi1>, vector<32x256xf32>
    %div3A_612 = arith.divf %add3A_575, %select_n3A_611 : vector<32x256xf32>
    %transpose3A_613 = tpu.transpose %div3A_612, [1, 0] : vector<32x256xf32> -> vector<256x32xf32>
    %swap3A_614 = arith.constant 0 : index
    %swap3A_615 = arith.constant 6 : index
    %swap3A_616 = arith.constant 0 : index
    %swap3A_617 = vector.load %arg4[%swap3A_614, %swap3A_615, %swap3A_616] : memref<256x16x32xf32, #tpu.memory_space<vmem>>, vector<256x1x32xf32>
    %swap3A_618 = vector.shape_cast %swap3A_617 : vector<256x1x32xf32> to vector<256x32xf32>
    %swap3A_619 = vector.shape_cast %transpose3A_613 : vector<256x32xf32> to vector<256x1x32xf32>
    tpu.vector_store %arg4[%swap3A_614, %swap3A_615, %swap3A_616], %swap3A_619 {strides = array<i32>} : memref<256x16x32xf32, #tpu.memory_space<vmem>>, vector<256x1x32xf32>,
    %get3A_620 = arith.constant 7 : index
    %get3A_621 = arith.constant 0 : index
    %get3A_622 = vector.load %arg1[%get3A_620, %get3A_621] : memref<16x2048xf32, #tpu.memory_space<vmem>>, vector<1x2048xf32>
    %jit3A_623 = arith.constant 1.000000e-07 : f32
    %jit3A_624 = arith.constant 0.99999988 : f32
    %max3A_625 = vector.broadcast %jit3A_623 : f32 to vector<1x2048xf32>
    %max3A_626 = arith.maximumf %max3A_625, %get3A_622 : vector<1x2048xf32>
    %min3A_627 = vector.broadcast %jit3A_624 : f32 to vector<1x2048xf32>
    %min3A_628 = arith.minimumf %min3A_627, %max3A_626 : vector<1x2048xf32>
    %log3A_629 = math.log %min3A_628 : vector<1x2048xf32>
    %sub3A_630 = arith.constant 1.000000e+00 : f32
    %sub3A_631 = vector.broadcast %sub3A_630 : f32 to vector<1x2048xf32>
    %sub3A_632 = arith.subf %sub3A_631, %min3A_628 : vector<1x2048xf32>
    %log3A_633 = math.log %sub3A_632 : vector<1x2048xf32>
    %broadcast_in_dim3A_634 = vector.shape_cast %log3A_629 : vector<1x2048xf32> to vector<1x2048xf32>
    %broadcast_in_dim3A_635 = vector.broadcast %broadcast_in_dim3A_634 : vector<1x2048xf32> to vector<32x2048xf32>
    %broadcast_in_dim3A_636 = vector.shape_cast %log3A_633 : vector<1x2048xf32> to vector<1x2048xf32>
    %broadcast_in_dim3A_637 = vector.broadcast %broadcast_in_dim3A_636 : vector<1x2048xf32> to vector<32x2048xf32>
    %concatenate3A_638 = tpu.concatenate %broadcast_in_dim3A_635, %broadcast_in_dim3A_637, %broadcast_in_dim3A_635, %broadcast_in_dim3A_637 in 0 : vector<32x2048xf32>, vector<32x2048xf32>, vector<32x2048xf32>, vector<32x2048xf32> -> vector<128x2048xf32>
    %mul3A_639 = vector.broadcast %concatenate3A : vector<128x1xf32> to vector<128x2048xf32>
    %mul3A_640 = arith.mulf %mul3A_639, %concatenate3A_638 : vector<128x2048xf32>
    %exp3A_641 = math.exp %mul3A_640 : vector<128x2048xf32>
    %dot_general3A_642 = arith.constant dense<0.000000e+00> : vector<128x256xf32>
    %dot_general3A_643 = tpu.matmul %exp3A_641, %convert_element_type3A_76, %dot_general3A_642 {dimension_numbers = #tpu.dot_dimension_numbers<[1], [0], [0], [1], [0, 0, 1, 1], [], []>, transpose_lhs_hint = false} : vector<128x2048xf32>, vector<2048x256xf32>, vector<128x256xf32> -> vector<128x256xf32>
    %max3A_644 = arith.constant 1.000000e-07 : f32
    %max3A_645 = vector.broadcast %max3A_644 : f32 to vector<128x256xf32>
    %max3A_646 = arith.maximumf %dot_general3A_643, %max3A_645 : vector<128x256xf32>
    %log3A_647 = math.log %max3A_646 : vector<128x256xf32>
    %mul3A_648 = vector.broadcast %concatenate3A_53 : vector<128x1xf32> to vector<128x256xf32>
    %mul3A_649 = arith.mulf %mul3A_648, %log3A_647 : vector<128x256xf32>
    %exp3A_650 = math.exp %mul3A_649 : vector<128x256xf32>
    %mul3A_651 = vector.broadcast %concatenate3A_70 : vector<128x1xf32> to vector<128x256xf32>
    %mul3A_652 = arith.mulf %exp3A_650, %mul3A_651 : vector<128x256xf32>
    %slice3A_653 = vector.extract_strided_slice %mul3A_652 {offsets = [0, 0], sizes = [32, 256], strides = [1, 1]} : vector<128x256xf32> to vector<32x256xf32>
    %slice3A_654 = vector.extract_strided_slice %mul3A_652 {offsets = [32, 0], sizes = [32, 256], strides = [1, 1]} : vector<128x256xf32> to vector<32x256xf32>
    %add3A_655 = arith.addf %slice3A_653, %slice3A_654 : vector<32x256xf32>
    %slice3A_656 = vector.extract_strided_slice %mul3A_652 {offsets = [64, 0], sizes = [32, 256], strides = [1, 1]} : vector<128x256xf32> to vector<32x256xf32>
    %slice3A_657 = vector.extract_strided_slice %mul3A_652 {offsets = [96, 0], sizes = [32, 256], strides = [1, 1]} : vector<128x256xf32> to vector<32x256xf32>
    %add3A_658 = arith.addf %slice3A_656, %slice3A_657 : vector<32x256xf32>
    %sign3A_659 = tpu.bitcast %add3A_658 : vector<32x256xf32> -> vector<32x256xi32>
    %sign3A_660 = arith.constant -2147483648 : i32
    %sign3A_661 = vector.broadcast %sign3A_660 : i32 to vector<32x256xi32>
    %sign3A_662 = arith.andi %sign3A_659, %sign3A_661 : vector<32x256xi32>
    %sign3A_663 = arith.constant 1065353216 : i32
    %sign3A_664 = vector.broadcast %sign3A_663 : i32 to vector<32x256xi32>
    %sign3A_665 = arith.ori %sign3A_664, %sign3A_662 : vector<32x256xi32>
    %sign3A_666 = tpu.bitcast %sign3A_665 : vector<32x256xi32> -> vector<32x256xf32>
    %sign3A_667 = math.absf %add3A_658 : vector<32x256xf32>
    %sign3A_668 = arith.constant 0.000000e+00 : f32
    %sign3A_669 = vector.broadcast %sign3A_668 : f32 to vector<32x256xf32>
    %sign3A_670 = arith.cmpf ogt, %sign3A_667, %sign3A_669 : vector<32x256xf32>
    %sign3A_671 = arith.select %sign3A_670, %sign3A_666, %add3A_658 : vector<32x256xi1>, vector<32x256xf32>
    %max3A_672 = arith.constant 0.000000e+00 : f32
    %max3A_673 = vector.broadcast %max3A_672 : f32 to vector<32x256xf32>
    %max3A_674 = arith.maximumf %max3A_673, %sign3A_671 : vector<32x256xf32>
    %mul3A_675 = arith.constant 2.000000e+00 : f32
    %mul3A_676 = vector.broadcast %mul3A_675 : f32 to vector<32x256xf32>
    %mul3A_677 = arith.mulf %mul3A_676, %max3A_674 : vector<32x256xf32>
    %sub3A_678 = arith.constant 1.000000e+00 : f32
    %sub3A_679 = vector.broadcast %sub3A_678 : f32 to vector<32x256xf32>
    %sub3A_680 = arith.subf %mul3A_677, %sub3A_679 : vector<32x256xf32>
    %lt3A_681 = arith.constant 1.000000e-07 : f32
    %lt3A_682 = vector.broadcast %lt3A_681 : f32 to vector<32x256xf32>
    %lt3A_683 = arith.cmpf olt, %add3A_658, %lt3A_682 : vector<32x256xf32>
    %gt3A_684 = arith.constant -1.000000e-07 : f32
    %gt3A_685 = vector.broadcast %gt3A_684 : f32 to vector<32x256xf32>
    %gt3A_686 = arith.cmpf ogt, %add3A_658, %gt3A_685 : vector<32x256xf32>
    %and3A_687 = arith.andi %lt3A_683, %gt3A_686 : vector<32x256xi1>
    %mul3A_688 = arith.constant 1.000000e-07 : f32
    %mul3A_689 = vector.broadcast %mul3A_688 : f32 to vector<32x256xf32>
    %mul3A_690 = arith.mulf %sub3A_680, %mul3A_689 : vector<32x256xf32>
    %select_n3A_691 = arith.select %and3A_687, %mul3A_690, %add3A_658 : vector<32x256xi1>, vector<32x256xf32>
    %div3A_692 = arith.divf %add3A_655, %select_n3A_691 : vector<32x256xf32>
    %transpose3A_693 = tpu.transpose %div3A_692, [1, 0] : vector<32x256xf32> -> vector<256x32xf32>
    %swap3A_694 = arith.constant 0 : index
    %swap3A_695 = arith.constant 7 : index
    %swap3A_696 = arith.constant 0 : index
    %swap3A_697 = vector.load %arg4[%swap3A_694, %swap3A_695, %swap3A_696] : memref<256x16x32xf32, #tpu.memory_space<vmem>>, vector<256x1x32xf32>
    %swap3A_698 = vector.shape_cast %swap3A_697 : vector<256x1x32xf32> to vector<256x32xf32>
    %swap3A_699 = vector.shape_cast %transpose3A_693 : vector<256x32xf32> to vector<256x1x32xf32>
    tpu.vector_store %arg4[%swap3A_694, %swap3A_695, %swap3A_696], %swap3A_699 {strides = array<i32>} : memref<256x16x32xf32, #tpu.memory_space<vmem>>, vector<256x1x32xf32>,
    %get3A_700 = arith.constant 8 : index
    %get3A_701 = arith.constant 0 : index
    %get3A_702 = vector.load %arg1[%get3A_700, %get3A_701] : memref<16x2048xf32, #tpu.memory_space<vmem>>, vector<1x2048xf32>
    %jit3A_703 = arith.constant 1.000000e-07 : f32
    %jit3A_704 = arith.constant 0.99999988 : f32
    %max3A_705 = vector.broadcast %jit3A_703 : f32 to vector<1x2048xf32>
    %max3A_706 = arith.maximumf %max3A_705, %get3A_702 : vector<1x2048xf32>
    %min3A_707 = vector.broadcast %jit3A_704 : f32 to vector<1x2048xf32>
    %min3A_708 = arith.minimumf %min3A_707, %max3A_706 : vector<1x2048xf32>
    %log3A_709 = math.log %min3A_708 : vector<1x2048xf32>
    %sub3A_710 = arith.constant 1.000000e+00 : f32
    %sub3A_711 = vector.broadcast %sub3A_710 : f32 to vector<1x2048xf32>
    %sub3A_712 = arith.subf %sub3A_711, %min3A_708 : vector<1x2048xf32>
    %log3A_713 = math.log %sub3A_712 : vector<1x2048xf32>
    %broadcast_in_dim3A_714 = vector.shape_cast %log3A_709 : vector<1x2048xf32> to vector<1x2048xf32>
    %broadcast_in_dim3A_715 = vector.broadcast %broadcast_in_dim3A_714 : vector<1x2048xf32> to vector<32x2048xf32>
    %broadcast_in_dim3A_716 = vector.shape_cast %log3A_713 : vector<1x2048xf32> to vector<1x2048xf32>
    %broadcast_in_dim3A_717 = vector.broadcast %broadcast_in_dim3A_716 : vector<1x2048xf32> to vector<32x2048xf32>
    %concatenate3A_718 = tpu.concatenate %broadcast_in_dim3A_715, %broadcast_in_dim3A_717, %broadcast_in_dim3A_715, %broadcast_in_dim3A_717 in 0 : vector<32x2048xf32>, vector<32x2048xf32>, vector<32x2048xf32>, vector<32x2048xf32> -> vector<128x2048xf32>
    %mul3A_719 = vector.broadcast %concatenate3A : vector<128x1xf32> to vector<128x2048xf32>
    %mul3A_720 = arith.mulf %mul3A_719, %concatenate3A_718 : vector<128x2048xf32>
    %exp3A_721 = math.exp %mul3A_720 : vector<128x2048xf32>
    %dot_general3A_722 = arith.constant dense<0.000000e+00> : vector<128x256xf32>
    %dot_general3A_723 = tpu.matmul %exp3A_721, %convert_element_type3A_76, %dot_general3A_722 {dimension_numbers = #tpu.dot_dimension_numbers<[1], [0], [0], [1], [0, 0, 1, 1], [], []>, transpose_lhs_hint = false} : vector<128x2048xf32>, vector<2048x256xf32>, vector<128x256xf32> -> vector<128x256xf32>
    %max3A_724 = arith.constant 1.000000e-07 : f32
    %max3A_725 = vector.broadcast %max3A_724 : f32 to vector<128x256xf32>
    %max3A_726 = arith.maximumf %dot_general3A_723, %max3A_725 : vector<128x256xf32>
    %log3A_727 = math.log %max3A_726 : vector<128x256xf32>
    %mul3A_728 = vector.broadcast %concatenate3A_53 : vector<128x1xf32> to vector<128x256xf32>
    %mul3A_729 = arith.mulf %mul3A_728, %log3A_727 : vector<128x256xf32>
    %exp3A_730 = math.exp %mul3A_729 : vector<128x256xf32>
    %mul3A_731 = vector.broadcast %concatenate3A_70 : vector<128x1xf32> to vector<128x256xf32>
    %mul3A_732 = arith.mulf %exp3A_730, %mul3A_731 : vector<128x256xf32>
    %slice3A_733 = vector.extract_strided_slice %mul3A_732 {offsets = [0, 0], sizes = [32, 256], strides = [1, 1]} : vector<128x256xf32> to vector<32x256xf32>
    %slice3A_734 = vector.extract_strided_slice %mul3A_732 {offsets = [32, 0], sizes = [32, 256], strides = [1, 1]} : vector<128x256xf32> to vector<32x256xf32>
    %add3A_735 = arith.addf %slice3A_733, %slice3A_734 : vector<32x256xf32>
    %slice3A_736 = vector.extract_strided_slice %mul3A_732 {offsets = [64, 0], sizes = [32, 256], strides = [1, 1]} : vector<128x256xf32> to vector<32x256xf32>
    %slice3A_737 = vector.extract_strided_slice %mul3A_732 {offsets = [96, 0], sizes = [32, 256], strides = [1, 1]} : vector<128x256xf32> to vector<32x256xf32>
    %add3A_738 = arith.addf %slice3A_736, %slice3A_737 : vector<32x256xf32>
    %sign3A_739 = tpu.bitcast %add3A_738 : vector<32x256xf32> -> vector<32x256xi32>
    %sign3A_740 = arith.constant -2147483648 : i32
    %sign3A_741 = vector.broadcast %sign3A_740 : i32 to vector<32x256xi32>
    %sign3A_742 = arith.andi %sign3A_739, %sign3A_741 : vector<32x256xi32>
    %sign3A_743 = arith.constant 1065353216 : i32
    %sign3A_744 = vector.broadcast %sign3A_743 : i32 to vector<32x256xi32>
    %sign3A_745 = arith.ori %sign3A_744, %sign3A_742 : vector<32x256xi32>
    %sign3A_746 = tpu.bitcast %sign3A_745 : vector<32x256xi32> -> vector<32x256xf32>
    %sign3A_747 = math.absf %add3A_738 : vector<32x256xf32>
    %sign3A_748 = arith.constant 0.000000e+00 : f32
    %sign3A_749 = vector.broadcast %sign3A_748 : f32 to vector<32x256xf32>
    %sign3A_750 = arith.cmpf ogt, %sign3A_747, %sign3A_749 : vector<32x256xf32>
    %sign3A_751 = arith.select %sign3A_750, %sign3A_746, %add3A_738 : vector<32x256xi1>, vector<32x256xf32>
    %max3A_752 = arith.constant 0.000000e+00 : f32
    %max3A_753 = vector.broadcast %max3A_752 : f32 to vector<32x256xf32>
    %max3A_754 = arith.maximumf %max3A_753, %sign3A_751 : vector<32x256xf32>
    %mul3A_755 = arith.constant 2.000000e+00 : f32
    %mul3A_756 = vector.broadcast %mul3A_755 : f32 to vector<32x256xf32>
    %mul3A_757 = arith.mulf %mul3A_756, %max3A_754 : vector<32x256xf32>
    %sub3A_758 = arith.constant 1.000000e+00 : f32
    %sub3A_759 = vector.broadcast %sub3A_758 : f32 to vector<32x256xf32>
    %sub3A_760 = arith.subf %mul3A_757, %sub3A_759 : vector<32x256xf32>
    %lt3A_761 = arith.constant 1.000000e-07 : f32
    %lt3A_762 = vector.broadcast %lt3A_761 : f32 to vector<32x256xf32>
    %lt3A_763 = arith.cmpf olt, %add3A_738, %lt3A_762 : vector<32x256xf32>
    %gt3A_764 = arith.constant -1.000000e-07 : f32
    %gt3A_765 = vector.broadcast %gt3A_764 : f32 to vector<32x256xf32>
    %gt3A_766 = arith.cmpf ogt, %add3A_738, %gt3A_765 : vector<32x256xf32>
    %and3A_767 = arith.andi %lt3A_763, %gt3A_766 : vector<32x256xi1>
    %mul3A_768 = arith.constant 1.000000e-07 : f32
    %mul3A_769 = vector.broadcast %mul3A_768 : f32 to vector<32x256xf32>
    %mul3A_770 = arith.mulf %sub3A_760, %mul3A_769 : vector<32x256xf32>
    %select_n3A_771 = arith.select %and3A_767, %mul3A_770, %add3A_738 : vector<32x256xi1>, vector<32x256xf32>
    %div3A_772 = arith.divf %add3A_735, %select_n3A_771 : vector<32x256xf32>
    %transpose3A_773 = tpu.transpose %div3A_772, [1, 0] : vector<32x256xf32> -> vector<256x32xf32>
    %swap3A_774 = arith.constant 0 : index
    %swap3A_775 = arith.constant 8 : index
    %swap3A_776 = arith.constant 0 : index
    %swap3A_777 = vector.load %arg4[%swap3A_774, %swap3A_775, %swap3A_776] : memref<256x16x32xf32, #tpu.memory_space<vmem>>, vector<256x1x32xf32>
    %swap3A_778 = vector.shape_cast %swap3A_777 : vector<256x1x32xf32> to vector<256x32xf32>
    %swap3A_779 = vector.shape_cast %transpose3A_773 : vector<256x32xf32> to vector<256x1x32xf32>
    tpu.vector_store %arg4[%swap3A_774, %swap3A_775, %swap3A_776], %swap3A_779 {strides = array<i32>} : memref<256x16x32xf32, #tpu.memory_space<vmem>>, vector<256x1x32xf32>,
    %get3A_780 = arith.constant 9 : index
    %get3A_781 = arith.constant 0 : index
    %get3A_782 = vector.load %arg1[%get3A_780, %get3A_781] : memref<16x2048xf32, #tpu.memory_space<vmem>>, vector<1x2048xf32>
    %jit3A_783 = arith.constant 1.000000e-07 : f32
    %jit3A_784 = arith.constant 0.99999988 : f32
    %max3A_785 = vector.broadcast %jit3A_783 : f32 to vector<1x2048xf32>
    %max3A_786 = arith.maximumf %max3A_785, %get3A_782 : vector<1x2048xf32>
    %min3A_787 = vector.broadcast %jit3A_784 : f32 to vector<1x2048xf32>
    %min3A_788 = arith.minimumf %min3A_787, %max3A_786 : vector<1x2048xf32>
    %log3A_789 = math.log %min3A_788 : vector<1x2048xf32>
    %sub3A_790 = arith.constant 1.000000e+00 : f32
    %sub3A_791 = vector.broadcast %sub3A_790 : f32 to vector<1x2048xf32>
    %sub3A_792 = arith.subf %sub3A_791, %min3A_788 : vector<1x2048xf32>
    %log3A_793 = math.log %sub3A_792 : vector<1x2048xf32>
    %broadcast_in_dim3A_794 = vector.shape_cast %log3A_789 : vector<1x2048xf32> to vector<1x2048xf32>
    %broadcast_in_dim3A_795 = vector.broadcast %broadcast_in_dim3A_794 : vector<1x2048xf32> to vector<32x2048xf32>
    %broadcast_in_dim3A_796 = vector.shape_cast %log3A_793 : vector<1x2048xf32> to vector<1x2048xf32>
    %broadcast_in_dim3A_797 = vector.broadcast %broadcast_in_dim3A_796 : vector<1x2048xf32> to vector<32x2048xf32>
    %concatenate3A_798 = tpu.concatenate %broadcast_in_dim3A_795, %broadcast_in_dim3A_797, %broadcast_in_dim3A_795, %broadcast_in_dim3A_797 in 0 : vector<32x2048xf32>, vector<32x2048xf32>, vector<32x2048xf32>, vector<32x2048xf32> -> vector<128x2048xf32>
    %mul3A_799 = vector.broadcast %concatenate3A : vector<128x1xf32> to vector<128x2048xf32>
    %mul3A_800 = arith.mulf %mul3A_799, %concatenate3A_798 : vector<128x2048xf32>
    %exp3A_801 = math.exp %mul3A_800 : vector<128x2048xf32>
    %dot_general3A_802 = arith.constant dense<0.000000e+00> : vector<128x256xf32>
    %dot_general3A_803 = tpu.matmul %exp3A_801, %convert_element_type3A_76, %dot_general3A_802 {dimension_numbers = #tpu.dot_dimension_numbers<[1], [0], [0], [1], [0, 0, 1, 1], [], []>, transpose_lhs_hint = false} : vector<128x2048xf32>, vector<2048x256xf32>, vector<128x256xf32> -> vector<128x256xf32>
    %max3A_804 = arith.constant 1.000000e-07 : f32
    %max3A_805 = vector.broadcast %max3A_804 : f32 to vector<128x256xf32>
    %max3A_806 = arith.maximumf %dot_general3A_803, %max3A_805 : vector<128x256xf32>
    %log3A_807 = math.log %max3A_806 : vector<128x256xf32>
    %mul3A_808 = vector.broadcast %concatenate3A_53 : vector<128x1xf32> to vector<128x256xf32>
    %mul3A_809 = arith.mulf %mul3A_808, %log3A_807 : vector<128x256xf32>
    %exp3A_810 = math.exp %mul3A_809 : vector<128x256xf32>
    %mul3A_811 = vector.broadcast %concatenate3A_70 : vector<128x1xf32> to vector<128x256xf32>
    %mul3A_812 = arith.mulf %exp3A_810, %mul3A_811 : vector<128x256xf32>
    %slice3A_813 = vector.extract_strided_slice %mul3A_812 {offsets = [0, 0], sizes = [32, 256], strides = [1, 1]} : vector<128x256xf32> to vector<32x256xf32>
    %slice3A_814 = vector.extract_strided_slice %mul3A_812 {offsets = [32, 0], sizes = [32, 256], strides = [1, 1]} : vector<128x256xf32> to vector<32x256xf32>
    %add3A_815 = arith.addf %slice3A_813, %slice3A_814 : vector<32x256xf32>
    %slice3A_816 = vector.extract_strided_slice %mul3A_812 {offsets = [64, 0], sizes = [32, 256], strides = [1, 1]} : vector<128x256xf32> to vector<32x256xf32>
    %slice3A_817 = vector.extract_strided_slice %mul3A_812 {offsets = [96, 0], sizes = [32, 256], strides = [1, 1]} : vector<128x256xf32> to vector<32x256xf32>
    %add3A_818 = arith.addf %slice3A_816, %slice3A_817 : vector<32x256xf32>
    %sign3A_819 = tpu.bitcast %add3A_818 : vector<32x256xf32> -> vector<32x256xi32>
    %sign3A_820 = arith.constant -2147483648 : i32
    %sign3A_821 = vector.broadcast %sign3A_820 : i32 to vector<32x256xi32>
    %sign3A_822 = arith.andi %sign3A_819, %sign3A_821 : vector<32x256xi32>
    %sign3A_823 = arith.constant 1065353216 : i32
    %sign3A_824 = vector.broadcast %sign3A_823 : i32 to vector<32x256xi32>
    %sign3A_825 = arith.ori %sign3A_824, %sign3A_822 : vector<32x256xi32>
    %sign3A_826 = tpu.bitcast %sign3A_825 : vector<32x256xi32> -> vector<32x256xf32>
    %sign3A_827 = math.absf %add3A_818 : vector<32x256xf32>
    %sign3A_828 = arith.constant 0.000000e+00 : f32
    %sign3A_829 = vector.broadcast %sign3A_828 : f32 to vector<32x256xf32>
    %sign3A_830 = arith.cmpf ogt, %sign3A_827, %sign3A_829 : vector<32x256xf32>
    %sign3A_831 = arith.select %sign3A_830, %sign3A_826, %add3A_818 : vector<32x256xi1>, vector<32x256xf32>
    %max3A_832 = arith.constant 0.000000e+00 : f32
    %max3A_833 = vector.broadcast %max3A_832 : f32 to vector<32x256xf32>
    %max3A_834 = arith.maximumf %max3A_833, %sign3A_831 : vector<32x256xf32>
    %mul3A_835 = arith.constant 2.000000e+00 : f32
    %mul3A_836 = vector.broadcast %mul3A_835 : f32 to vector<32x256xf32>
    %mul3A_837 = arith.mulf %mul3A_836, %max3A_834 : vector<32x256xf32>
    %sub3A_838 = arith.constant 1.000000e+00 : f32
    %sub3A_839 = vector.broadcast %sub3A_838 : f32 to vector<32x256xf32>
    %sub3A_840 = arith.subf %mul3A_837, %sub3A_839 : vector<32x256xf32>
    %lt3A_841 = arith.constant 1.000000e-07 : f32
    %lt3A_842 = vector.broadcast %lt3A_841 : f32 to vector<32x256xf32>
    %lt3A_843 = arith.cmpf olt, %add3A_818, %lt3A_842 : vector<32x256xf32>
    %gt3A_844 = arith.constant -1.000000e-07 : f32
    %gt3A_845 = vector.broadcast %gt3A_844 : f32 to vector<32x256xf32>
    %gt3A_846 = arith.cmpf ogt, %add3A_818, %gt3A_845 : vector<32x256xf32>
    %and3A_847 = arith.andi %lt3A_843, %gt3A_846 : vector<32x256xi1>
    %mul3A_848 = arith.constant 1.000000e-07 : f32
    %mul3A_849 = vector.broadcast %mul3A_848 : f32 to vector<32x256xf32>
    %mul3A_850 = arith.mulf %sub3A_840, %mul3A_849 : vector<32x256xf32>
    %select_n3A_851 = arith.select %and3A_847, %mul3A_850, %add3A_818 : vector<32x256xi1>, vector<32x256xf32>
    %div3A_852 = arith.divf %add3A_815, %select_n3A_851 : vector<32x256xf32>
    %transpose3A_853 = tpu.transpose %div3A_852, [1, 0] : vector<32x256xf32> -> vector<256x32xf32>
    %swap3A_854 = arith.constant 0 : index
    %swap3A_855 = arith.constant 9 : index
    %swap3A_856 = arith.constant 0 : index
    %swap3A_857 = vector.load %arg4[%swap3A_854, %swap3A_855, %swap3A_856] : memref<256x16x32xf32, #tpu.memory_space<vmem>>, vector<256x1x32xf32>
    %swap3A_858 = vector.shape_cast %swap3A_857 : vector<256x1x32xf32> to vector<256x32xf32>
    %swap3A_859 = vector.shape_cast %transpose3A_853 : vector<256x32xf32> to vector<256x1x32xf32>
    tpu.vector_store %arg4[%swap3A_854, %swap3A_855, %swap3A_856], %swap3A_859 {strides = array<i32>} : memref<256x16x32xf32, #tpu.memory_space<vmem>>, vector<256x1x32xf32>,
    %get3A_860 = arith.constant 10 : index
    %get3A_861 = arith.constant 0 : index
    %get3A_862 = vector.load %arg1[%get3A_860, %get3A_861] : memref<16x2048xf32, #tpu.memory_space<vmem>>, vector<1x2048xf32>
    %jit3A_863 = arith.constant 1.000000e-07 : f32
    %jit3A_864 = arith.constant 0.99999988 : f32
    %max3A_865 = vector.broadcast %jit3A_863 : f32 to vector<1x2048xf32>
    %max3A_866 = arith.maximumf %max3A_865, %get3A_862 : vector<1x2048xf32>
    %min3A_867 = vector.broadcast %jit3A_864 : f32 to vector<1x2048xf32>
    %min3A_868 = arith.minimumf %min3A_867, %max3A_866 : vector<1x2048xf32>
    %log3A_869 = math.log %min3A_868 : vector<1x2048xf32>
    %sub3A_870 = arith.constant 1.000000e+00 : f32
    %sub3A_871 = vector.broadcast %sub3A_870 : f32 to vector<1x2048xf32>
    %sub3A_872 = arith.subf %sub3A_871, %min3A_868 : vector<1x2048xf32>
    %log3A_873 = math.log %sub3A_872 : vector<1x2048xf32>
    %broadcast_in_dim3A_874 = vector.shape_cast %log3A_869 : vector<1x2048xf32> to vector<1x2048xf32>
    %broadcast_in_dim3A_875 = vector.broadcast %broadcast_in_dim3A_874 : vector<1x2048xf32> to vector<32x2048xf32>
    %broadcast_in_dim3A_876 = vector.shape_cast %log3A_873 : vector<1x2048xf32> to vector<1x2048xf32>
    %broadcast_in_dim3A_877 = vector.broadcast %broadcast_in_dim3A_876 : vector<1x2048xf32> to vector<32x2048xf32>
    %concatenate3A_878 = tpu.concatenate %broadcast_in_dim3A_875, %broadcast_in_dim3A_877, %broadcast_in_dim3A_875, %broadcast_in_dim3A_877 in 0 : vector<32x2048xf32>, vector<32x2048xf32>, vector<32x2048xf32>, vector<32x2048xf32> -> vector<128x2048xf32>
    %mul3A_879 = vector.broadcast %concatenate3A : vector<128x1xf32> to vector<128x2048xf32>
    %mul3A_880 = arith.mulf %mul3A_879, %concatenate3A_878 : vector<128x2048xf32>
    %exp3A_881 = math.exp %mul3A_880 : vector<128x2048xf32>
    %dot_general3A_882 = arith.constant dense<0.000000e+00> : vector<128x256xf32>
    %dot_general3A_883 = tpu.matmul %exp3A_881, %convert_element_type3A_76, %dot_general3A_882 {dimension_numbers = #tpu.dot_dimension_numbers<[1], [0], [0], [1], [0, 0, 1, 1], [], []>, transpose_lhs_hint = false} : vector<128x2048xf32>, vector<2048x256xf32>, vector<128x256xf32> -> vector<128x256xf32>
    %max3A_884 = arith.constant 1.000000e-07 : f32
    %max3A_885 = vector.broadcast %max3A_884 : f32 to vector<128x256xf32>
    %max3A_886 = arith.maximumf %dot_general3A_883, %max3A_885 : vector<128x256xf32>
    %log3A_887 = math.log %max3A_886 : vector<128x256xf32>
    %mul3A_888 = vector.broadcast %concatenate3A_53 : vector<128x1xf32> to vector<128x256xf32>
    %mul3A_889 = arith.mulf %mul3A_888, %log3A_887 : vector<128x256xf32>
    %exp3A_890 = math.exp %mul3A_889 : vector<128x256xf32>
    %mul3A_891 = vector.broadcast %concatenate3A_70 : vector<128x1xf32> to vector<128x256xf32>
    %mul3A_892 = arith.mulf %exp3A_890, %mul3A_891 : vector<128x256xf32>
    %slice3A_893 = vector.extract_strided_slice %mul3A_892 {offsets = [0, 0], sizes = [32, 256], strides = [1, 1]} : vector<128x256xf32> to vector<32x256xf32>
    %slice3A_894 = vector.extract_strided_slice %mul3A_892 {offsets = [32, 0], sizes = [32, 256], strides = [1, 1]} : vector<128x256xf32> to vector<32x256xf32>
    %add3A_895 = arith.addf %slice3A_893, %slice3A_894 : vector<32x256xf32>
    %slice3A_896 = vector.extract_strided_slice %mul3A_892 {offsets = [64, 0], sizes = [32, 256], strides = [1, 1]} : vector<128x256xf32> to vector<32x256xf32>
    %slice3A_897 = vector.extract_strided_slice %mul3A_892 {offsets = [96, 0], sizes = [32, 256], strides = [1, 1]} : vector<128x256xf32> to vector<32x256xf32>
    %add3A_898 = arith.addf %slice3A_896, %slice3A_897 : vector<32x256xf32>
    %sign3A_899 = tpu.bitcast %add3A_898 : vector<32x256xf32> -> vector<32x256xi32>
    %sign3A_900 = arith.constant -2147483648 : i32
    %sign3A_901 = vector.broadcast %sign3A_900 : i32 to vector<32x256xi32>
    %sign3A_902 = arith.andi %sign3A_899, %sign3A_901 : vector<32x256xi32>
    %sign3A_903 = arith.constant 1065353216 : i32
    %sign3A_904 = vector.broadcast %sign3A_903 : i32 to vector<32x256xi32>
    %sign3A_905 = arith.ori %sign3A_904, %sign3A_902 : vector<32x256xi32>
    %sign3A_906 = tpu.bitcast %sign3A_905 : vector<32x256xi32> -> vector<32x256xf32>
    %sign3A_907 = math.absf %add3A_898 : vector<32x256xf32>
    %sign3A_908 = arith.constant 0.000000e+00 : f32
    %sign3A_909 = vector.broadcast %sign3A_908 : f32 to vector<32x256xf32>
    %sign3A_910 = arith.cmpf ogt, %sign3A_907, %sign3A_909 : vector<32x256xf32>
    %sign3A_911 = arith.select %sign3A_910, %sign3A_906, %add3A_898 : vector<32x256xi1>, vector<32x256xf32>
    %max3A_912 = arith.constant 0.000000e+00 : f32
    %max3A_913 = vector.broadcast %max3A_912 : f32 to vector<32x256xf32>
    %max3A_914 = arith.maximumf %max3A_913, %sign3A_911 : vector<32x256xf32>
    %mul3A_915 = arith.constant 2.000000e+00 : f32
    %mul3A_916 = vector.broadcast %mul3A_915 : f32 to vector<32x256xf32>
    %mul3A_917 = arith.mulf %mul3A_916, %max3A_914 : vector<32x256xf32>
    %sub3A_918 = arith.constant 1.000000e+00 : f32
    %sub3A_919 = vector.broadcast %sub3A_918 : f32 to vector<32x256xf32>
    %sub3A_920 = arith.subf %mul3A_917, %sub3A_919 : vector<32x256xf32>
    %lt3A_921 = arith.constant 1.000000e-07 : f32
    %lt3A_922 = vector.broadcast %lt3A_921 : f32 to vector<32x256xf32>
    %lt3A_923 = arith.cmpf olt, %add3A_898, %lt3A_922 : vector<32x256xf32>
    %gt3A_924 = arith.constant -1.000000e-07 : f32
    %gt3A_925 = vector.broadcast %gt3A_924 : f32 to vector<32x256xf32>
    %gt3A_926 = arith.cmpf ogt, %add3A_898, %gt3A_925 : vector<32x256xf32>
    %and3A_927 = arith.andi %lt3A_923, %gt3A_926 : vector<32x256xi1>
    %mul3A_928 = arith.constant 1.000000e-07 : f32
    %mul3A_929 = vector.broadcast %mul3A_928 : f32 to vector<32x256xf32>
    %mul3A_930 = arith.mulf %sub3A_920, %mul3A_929 : vector<32x256xf32>
    %select_n3A_931 = arith.select %and3A_927, %mul3A_930, %add3A_898 : vector<32x256xi1>, vector<32x256xf32>
    %div3A_932 = arith.divf %add3A_895, %select_n3A_931 : vector<32x256xf32>
    %transpose3A_933 = tpu.transpose %div3A_932, [1, 0] : vector<32x256xf32> -> vector<256x32xf32>
    %swap3A_934 = arith.constant 0 : index
    %swap3A_935 = arith.constant 10 : index
    %swap3A_936 = arith.constant 0 : index
    %swap3A_937 = vector.load %arg4[%swap3A_934, %swap3A_935, %swap3A_936] : memref<256x16x32xf32, #tpu.memory_space<vmem>>, vector<256x1x32xf32>
    %swap3A_938 = vector.shape_cast %swap3A_937 : vector<256x1x32xf32> to vector<256x32xf32>
    %swap3A_939 = vector.shape_cast %transpose3A_933 : vector<256x32xf32> to vector<256x1x32xf32>
    tpu.vector_store %arg4[%swap3A_934, %swap3A_935, %swap3A_936], %swap3A_939 {strides = array<i32>} : memref<256x16x32xf32, #tpu.memory_space<vmem>>, vector<256x1x32xf32>,
    %get3A_940 = arith.constant 11 : index
    %get3A_941 = arith.constant 0 : index
    %get3A_942 = vector.load %arg1[%get3A_940, %get3A_941] : memref<16x2048xf32, #tpu.memory_space<vmem>>, vector<1x2048xf32>
    %jit3A_943 = arith.constant 1.000000e-07 : f32
    %jit3A_944 = arith.constant 0.99999988 : f32
    %max3A_945 = vector.broadcast %jit3A_943 : f32 to vector<1x2048xf32>
    %max3A_946 = arith.maximumf %max3A_945, %get3A_942 : vector<1x2048xf32>
    %min3A_947 = vector.broadcast %jit3A_944 : f32 to vector<1x2048xf32>
    %min3A_948 = arith.minimumf %min3A_947, %max3A_946 : vector<1x2048xf32>
    %log3A_949 = math.log %min3A_948 : vector<1x2048xf32>
    %sub3A_950 = arith.constant 1.000000e+00 : f32
    %sub3A_951 = vector.broadcast %sub3A_950 : f32 to vector<1x2048xf32>
    %sub3A_952 = arith.subf %sub3A_951, %min3A_948 : vector<1x2048xf32>
    %log3A_953 = math.log %sub3A_952 : vector<1x2048xf32>
    %broadcast_in_dim3A_954 = vector.shape_cast %log3A_949 : vector<1x2048xf32> to vector<1x2048xf32>
    %broadcast_in_dim3A_955 = vector.broadcast %broadcast_in_dim3A_954 : vector<1x2048xf32> to vector<32x2048xf32>
    %broadcast_in_dim3A_956 = vector.shape_cast %log3A_953 : vector<1x2048xf32> to vector<1x2048xf32>
    %broadcast_in_dim3A_957 = vector.broadcast %broadcast_in_dim3A_956 : vector<1x2048xf32> to vector<32x2048xf32>
    %concatenate3A_958 = tpu.concatenate %broadcast_in_dim3A_955, %broadcast_in_dim3A_957, %broadcast_in_dim3A_955, %broadcast_in_dim3A_957 in 0 : vector<32x2048xf32>, vector<32x2048xf32>, vector<32x2048xf32>, vector<32x2048xf32> -> vector<128x2048xf32>
    %mul3A_959 = vector.broadcast %concatenate3A : vector<128x1xf32> to vector<128x2048xf32>
    %mul3A_960 = arith.mulf %mul3A_959, %concatenate3A_958 : vector<128x2048xf32>
    %exp3A_961 = math.exp %mul3A_960 : vector<128x2048xf32>
    %dot_general3A_962 = arith.constant dense<0.000000e+00> : vector<128x256xf32>
    %dot_general3A_963 = tpu.matmul %exp3A_961, %convert_element_type3A_76, %dot_general3A_962 {dimension_numbers = #tpu.dot_dimension_numbers<[1], [0], [0], [1], [0, 0, 1, 1], [], []>, transpose_lhs_hint = false} : vector<128x2048xf32>, vector<2048x256xf32>, vector<128x256xf32> -> vector<128x256xf32>
    %max3A_964 = arith.constant 1.000000e-07 : f32
    %max3A_965 = vector.broadcast %max3A_964 : f32 to vector<128x256xf32>
    %max3A_966 = arith.maximumf %dot_general3A_963, %max3A_965 : vector<128x256xf32>
    %log3A_967 = math.log %max3A_966 : vector<128x256xf32>
    %mul3A_968 = vector.broadcast %concatenate3A_53 : vector<128x1xf32> to vector<128x256xf32>
    %mul3A_969 = arith.mulf %mul3A_968, %log3A_967 : vector<128x256xf32>
    %exp3A_970 = math.exp %mul3A_969 : vector<128x256xf32>
    %mul3A_971 = vector.broadcast %concatenate3A_70 : vector<128x1xf32> to vector<128x256xf32>
    %mul3A_972 = arith.mulf %exp3A_970, %mul3A_971 : vector<128x256xf32>
    %slice3A_973 = vector.extract_strided_slice %mul3A_972 {offsets = [0, 0], sizes = [32, 256], strides = [1, 1]} : vector<128x256xf32> to vector<32x256xf32>
    %slice3A_974 = vector.extract_strided_slice %mul3A_972 {offsets = [32, 0], sizes = [32, 256], strides = [1, 1]} : vector<128x256xf32> to vector<32x256xf32>
    %add3A_975 = arith.addf %slice3A_973, %slice3A_974 : vector<32x256xf32>
    %slice3A_976 = vector.extract_strided_slice %mul3A_972 {offsets = [64, 0], sizes = [32, 256], strides = [1, 1]} : vector<128x256xf32> to vector<32x256xf32>
    %slice3A_977 = vector.extract_strided_slice %mul3A_972 {offsets = [96, 0], sizes = [32, 256], strides = [1, 1]} : vector<128x256xf32> to vector<32x256xf32>
    %add3A_978 = arith.addf %slice3A_976, %slice3A_977 : vector<32x256xf32>
    %sign3A_979 = tpu.bitcast %add3A_978 : vector<32x256xf32> -> vector<32x256xi32>
    %sign3A_980 = arith.constant -2147483648 : i32
    %sign3A_981 = vector.broadcast %sign3A_980 : i32 to vector<32x256xi32>
    %sign3A_982 = arith.andi %sign3A_979, %sign3A_981 : vector<32x256xi32>
    %sign3A_983 = arith.constant 1065353216 : i32
    %sign3A_984 = vector.broadcast %sign3A_983 : i32 to vector<32x256xi32>
    %sign3A_985 = arith.ori %sign3A_984, %sign3A_982 : vector<32x256xi32>
    %sign3A_986 = tpu.bitcast %sign3A_985 : vector<32x256xi32> -> vector<32x256xf32>
    %sign3A_987 = math.absf %add3A_978 : vector<32x256xf32>
    %sign3A_988 = arith.constant 0.000000e+00 : f32
    %sign3A_989 = vector.broadcast %sign3A_988 : f32 to vector<32x256xf32>
    %sign3A_990 = arith.cmpf ogt, %sign3A_987, %sign3A_989 : vector<32x256xf32>
    %sign3A_991 = arith.select %sign3A_990, %sign3A_986, %add3A_978 : vector<32x256xi1>, vector<32x256xf32>
    %max3A_992 = arith.constant 0.000000e+00 : f32
    %max3A_993 = vector.broadcast %max3A_992 : f32 to vector<32x256xf32>
    %max3A_994 = arith.maximumf %max3A_993, %sign3A_991 : vector<32x256xf32>
    %mul3A_995 = arith.constant 2.000000e+00 : f32
    %mul3A_996 = vector.broadcast %mul3A_995 : f32 to vector<32x256xf32>
    %mul3A_997 = arith.mulf %mul3A_996, %max3A_994 : vector<32x256xf32>
    %sub3A_998 = arith.constant 1.000000e+00 : f32
    %sub3A_999 = vector.broadcast %sub3A_998 : f32 to vector<32x256xf32>
    %sub3A_1000 = arith.subf %mul3A_997, %sub3A_999 : vector<32x256xf32>
    %lt3A_1001 = arith.constant 1.000000e-07 : f32
    %lt3A_1002 = vector.broadcast %lt3A_1001 : f32 to vector<32x256xf32>
    %lt3A_1003 = arith.cmpf olt, %add3A_978, %lt3A_1002 : vector<32x256xf32>
    %gt3A_1004 = arith.constant -1.000000e-07 : f32
    %gt3A_1005 = vector.broadcast %gt3A_1004 : f32 to vector<32x256xf32>
    %gt3A_1006 = arith.cmpf ogt, %add3A_978, %gt3A_1005 : vector<32x256xf32>
    %and3A_1007 = arith.andi %lt3A_1003, %gt3A_1006 : vector<32x256xi1>
    %mul3A_1008 = arith.constant 1.000000e-07 : f32
    %mul3A_1009 = vector.broadcast %mul3A_1008 : f32 to vector<32x256xf32>
    %mul3A_1010 = arith.mulf %sub3A_1000, %mul3A_1009 : vector<32x256xf32>
    %select_n3A_1011 = arith.select %and3A_1007, %mul3A_1010, %add3A_978 : vector<32x256xi1>, vector<32x256xf32>
    %div3A_1012 = arith.divf %add3A_975, %select_n3A_1011 : vector<32x256xf32>
    %transpose3A_1013 = tpu.transpose %div3A_1012, [1, 0] : vector<32x256xf32> -> vector<256x32xf32>
    %swap3A_1014 = arith.constant 0 : index
    %swap3A_1015 = arith.constant 11 : index
    %swap3A_1016 = arith.constant 0 : index
    %swap3A_1017 = vector.load %arg4[%swap3A_1014, %swap3A_1015, %swap3A_1016] : memref<256x16x32xf32, #tpu.memory_space<vmem>>, vector<256x1x32xf32>
    %swap3A_1018 = vector.shape_cast %swap3A_1017 : vector<256x1x32xf32> to vector<256x32xf32>
    %swap3A_1019 = vector.shape_cast %transpose3A_1013 : vector<256x32xf32> to vector<256x1x32xf32>
    tpu.vector_store %arg4[%swap3A_1014, %swap3A_1015, %swap3A_1016], %swap3A_1019 {strides = array<i32>} : memref<256x16x32xf32, #tpu.memory_space<vmem>>, vector<256x1x32xf32>,
    %get3A_1020 = arith.constant 12 : index
    %get3A_1021 = arith.constant 0 : index
    %get3A_1022 = vector.load %arg1[%get3A_1020, %get3A_1021] : memref<16x2048xf32, #tpu.memory_space<vmem>>, vector<1x2048xf32>
    %jit3A_1023 = arith.constant 1.000000e-07 : f32
    %jit3A_1024 = arith.constant 0.99999988 : f32
    %max3A_1025 = vector.broadcast %jit3A_1023 : f32 to vector<1x2048xf32>
    %max3A_1026 = arith.maximumf %max3A_1025, %get3A_1022 : vector<1x2048xf32>
    %min3A_1027 = vector.broadcast %jit3A_1024 : f32 to vector<1x2048xf32>
    %min3A_1028 = arith.minimumf %min3A_1027, %max3A_1026 : vector<1x2048xf32>
    %log3A_1029 = math.log %min3A_1028 : vector<1x2048xf32>
    %sub3A_1030 = arith.constant 1.000000e+00 : f32
    %sub3A_1031 = vector.broadcast %sub3A_1030 : f32 to vector<1x2048xf32>
    %sub3A_1032 = arith.subf %sub3A_1031, %min3A_1028 : vector<1x2048xf32>
    %log3A_1033 = math.log %sub3A_1032 : vector<1x2048xf32>
    %broadcast_in_dim3A_1034 = vector.shape_cast %log3A_1029 : vector<1x2048xf32> to vector<1x2048xf32>
    %broadcast_in_dim3A_1035 = vector.broadcast %broadcast_in_dim3A_1034 : vector<1x2048xf32> to vector<32x2048xf32>
    %broadcast_in_dim3A_1036 = vector.shape_cast %log3A_1033 : vector<1x2048xf32> to vector<1x2048xf32>
    %broadcast_in_dim3A_1037 = vector.broadcast %broadcast_in_dim3A_1036 : vector<1x2048xf32> to vector<32x2048xf32>
    %concatenate3A_1038 = tpu.concatenate %broadcast_in_dim3A_1035, %broadcast_in_dim3A_1037, %broadcast_in_dim3A_1035, %broadcast_in_dim3A_1037 in 0 : vector<32x2048xf32>, vector<32x2048xf32>, vector<32x2048xf32>, vector<32x2048xf32> -> vector<128x2048xf32>
    %mul3A_1039 = vector.broadcast %concatenate3A : vector<128x1xf32> to vector<128x2048xf32>
    %mul3A_1040 = arith.mulf %mul3A_1039, %concatenate3A_1038 : vector<128x2048xf32>
    %exp3A_1041 = math.exp %mul3A_1040 : vector<128x2048xf32>
    %dot_general3A_1042 = arith.constant dense<0.000000e+00> : vector<128x256xf32>
    %dot_general3A_1043 = tpu.matmul %exp3A_1041, %convert_element_type3A_76, %dot_general3A_1042 {dimension_numbers = #tpu.dot_dimension_numbers<[1], [0], [0], [1], [0, 0, 1, 1], [], []>, transpose_lhs_hint = false} : vector<128x2048xf32>, vector<2048x256xf32>, vector<128x256xf32> -> vector<128x256xf32>
    %max3A_1044 = arith.constant 1.000000e-07 : f32
    %max3A_1045 = vector.broadcast %max3A_1044 : f32 to vector<128x256xf32>
    %max3A_1046 = arith.maximumf %dot_general3A_1043, %max3A_1045 : vector<128x256xf32>
    %log3A_1047 = math.log %max3A_1046 : vector<128x256xf32>
    %mul3A_1048 = vector.broadcast %concatenate3A_53 : vector<128x1xf32> to vector<128x256xf32>
    %mul3A_1049 = arith.mulf %mul3A_1048, %log3A_1047 : vector<128x256xf32>
    %exp3A_1050 = math.exp %mul3A_1049 : vector<128x256xf32>
    %mul3A_1051 = vector.broadcast %concatenate3A_70 : vector<128x1xf32> to vector<128x256xf32>
    %mul3A_1052 = arith.mulf %exp3A_1050, %mul3A_1051 : vector<128x256xf32>
    %slice3A_1053 = vector.extract_strided_slice %mul3A_1052 {offsets = [0, 0], sizes = [32, 256], strides = [1, 1]} : vector<128x256xf32> to vector<32x256xf32>
    %slice3A_1054 = vector.extract_strided_slice %mul3A_1052 {offsets = [32, 0], sizes = [32, 256], strides = [1, 1]} : vector<128x256xf32> to vector<32x256xf32>
    %add3A_1055 = arith.addf %slice3A_1053, %slice3A_1054 : vector<32x256xf32>
    %slice3A_1056 = vector.extract_strided_slice %mul3A_1052 {offsets = [64, 0], sizes = [32, 256], strides = [1, 1]} : vector<128x256xf32> to vector<32x256xf32>
    %slice3A_1057 = vector.extract_strided_slice %mul3A_1052 {offsets = [96, 0], sizes = [32, 256], strides = [1, 1]} : vector<128x256xf32> to vector<32x256xf32>
    %add3A_1058 = arith.addf %slice3A_1056, %slice3A_1057 : vector<32x256xf32>
    %sign3A_1059 = tpu.bitcast %add3A_1058 : vector<32x256xf32> -> vector<32x256xi32>
    %sign3A_1060 = arith.constant -2147483648 : i32
    %sign3A_1061 = vector.broadcast %sign3A_1060 : i32 to vector<32x256xi32>
    %sign3A_1062 = arith.andi %sign3A_1059, %sign3A_1061 : vector<32x256xi32>
    %sign3A_1063 = arith.constant 1065353216 : i32
    %sign3A_1064 = vector.broadcast %sign3A_1063 : i32 to vector<32x256xi32>
    %sign3A_1065 = arith.ori %sign3A_1064, %sign3A_1062 : vector<32x256xi32>
    %sign3A_1066 = tpu.bitcast %sign3A_1065 : vector<32x256xi32> -> vector<32x256xf32>
    %sign3A_1067 = math.absf %add3A_1058 : vector<32x256xf32>
    %sign3A_1068 = arith.constant 0.000000e+00 : f32
    %sign3A_1069 = vector.broadcast %sign3A_1068 : f32 to vector<32x256xf32>
    %sign3A_1070 = arith.cmpf ogt, %sign3A_1067, %sign3A_1069 : vector<32x256xf32>
    %sign3A_1071 = arith.select %sign3A_1070, %sign3A_1066, %add3A_1058 : vector<32x256xi1>, vector<32x256xf32>
    %max3A_1072 = arith.constant 0.000000e+00 : f32
    %max3A_1073 = vector.broadcast %max3A_1072 : f32 to vector<32x256xf32>
    %max3A_1074 = arith.maximumf %max3A_1073, %sign3A_1071 : vector<32x256xf32>
    %mul3A_1075 = arith.constant 2.000000e+00 : f32
    %mul3A_1076 = vector.broadcast %mul3A_1075 : f32 to vector<32x256xf32>
    %mul3A_1077 = arith.mulf %mul3A_1076, %max3A_1074 : vector<32x256xf32>
    %sub3A_1078 = arith.constant 1.000000e+00 : f32
    %sub3A_1079 = vector.broadcast %sub3A_1078 : f32 to vector<32x256xf32>
    %sub3A_1080 = arith.subf %mul3A_1077, %sub3A_1079 : vector<32x256xf32>
    %lt3A_1081 = arith.constant 1.000000e-07 : f32
    %lt3A_1082 = vector.broadcast %lt3A_1081 : f32 to vector<32x256xf32>
    %lt3A_1083 = arith.cmpf olt, %add3A_1058, %lt3A_1082 : vector<32x256xf32>
    %gt3A_1084 = arith.constant -1.000000e-07 : f32
    %gt3A_1085 = vector.broadcast %gt3A_1084 : f32 to vector<32x256xf32>
    %gt3A_1086 = arith.cmpf ogt, %add3A_1058, %gt3A_1085 : vector<32x256xf32>
    %and3A_1087 = arith.andi %lt3A_1083, %gt3A_1086 : vector<32x256xi1>
    %mul3A_1088 = arith.constant 1.000000e-07 : f32
    %mul3A_1089 = vector.broadcast %mul3A_1088 : f32 to vector<32x256xf32>
    %mul3A_1090 = arith.mulf %sub3A_1080, %mul3A_1089 : vector<32x256xf32>
    %select_n3A_1091 = arith.select %and3A_1087, %mul3A_1090, %add3A_1058 : vector<32x256xi1>, vector<32x256xf32>
    %div3A_1092 = arith.divf %add3A_1055, %select_n3A_1091 : vector<32x256xf32>
    %transpose3A_1093 = tpu.transpose %div3A_1092, [1, 0] : vector<32x256xf32> -> vector<256x32xf32>
    %swap3A_1094 = arith.constant 0 : index
    %swap3A_1095 = arith.constant 12 : index
    %swap3A_1096 = arith.constant 0 : index
    %swap3A_1097 = vector.load %arg4[%swap3A_1094, %swap3A_1095, %swap3A_1096] : memref<256x16x32xf32, #tpu.memory_space<vmem>>, vector<256x1x32xf32>
    %swap3A_1098 = vector.shape_cast %swap3A_1097 : vector<256x1x32xf32> to vector<256x32xf32>
    %swap3A_1099 = vector.shape_cast %transpose3A_1093 : vector<256x32xf32> to vector<256x1x32xf32>
    tpu.vector_store %arg4[%swap3A_1094, %swap3A_1095, %swap3A_1096], %swap3A_1099 {strides = array<i32>} : memref<256x16x32xf32, #tpu.memory_space<vmem>>, vector<256x1x32xf32>,
    %get3A_1100 = arith.constant 13 : index
    %get3A_1101 = arith.constant 0 : index
    %get3A_1102 = vector.load %arg1[%get3A_1100, %get3A_1101] : memref<16x2048xf32, #tpu.memory_space<vmem>>, vector<1x2048xf32>
    %jit3A_1103 = arith.constant 1.000000e-07 : f32
    %jit3A_1104 = arith.constant 0.99999988 : f32
    %max3A_1105 = vector.broadcast %jit3A_1103 : f32 to vector<1x2048xf32>
    %max3A_1106 = arith.maximumf %max3A_1105, %get3A_1102 : vector<1x2048xf32>
    %min3A_1107 = vector.broadcast %jit3A_1104 : f32 to vector<1x2048xf32>
    %min3A_1108 = arith.minimumf %min3A_1107, %max3A_1106 : vector<1x2048xf32>
    %log3A_1109 = math.log %min3A_1108 : vector<1x2048xf32>
    %sub3A_1110 = arith.constant 1.000000e+00 : f32
    %sub3A_1111 = vector.broadcast %sub3A_1110 : f32 to vector<1x2048xf32>
    %sub3A_1112 = arith.subf %sub3A_1111, %min3A_1108 : vector<1x2048xf32>
    %log3A_1113 = math.log %sub3A_1112 : vector<1x2048xf32>
    %broadcast_in_dim3A_1114 = vector.shape_cast %log3A_1109 : vector<1x2048xf32> to vector<1x2048xf32>
    %broadcast_in_dim3A_1115 = vector.broadcast %broadcast_in_dim3A_1114 : vector<1x2048xf32> to vector<32x2048xf32>
    %broadcast_in_dim3A_1116 = vector.shape_cast %log3A_1113 : vector<1x2048xf32> to vector<1x2048xf32>
    %broadcast_in_dim3A_1117 = vector.broadcast %broadcast_in_dim3A_1116 : vector<1x2048xf32> to vector<32x2048xf32>
    %concatenate3A_1118 = tpu.concatenate %broadcast_in_dim3A_1115, %broadcast_in_dim3A_1117, %broadcast_in_dim3A_1115, %broadcast_in_dim3A_1117 in 0 : vector<32x2048xf32>, vector<32x2048xf32>, vector<32x2048xf32>, vector<32x2048xf32> -> vector<128x2048xf32>
    %mul3A_1119 = vector.broadcast %concatenate3A : vector<128x1xf32> to vector<128x2048xf32>
    %mul3A_1120 = arith.mulf %mul3A_1119, %concatenate3A_1118 : vector<128x2048xf32>
    %exp3A_1121 = math.exp %mul3A_1120 : vector<128x2048xf32>
    %dot_general3A_1122 = arith.constant dense<0.000000e+00> : vector<128x256xf32>
    %dot_general3A_1123 = tpu.matmul %exp3A_1121, %convert_element_type3A_76, %dot_general3A_1122 {dimension_numbers = #tpu.dot_dimension_numbers<[1], [0], [0], [1], [0, 0, 1, 1], [], []>, transpose_lhs_hint = false} : vector<128x2048xf32>, vector<2048x256xf32>, vector<128x256xf32> -> vector<128x256xf32>
    %max3A_1124 = arith.constant 1.000000e-07 : f32
    %max3A_1125 = vector.broadcast %max3A_1124 : f32 to vector<128x256xf32>
    %max3A_1126 = arith.maximumf %dot_general3A_1123, %max3A_1125 : vector<128x256xf32>
    %log3A_1127 = math.log %max3A_1126 : vector<128x256xf32>
    %mul3A_1128 = vector.broadcast %concatenate3A_53 : vector<128x1xf32> to vector<128x256xf32>
    %mul3A_1129 = arith.mulf %mul3A_1128, %log3A_1127 : vector<128x256xf32>
    %exp3A_1130 = math.exp %mul3A_1129 : vector<128x256xf32>
    %mul3A_1131 = vector.broadcast %concatenate3A_70 : vector<128x1xf32> to vector<128x256xf32>
    %mul3A_1132 = arith.mulf %exp3A_1130, %mul3A_1131 : vector<128x256xf32>
    %slice3A_1133 = vector.extract_strided_slice %mul3A_1132 {offsets = [0, 0], sizes = [32, 256], strides = [1, 1]} : vector<128x256xf32> to vector<32x256xf32>
    %slice3A_1134 = vector.extract_strided_slice %mul3A_1132 {offsets = [32, 0], sizes = [32, 256], strides = [1, 1]} : vector<128x256xf32> to vector<32x256xf32>
    %add3A_1135 = arith.addf %slice3A_1133, %slice3A_1134 : vector<32x256xf32>
    %slice3A_1136 = vector.extract_strided_slice %mul3A_1132 {offsets = [64, 0], sizes = [32, 256], strides = [1, 1]} : vector<128x256xf32> to vector<32x256xf32>
    %slice3A_1137 = vector.extract_strided_slice %mul3A_1132 {offsets = [96, 0], sizes = [32, 256], strides = [1, 1]} : vector<128x256xf32> to vector<32x256xf32>
    %add3A_1138 = arith.addf %slice3A_1136, %slice3A_1137 : vector<32x256xf32>
    %sign3A_1139 = tpu.bitcast %add3A_1138 : vector<32x256xf32> -> vector<32x256xi32>
    %sign3A_1140 = arith.constant -2147483648 : i32
    %sign3A_1141 = vector.broadcast %sign3A_1140 : i32 to vector<32x256xi32>
    %sign3A_1142 = arith.andi %sign3A_1139, %sign3A_1141 : vector<32x256xi32>
    %sign3A_1143 = arith.constant 1065353216 : i32
    %sign3A_1144 = vector.broadcast %sign3A_1143 : i32 to vector<32x256xi32>
    %sign3A_1145 = arith.ori %sign3A_1144, %sign3A_1142 : vector<32x256xi32>
    %sign3A_1146 = tpu.bitcast %sign3A_1145 : vector<32x256xi32> -> vector<32x256xf32>
    %sign3A_1147 = math.absf %add3A_1138 : vector<32x256xf32>
    %sign3A_1148 = arith.constant 0.000000e+00 : f32
    %sign3A_1149 = vector.broadcast %sign3A_1148 : f32 to vector<32x256xf32>
    %sign3A_1150 = arith.cmpf ogt, %sign3A_1147, %sign3A_1149 : vector<32x256xf32>
    %sign3A_1151 = arith.select %sign3A_1150, %sign3A_1146, %add3A_1138 : vector<32x256xi1>, vector<32x256xf32>
    %max3A_1152 = arith.constant 0.000000e+00 : f32
    %max3A_1153 = vector.broadcast %max3A_1152 : f32 to vector<32x256xf32>
    %max3A_1154 = arith.maximumf %max3A_1153, %sign3A_1151 : vector<32x256xf32>
    %mul3A_1155 = arith.constant 2.000000e+00 : f32
    %mul3A_1156 = vector.broadcast %mul3A_1155 : f32 to vector<32x256xf32>
    %mul3A_1157 = arith.mulf %mul3A_1156, %max3A_1154 : vector<32x256xf32>
    %sub3A_1158 = arith.constant 1.000000e+00 : f32
    %sub3A_1159 = vector.broadcast %sub3A_1158 : f32 to vector<32x256xf32>
    %sub3A_1160 = arith.subf %mul3A_1157, %sub3A_1159 : vector<32x256xf32>
    %lt3A_1161 = arith.constant 1.000000e-07 : f32
    %lt3A_1162 = vector.broadcast %lt3A_1161 : f32 to vector<32x256xf32>
    %lt3A_1163 = arith.cmpf olt, %add3A_1138, %lt3A_1162 : vector<32x256xf32>
    %gt3A_1164 = arith.constant -1.000000e-07 : f32
    %gt3A_1165 = vector.broadcast %gt3A_1164 : f32 to vector<32x256xf32>
    %gt3A_1166 = arith.cmpf ogt, %add3A_1138, %gt3A_1165 : vector<32x256xf32>
    %and3A_1167 = arith.andi %lt3A_1163, %gt3A_1166 : vector<32x256xi1>
    %mul3A_1168 = arith.constant 1.000000e-07 : f32
    %mul3A_1169 = vector.broadcast %mul3A_1168 : f32 to vector<32x256xf32>
    %mul3A_1170 = arith.mulf %sub3A_1160, %mul3A_1169 : vector<32x256xf32>
    %select_n3A_1171 = arith.select %and3A_1167, %mul3A_1170, %add3A_1138 : vector<32x256xi1>, vector<32x256xf32>
    %div3A_1172 = arith.divf %add3A_1135, %select_n3A_1171 : vector<32x256xf32>
    %transpose3A_1173 = tpu.transpose %div3A_1172, [1, 0] : vector<32x256xf32> -> vector<256x32xf32>
    %swap3A_1174 = arith.constant 0 : index
    %swap3A_1175 = arith.constant 13 : index
    %swap3A_1176 = arith.constant 0 : index
    %swap3A_1177 = vector.load %arg4[%swap3A_1174, %swap3A_1175, %swap3A_1176] : memref<256x16x32xf32, #tpu.memory_space<vmem>>, vector<256x1x32xf32>
    %swap3A_1178 = vector.shape_cast %swap3A_1177 : vector<256x1x32xf32> to vector<256x32xf32>
    %swap3A_1179 = vector.shape_cast %transpose3A_1173 : vector<256x32xf32> to vector<256x1x32xf32>
    tpu.vector_store %arg4[%swap3A_1174, %swap3A_1175, %swap3A_1176], %swap3A_1179 {strides = array<i32>} : memref<256x16x32xf32, #tpu.memory_space<vmem>>, vector<256x1x32xf32>,
    %get3A_1180 = arith.constant 14 : index
    %get3A_1181 = arith.constant 0 : index
    %get3A_1182 = vector.load %arg1[%get3A_1180, %get3A_1181] : memref<16x2048xf32, #tpu.memory_space<vmem>>, vector<1x2048xf32>
    %jit3A_1183 = arith.constant 1.000000e-07 : f32
    %jit3A_1184 = arith.constant 0.99999988 : f32
    %max3A_1185 = vector.broadcast %jit3A_1183 : f32 to vector<1x2048xf32>
    %max3A_1186 = arith.maximumf %max3A_1185, %get3A_1182 : vector<1x2048xf32>
    %min3A_1187 = vector.broadcast %jit3A_1184 : f32 to vector<1x2048xf32>
    %min3A_1188 = arith.minimumf %min3A_1187, %max3A_1186 : vector<1x2048xf32>
    %log3A_1189 = math.log %min3A_1188 : vector<1x2048xf32>
    %sub3A_1190 = arith.constant 1.000000e+00 : f32
    %sub3A_1191 = vector.broadcast %sub3A_1190 : f32 to vector<1x2048xf32>
    %sub3A_1192 = arith.subf %sub3A_1191, %min3A_1188 : vector<1x2048xf32>
    %log3A_1193 = math.log %sub3A_1192 : vector<1x2048xf32>
    %broadcast_in_dim3A_1194 = vector.shape_cast %log3A_1189 : vector<1x2048xf32> to vector<1x2048xf32>
    %broadcast_in_dim3A_1195 = vector.broadcast %broadcast_in_dim3A_1194 : vector<1x2048xf32> to vector<32x2048xf32>
    %broadcast_in_dim3A_1196 = vector.shape_cast %log3A_1193 : vector<1x2048xf32> to vector<1x2048xf32>
    %broadcast_in_dim3A_1197 = vector.broadcast %broadcast_in_dim3A_1196 : vector<1x2048xf32> to vector<32x2048xf32>
    %concatenate3A_1198 = tpu.concatenate %broadcast_in_dim3A_1195, %broadcast_in_dim3A_1197, %broadcast_in_dim3A_1195, %broadcast_in_dim3A_1197 in 0 : vector<32x2048xf32>, vector<32x2048xf32>, vector<32x2048xf32>, vector<32x2048xf32> -> vector<128x2048xf32>
    %mul3A_1199 = vector.broadcast %concatenate3A : vector<128x1xf32> to vector<128x2048xf32>
    %mul3A_1200 = arith.mulf %mul3A_1199, %concatenate3A_1198 : vector<128x2048xf32>
    %exp3A_1201 = math.exp %mul3A_1200 : vector<128x2048xf32>
    %dot_general3A_1202 = arith.constant dense<0.000000e+00> : vector<128x256xf32>
    %dot_general3A_1203 = tpu.matmul %exp3A_1201, %convert_element_type3A_76, %dot_general3A_1202 {dimension_numbers = #tpu.dot_dimension_numbers<[1], [0], [0], [1], [0, 0, 1, 1], [], []>, transpose_lhs_hint = false} : vector<128x2048xf32>, vector<2048x256xf32>, vector<128x256xf32> -> vector<128x256xf32>
    %max3A_1204 = arith.constant 1.000000e-07 : f32
    %max3A_1205 = vector.broadcast %max3A_1204 : f32 to vector<128x256xf32>
    %max3A_1206 = arith.maximumf %dot_general3A_1203, %max3A_1205 : vector<128x256xf32>
    %log3A_1207 = math.log %max3A_1206 : vector<128x256xf32>
    %mul3A_1208 = vector.broadcast %concatenate3A_53 : vector<128x1xf32> to vector<128x256xf32>
    %mul3A_1209 = arith.mulf %mul3A_1208, %log3A_1207 : vector<128x256xf32>
    %exp3A_1210 = math.exp %mul3A_1209 : vector<128x256xf32>
    %mul3A_1211 = vector.broadcast %concatenate3A_70 : vector<128x1xf32> to vector<128x256xf32>
    %mul3A_1212 = arith.mulf %exp3A_1210, %mul3A_1211 : vector<128x256xf32>
    %slice3A_1213 = vector.extract_strided_slice %mul3A_1212 {offsets = [0, 0], sizes = [32, 256], strides = [1, 1]} : vector<128x256xf32> to vector<32x256xf32>
    %slice3A_1214 = vector.extract_strided_slice %mul3A_1212 {offsets = [32, 0], sizes = [32, 256], strides = [1, 1]} : vector<128x256xf32> to vector<32x256xf32>
    %add3A_1215 = arith.addf %slice3A_1213, %slice3A_1214 : vector<32x256xf32>
    %slice3A_1216 = vector.extract_strided_slice %mul3A_1212 {offsets = [64, 0], sizes = [32, 256], strides = [1, 1]} : vector<128x256xf32> to vector<32x256xf32>
    %slice3A_1217 = vector.extract_strided_slice %mul3A_1212 {offsets = [96, 0], sizes = [32, 256], strides = [1, 1]} : vector<128x256xf32> to vector<32x256xf32>
    %add3A_1218 = arith.addf %slice3A_1216, %slice3A_1217 : vector<32x256xf32>
    %sign3A_1219 = tpu.bitcast %add3A_1218 : vector<32x256xf32> -> vector<32x256xi32>
    %sign3A_1220 = arith.constant -2147483648 : i32
    %sign3A_1221 = vector.broadcast %sign3A_1220 : i32 to vector<32x256xi32>
    %sign3A_1222 = arith.andi %sign3A_1219, %sign3A_1221 : vector<32x256xi32>
    %sign3A_1223 = arith.constant 1065353216 : i32
    %sign3A_1224 = vector.broadcast %sign3A_1223 : i32 to vector<32x256xi32>
    %sign3A_1225 = arith.ori %sign3A_1224, %sign3A_1222 : vector<32x256xi32>
    %sign3A_1226 = tpu.bitcast %sign3A_1225 : vector<32x256xi32> -> vector<32x256xf32>
    %sign3A_1227 = math.absf %add3A_1218 : vector<32x256xf32>
    %sign3A_1228 = arith.constant 0.000000e+00 : f32
    %sign3A_1229 = vector.broadcast %sign3A_1228 : f32 to vector<32x256xf32>
    %sign3A_1230 = arith.cmpf ogt, %sign3A_1227, %sign3A_1229 : vector<32x256xf32>
    %sign3A_1231 = arith.select %sign3A_1230, %sign3A_1226, %add3A_1218 : vector<32x256xi1>, vector<32x256xf32>
    %max3A_1232 = arith.constant 0.000000e+00 : f32
    %max3A_1233 = vector.broadcast %max3A_1232 : f32 to vector<32x256xf32>
    %max3A_1234 = arith.maximumf %max3A_1233, %sign3A_1231 : vector<32x256xf32>
    %mul3A_1235 = arith.constant 2.000000e+00 : f32
    %mul3A_1236 = vector.broadcast %mul3A_1235 : f32 to vector<32x256xf32>
    %mul3A_1237 = arith.mulf %mul3A_1236, %max3A_1234 : vector<32x256xf32>
    %sub3A_1238 = arith.constant 1.000000e+00 : f32
    %sub3A_1239 = vector.broadcast %sub3A_1238 : f32 to vector<32x256xf32>
    %sub3A_1240 = arith.subf %mul3A_1237, %sub3A_1239 : vector<32x256xf32>
    %lt3A_1241 = arith.constant 1.000000e-07 : f32
    %lt3A_1242 = vector.broadcast %lt3A_1241 : f32 to vector<32x256xf32>
    %lt3A_1243 = arith.cmpf olt, %add3A_1218, %lt3A_1242 : vector<32x256xf32>
    %gt3A_1244 = arith.constant -1.000000e-07 : f32
    %gt3A_1245 = vector.broadcast %gt3A_1244 : f32 to vector<32x256xf32>
    %gt3A_1246 = arith.cmpf ogt, %add3A_1218, %gt3A_1245 : vector<32x256xf32>
    %and3A_1247 = arith.andi %lt3A_1243, %gt3A_1246 : vector<32x256xi1>
    %mul3A_1248 = arith.constant 1.000000e-07 : f32
    %mul3A_1249 = vector.broadcast %mul3A_1248 : f32 to vector<32x256xf32>
    %mul3A_1250 = arith.mulf %sub3A_1240, %mul3A_1249 : vector<32x256xf32>
    %select_n3A_1251 = arith.select %and3A_1247, %mul3A_1250, %add3A_1218 : vector<32x256xi1>, vector<32x256xf32>
    %div3A_1252 = arith.divf %add3A_1215, %select_n3A_1251 : vector<32x256xf32>
    %transpose3A_1253 = tpu.transpose %div3A_1252, [1, 0] : vector<32x256xf32> -> vector<256x32xf32>
    %swap3A_1254 = arith.constant 0 : index
    %swap3A_1255 = arith.constant 14 : index
    %swap3A_1256 = arith.constant 0 : index
    %swap3A_1257 = vector.load %arg4[%swap3A_1254, %swap3A_1255, %swap3A_1256] : memref<256x16x32xf32, #tpu.memory_space<vmem>>, vector<256x1x32xf32>
    %swap3A_1258 = vector.shape_cast %swap3A_1257 : vector<256x1x32xf32> to vector<256x32xf32>
    %swap3A_1259 = vector.shape_cast %transpose3A_1253 : vector<256x32xf32> to vector<256x1x32xf32>
    tpu.vector_store %arg4[%swap3A_1254, %swap3A_1255, %swap3A_1256], %swap3A_1259 {strides = array<i32>} : memref<256x16x32xf32, #tpu.memory_space<vmem>>, vector<256x1x32xf32>,
    %get3A_1260 = arith.constant 15 : index
    %get3A_1261 = arith.constant 0 : index
    %get3A_1262 = vector.load %arg1[%get3A_1260, %get3A_1261] : memref<16x2048xf32, #tpu.memory_space<vmem>>, vector<1x2048xf32>
    %jit3A_1263 = arith.constant 1.000000e-07 : f32
    %jit3A_1264 = arith.constant 0.99999988 : f32
    %max3A_1265 = vector.broadcast %jit3A_1263 : f32 to vector<1x2048xf32>
    %max3A_1266 = arith.maximumf %max3A_1265, %get3A_1262 : vector<1x2048xf32>
    %min3A_1267 = vector.broadcast %jit3A_1264 : f32 to vector<1x2048xf32>
    %min3A_1268 = arith.minimumf %min3A_1267, %max3A_1266 : vector<1x2048xf32>
    %log3A_1269 = math.log %min3A_1268 : vector<1x2048xf32>
    %sub3A_1270 = arith.constant 1.000000e+00 : f32
    %sub3A_1271 = vector.broadcast %sub3A_1270 : f32 to vector<1x2048xf32>
    %sub3A_1272 = arith.subf %sub3A_1271, %min3A_1268 : vector<1x2048xf32>
    %log3A_1273 = math.log %sub3A_1272 : vector<1x2048xf32>
    %broadcast_in_dim3A_1274 = vector.shape_cast %log3A_1269 : vector<1x2048xf32> to vector<1x2048xf32>
    %broadcast_in_dim3A_1275 = vector.broadcast %broadcast_in_dim3A_1274 : vector<1x2048xf32> to vector<32x2048xf32>
    %broadcast_in_dim3A_1276 = vector.shape_cast %log3A_1273 : vector<1x2048xf32> to vector<1x2048xf32>
    %broadcast_in_dim3A_1277 = vector.broadcast %broadcast_in_dim3A_1276 : vector<1x2048xf32> to vector<32x2048xf32>
    %concatenate3A_1278 = tpu.concatenate %broadcast_in_dim3A_1275, %broadcast_in_dim3A_1277, %broadcast_in_dim3A_1275, %broadcast_in_dim3A_1277 in 0 : vector<32x2048xf32>, vector<32x2048xf32>, vector<32x2048xf32>, vector<32x2048xf32> -> vector<128x2048xf32>
    %mul3A_1279 = vector.broadcast %concatenate3A : vector<128x1xf32> to vector<128x2048xf32>
    %mul3A_1280 = arith.mulf %mul3A_1279, %concatenate3A_1278 : vector<128x2048xf32>
    %exp3A_1281 = math.exp %mul3A_1280 : vector<128x2048xf32>
    %dot_general3A_1282 = arith.constant dense<0.000000e+00> : vector<128x256xf32>
    %dot_general3A_1283 = tpu.matmul %exp3A_1281, %convert_element_type3A_76, %dot_general3A_1282 {dimension_numbers = #tpu.dot_dimension_numbers<[1], [0], [0], [1], [0, 0, 1, 1], [], []>, transpose_lhs_hint = false} : vector<128x2048xf32>, vector<2048x256xf32>, vector<128x256xf32> -> vector<128x256xf32>
    %max3A_1284 = arith.constant 1.000000e-07 : f32
    %max3A_1285 = vector.broadcast %max3A_1284 : f32 to vector<128x256xf32>
    %max3A_1286 = arith.maximumf %dot_general3A_1283, %max3A_1285 : vector<128x256xf32>
    %log3A_1287 = math.log %max3A_1286 : vector<128x256xf32>
    %mul3A_1288 = vector.broadcast %concatenate3A_53 : vector<128x1xf32> to vector<128x256xf32>
    %mul3A_1289 = arith.mulf %mul3A_1288, %log3A_1287 : vector<128x256xf32>
    %exp3A_1290 = math.exp %mul3A_1289 : vector<128x256xf32>
    %mul3A_1291 = vector.broadcast %concatenate3A_70 : vector<128x1xf32> to vector<128x256xf32>
    %mul3A_1292 = arith.mulf %exp3A_1290, %mul3A_1291 : vector<128x256xf32>
    %slice3A_1293 = vector.extract_strided_slice %mul3A_1292 {offsets = [0, 0], sizes = [32, 256], strides = [1, 1]} : vector<128x256xf32> to vector<32x256xf32>
    %slice3A_1294 = vector.extract_strided_slice %mul3A_1292 {offsets = [32, 0], sizes = [32, 256], strides = [1, 1]} : vector<128x256xf32> to vector<32x256xf32>
    %add3A_1295 = arith.addf %slice3A_1293, %slice3A_1294 : vector<32x256xf32>
    %slice3A_1296 = vector.extract_strided_slice %mul3A_1292 {offsets = [64, 0], sizes = [32, 256], strides = [1, 1]} : vector<128x256xf32> to vector<32x256xf32>
    %slice3A_1297 = vector.extract_strided_slice %mul3A_1292 {offsets = [96, 0], sizes = [32, 256], strides = [1, 1]} : vector<128x256xf32> to vector<32x256xf32>
    %add3A_1298 = arith.addf %slice3A_1296, %slice3A_1297 : vector<32x256xf32>
    %sign3A_1299 = tpu.bitcast %add3A_1298 : vector<32x256xf32> -> vector<32x256xi32>
    %sign3A_1300 = arith.constant -2147483648 : i32
    %sign3A_1301 = vector.broadcast %sign3A_1300 : i32 to vector<32x256xi32>
    %sign3A_1302 = arith.andi %sign3A_1299, %sign3A_1301 : vector<32x256xi32>
    %sign3A_1303 = arith.constant 1065353216 : i32
    %sign3A_1304 = vector.broadcast %sign3A_1303 : i32 to vector<32x256xi32>
    %sign3A_1305 = arith.ori %sign3A_1304, %sign3A_1302 : vector<32x256xi32>
    %sign3A_1306 = tpu.bitcast %sign3A_1305 : vector<32x256xi32> -> vector<32x256xf32>
    %sign3A_1307 = math.absf %add3A_1298 : vector<32x256xf32>
    %sign3A_1308 = arith.constant 0.000000e+00 : f32
    %sign3A_1309 = vector.broadcast %sign3A_1308 : f32 to vector<32x256xf32>
    %sign3A_1310 = arith.cmpf ogt, %sign3A_1307, %sign3A_1309 : vector<32x256xf32>
    %sign3A_1311 = arith.select %sign3A_1310, %sign3A_1306, %add3A_1298 : vector<32x256xi1>, vector<32x256xf32>
    %max3A_1312 = arith.constant 0.000000e+00 : f32
    %max3A_1313 = vector.broadcast %max3A_1312 : f32 to vector<32x256xf32>
    %max3A_1314 = arith.maximumf %max3A_1313, %sign3A_1311 : vector<32x256xf32>
    %mul3A_1315 = arith.constant 2.000000e+00 : f32
    %mul3A_1316 = vector.broadcast %mul3A_1315 : f32 to vector<32x256xf32>
    %mul3A_1317 = arith.mulf %mul3A_1316, %max3A_1314 : vector<32x256xf32>
    %sub3A_1318 = arith.constant 1.000000e+00 : f32
    %sub3A_1319 = vector.broadcast %sub3A_1318 : f32 to vector<32x256xf32>
    %sub3A_1320 = arith.subf %mul3A_1317, %sub3A_1319 : vector<32x256xf32>
    %lt3A_1321 = arith.constant 1.000000e-07 : f32
    %lt3A_1322 = vector.broadcast %lt3A_1321 : f32 to vector<32x256xf32>
    %lt3A_1323 = arith.cmpf olt, %add3A_1298, %lt3A_1322 : vector<32x256xf32>
    %gt3A_1324 = arith.constant -1.000000e-07 : f32
    %gt3A_1325 = vector.broadcast %gt3A_1324 : f32 to vector<32x256xf32>
    %gt3A_1326 = arith.cmpf ogt, %add3A_1298, %gt3A_1325 : vector<32x256xf32>
    %and3A_1327 = arith.andi %lt3A_1323, %gt3A_1326 : vector<32x256xi1>
    %mul3A_1328 = arith.constant 1.000000e-07 : f32
    %mul3A_1329 = vector.broadcast %mul3A_1328 : f32 to vector<32x256xf32>
    %mul3A_1330 = arith.mulf %sub3A_1320, %mul3A_1329 : vector<32x256xf32>
    %select_n3A_1331 = arith.select %and3A_1327, %mul3A_1330, %add3A_1298 : vector<32x256xi1>, vector<32x256xf32>
    %div3A_1332 = arith.divf %add3A_1295, %select_n3A_1331 : vector<32x256xf32>
    %transpose3A_1333 = tpu.transpose %div3A_1332, [1, 0] : vector<32x256xf32> -> vector<256x32xf32>
    %swap3A_1334 = arith.constant 0 : index
    %swap3A_1335 = arith.constant 15 : index
    %swap3A_1336 = arith.constant 0 : index
    %swap3A_1337 = vector.load %arg4[%swap3A_1334, %swap3A_1335, %swap3A_1336] : memref<256x16x32xf32, #tpu.memory_space<vmem>>, vector<256x1x32xf32>
    %swap3A_1338 = vector.shape_cast %swap3A_1337 : vector<256x1x32xf32> to vector<256x32xf32>
    %swap3A_1339 = vector.shape_cast %transpose3A_1333 : vector<256x32xf32> to vector<256x1x32xf32>
    tpu.vector_store %arg4[%swap3A_1334, %swap3A_1335, %swap3A_1336], %swap3A_1339 {strides = array<i32>} : memref<256x16x32xf32, #tpu.memory_space<vmem>>, vector<256x1x32xf32>,
    return
  }
  func.func @transform_0(%arg0: i32) -> (i32, i32) {
    %add3A = arith.constant 2 : i32
    %add3A_0 = arith.addi %arg0, %add3A : i32
    %c0_i32 = arith.constant 0 : i32
    %c0_i32_1 = arith.constant 0 : i32
    return %add3A_0, %c0_i32 : i32, i32
  }
  func.func @transform_1(%arg0: i32) -> (i32, i32) {
    %c0_i32 = arith.constant 0 : i32
    %c0_i32_0 = arith.constant 0 : i32
    %c0_i32_1 = arith.constant 0 : i32
    return %c0_i32, %c0_i32_0 : i32, i32
  }
  func.func @transform_2(%arg0: i32) -> (i32, i32) {
    %c0_i32 = arith.constant 0 : i32
    %c0_i32_0 = arith.constant 0 : i32
    %c0_i32_1 = arith.constant 0 : i32
    return %c0_i32, %c0_i32_0 : i32, i32
  }
  func.func @transform_3(%arg0: i32) -> (i32, i32, i32) {
    %add3A = arith.constant 2 : i32
    %add3A_0 = arith.addi %arg0, %add3A : i32
    %c0_i32 = arith.constant 0 : i32
    %c0_i32_1 = arith.constant 0 : i32
    %c0_i32_2 = arith.constant 0 : i32
    return %c0_i32, %add3A_0, %c0_i32_1 : i32, i32, i32
  }
}

module attributes {stable_mosaic.version = 14 : i64} {
  func.func @_prep_kernel(%arg0: i32, %arg1: memref<32x2048xf32, #tpu.memory_space<vmem>>, %arg2: memref<1x2048xi32, #tpu.memory_space<vmem>>, %arg3: memref<64x2048xf32, #tpu.memory_space<vmem>>, %arg4: memref<1x256xi32, #tpu.memory_space<vmem>>) attributes {dimension_semantics = [#tpu.dimension_semantics<arbitrary>], iteration_bounds = array<i64: 1>, scalar_prefetch = 0 : i64, scratch_operands = 0 : i64, tpu.core_type = #tpu.core_type<tc>, window_params = [{transform_indices = @transform_0, window_bounds = array<i64: 32, 2048>}, {pipeline_mode = #tpu.pipeline_mode<synchronous>, transform_indices = @transform_1, window_bounds = array<i64: 1, 2048>}, {pipeline_mode = #tpu.pipeline_mode<synchronous>, transform_indices = @transform_2, window_bounds = array<i64: 64, 2048>}, {pipeline_mode = #tpu.pipeline_mode<synchronous>, transform_indices = @transform_3, window_bounds = array<i64: 1, 256>}]} {
    %get3A = arith.constant 0 : index
    %get3A_0 = arith.constant 0 : index
    %get3A_1 = vector.load %arg1[%get3A, %get3A_0] : memref<32x2048xf32, #tpu.memory_space<vmem>>, vector<32x2048xf32>
    %jit3A = arith.constant 1.000000e-07 : f32
    %jit3A_2 = arith.constant 0.99999988 : f32
    %max3A = vector.broadcast %jit3A : f32 to vector<32x2048xf32>
    %max3A_3 = arith.maximumf %max3A, %get3A_1 : vector<32x2048xf32>
    %min3A = vector.broadcast %jit3A_2 : f32 to vector<32x2048xf32>
    %min3A_4 = arith.minimumf %min3A, %max3A_3 : vector<32x2048xf32>
    %log3A = math.log %min3A_4 : vector<32x2048xf32>
    %swap3A = arith.constant 0 : index
    %swap3A_5 = arith.constant 0 : index
    %swap3A_6 = vector.load %arg3[%swap3A, %swap3A_5] : memref<64x2048xf32, #tpu.memory_space<vmem>>, vector<32x2048xf32>
    tpu.vector_store %arg3[%swap3A, %swap3A_5], %log3A {strides = array<i32>} : memref<64x2048xf32, #tpu.memory_space<vmem>>, vector<32x2048xf32>,
    %sub3A = arith.constant 1.000000e+00 : f32
    %sub3A_7 = vector.broadcast %sub3A : f32 to vector<32x2048xf32>
    %sub3A_8 = arith.subf %sub3A_7, %min3A_4 : vector<32x2048xf32>
    %log3A_9 = math.log %sub3A_8 : vector<32x2048xf32>
    %swap3A_10 = arith.constant 32 : index
    %swap3A_11 = arith.constant 0 : index
    %swap3A_12 = vector.load %arg3[%swap3A_10, %swap3A_11] : memref<64x2048xf32, #tpu.memory_space<vmem>>, vector<32x2048xf32>
    tpu.vector_store %arg3[%swap3A_10, %swap3A_11], %log3A_9 {strides = array<i32>} : memref<64x2048xf32, #tpu.memory_space<vmem>>, vector<32x2048xf32>,
    %iota3A = tpu.iota {dimensions = array<i32: 0>} : vector<256x2048xi32>
    %get3A_13 = arith.constant 0 : index
    %get3A_14 = arith.constant 0 : index
    %get3A_15 = vector.load %arg2[%get3A_13, %get3A_14] : memref<1x2048xi32, #tpu.memory_space<vmem>>, vector<1x2048xi32>
    %le3A = vector.broadcast %get3A_15 : vector<1x2048xi32> to vector<256x2048xi32>
    %le3A_16 = arith.cmpi sle, %le3A, %iota3A : vector<256x2048xi32>
    %convert_element_type3A = arith.extui %le3A_16 : vector<256x2048xi1> to vector<256x2048xi32>
    %reduce_sum3A = arith.constant dense<0> : vector<256xi32>
    %reduce_sum3A_17 = vector.multi_reduction <add>, %convert_element_type3A, %reduce_sum3A [1] : vector<256x2048xi32> to vector<256xi32>
    %swap3A_18 = arith.constant 0 : index
    %swap3A_19 = arith.constant 0 : index
    %swap3A_20 = vector.load %arg4[%swap3A_18, %swap3A_19] : memref<1x256xi32, #tpu.memory_space<vmem>>, vector<1x256xi32>
    %swap3A_21 = vector.shape_cast %swap3A_20 : vector<1x256xi32> to vector<256xi32>
    %swap3A_22 = vector.shape_cast %reduce_sum3A_17 : vector<256xi32> to vector<1x256xi32>
    tpu.vector_store %arg4[%swap3A_18, %swap3A_19], %swap3A_22 {strides = array<i32>} : memref<1x256xi32, #tpu.memory_space<vmem>>, vector<1x256xi32>,
    return
  }
  func.func @transform_0(%arg0: i32) -> (i32, i32) {
    %c0_i32 = arith.constant 0 : i32
    %c0_i32_0 = arith.constant 0 : i32
    %c0_i32_1 = arith.constant 0 : i32
    return %c0_i32, %c0_i32_0 : i32, i32
  }
  func.func @transform_1(%arg0: i32) -> (i32, i32) {
    %c0_i32 = arith.constant 0 : i32
    %c0_i32_0 = arith.constant 0 : i32
    %c0_i32_1 = arith.constant 0 : i32
    return %c0_i32, %c0_i32_0 : i32, i32
  }
  func.func @transform_2(%arg0: i32) -> (i32, i32) {
    %c0_i32 = arith.constant 0 : i32
    %c0_i32_0 = arith.constant 0 : i32
    %c0_i32_1 = arith.constant 0 : i32
    return %c0_i32, %c0_i32_0 : i32, i32
  }
  func.func @transform_3(%arg0: i32) -> (i32, i32) {
    %c0_i32 = arith.constant 0 : i32
    %c0_i32_0 = arith.constant 0 : i32
    %c0_i32_1 = arith.constant 0 : i32
    return %c0_i32, %c0_i32_0 : i32, i32
  }
}

module attributes {stable_mosaic.version = 14 : i64} {
  func.func @_post_kernel(%arg0: i32, %arg1: memref<256x8x32xf32, #tpu.memory_space<vmem>>, %arg2: memref<8x32768xf32, #tpu.memory_space<vmem>>, %arg3: memref<12x32xf32, #tpu.memory_space<vmem>>, %arg4: memref<256x8x32xf32, #tpu.memory_space<vmem>>) attributes {dimension_semantics = [#tpu.dimension_semantics<arbitrary>], iteration_bounds = array<i64: 4>, scalar_prefetch = 0 : i64, scratch_operands = 0 : i64, tpu.core_type = #tpu.core_type<tc>, window_params = [{transform_indices = @transform_0, window_bounds = array<i64: 256, 8, 32>}, {transform_indices = @transform_1, window_bounds = array<i64: 8, 32768>}, {pipeline_mode = #tpu.pipeline_mode<synchronous>, transform_indices = @transform_2, window_bounds = array<i64: 12, 32>}, {transform_indices = @transform_3, window_bounds = array<i64: 256, 8, 32>}]} {
    %get3A = arith.constant 0 : index
    %get3A_0 = arith.constant 0 : index
    %get3A_1 = vector.load %arg3[%get3A, %get3A_0] : memref<12x32xf32, #tpu.memory_space<vmem>>, vector<1x32xf32>
    %concatenate3A = tpu.concatenate %get3A_1, %get3A_1, %get3A_1, %get3A_1 in 1 : vector<1x32xf32>, vector<1x32xf32>, vector<1x32xf32>, vector<1x32xf32> -> vector<1x128xf32>
    %max3A = arith.constant 0.000000e+00 : f32
    %max3A_2 = vector.broadcast %max3A : f32 to vector<1x128xf32>
    %max3A_3 = arith.maximumf %max3A_2, %concatenate3A : vector<1x128xf32>
    %get3A_4 = arith.constant 2 : index
    %get3A_5 = arith.constant 0 : index
    %get3A_6 = vector.load %arg3[%get3A_4, %get3A_5] : memref<12x32xf32, #tpu.memory_space<vmem>>, vector<1x32xf32>
    %concatenate3A_7 = tpu.concatenate %get3A_6, %get3A_6, %get3A_6, %get3A_6 in 1 : vector<1x32xf32>, vector<1x32xf32>, vector<1x32xf32>, vector<1x32xf32> -> vector<1x128xf32>
    %max3A_8 = arith.constant 0.000000e+00 : f32
    %max3A_9 = vector.broadcast %max3A_8 : f32 to vector<1x128xf32>
    %max3A_10 = arith.maximumf %max3A_9, %concatenate3A_7 : vector<1x128xf32>
    %get3A_11 = arith.constant 4 : index
    %get3A_12 = arith.constant 0 : index
    %get3A_13 = vector.load %arg3[%get3A_11, %get3A_12] : memref<12x32xf32, #tpu.memory_space<vmem>>, vector<1x32xf32>
    %concatenate3A_14 = tpu.concatenate %get3A_13, %get3A_13, %get3A_13, %get3A_13 in 1 : vector<1x32xf32>, vector<1x32xf32>, vector<1x32xf32>, vector<1x32xf32> -> vector<1x128xf32>
    %max3A_15 = arith.constant 0.000000e+00 : f32
    %max3A_16 = vector.broadcast %max3A_15 : f32 to vector<1x128xf32>
    %max3A_17 = arith.maximumf %max3A_16, %concatenate3A_14 : vector<1x128xf32>
    %get3A_18 = arith.constant 6 : index
    %get3A_19 = arith.constant 0 : index
    %get3A_20 = vector.load %arg3[%get3A_18, %get3A_19] : memref<12x32xf32, #tpu.memory_space<vmem>>, vector<1x32xf32>
    %concatenate3A_21 = tpu.concatenate %get3A_20, %get3A_20, %get3A_20, %get3A_20 in 1 : vector<1x32xf32>, vector<1x32xf32>, vector<1x32xf32>, vector<1x32xf32> -> vector<1x128xf32>
    %max3A_22 = arith.constant 0.000000e+00 : f32
    %max3A_23 = vector.broadcast %max3A_22 : f32 to vector<1x128xf32>
    %max3A_24 = arith.maximumf %max3A_23, %concatenate3A_21 : vector<1x128xf32>
    %get3A_25 = arith.constant 8 : index
    %get3A_26 = arith.constant 0 : index
    %get3A_27 = vector.load %arg3[%get3A_25, %get3A_26] : memref<12x32xf32, #tpu.memory_space<vmem>>, vector<1x32xf32>
    %concatenate3A_28 = tpu.concatenate %get3A_27, %get3A_27, %get3A_27, %get3A_27 in 1 : vector<1x32xf32>, vector<1x32xf32>, vector<1x32xf32>, vector<1x32xf32> -> vector<1x128xf32>
    %get3A_29 = arith.constant 9 : index
    %get3A_30 = arith.constant 0 : index
    %get3A_31 = vector.load %arg3[%get3A_29, %get3A_30] : memref<12x32xf32, #tpu.memory_space<vmem>>, vector<1x32xf32>
    %concatenate3A_32 = tpu.concatenate %get3A_31, %get3A_31, %get3A_31, %get3A_31 in 1 : vector<1x32xf32>, vector<1x32xf32>, vector<1x32xf32>, vector<1x32xf32> -> vector<1x128xf32>
    %get3A_33 = arith.constant 10 : index
    %get3A_34 = arith.constant 0 : index
    %get3A_35 = vector.load %arg3[%get3A_33, %get3A_34] : memref<12x32xf32, #tpu.memory_space<vmem>>, vector<1x32xf32>
    %concatenate3A_36 = tpu.concatenate %get3A_35, %get3A_35, %get3A_35, %get3A_35 in 1 : vector<1x32xf32>, vector<1x32xf32>, vector<1x32xf32>, vector<1x32xf32> -> vector<1x128xf32>
    %get3A_37 = arith.constant 11 : index
    %get3A_38 = arith.constant 0 : index
    %get3A_39 = vector.load %arg3[%get3A_37, %get3A_38] : memref<12x32xf32, #tpu.memory_space<vmem>>, vector<1x32xf32>
    %concatenate3A_40 = tpu.concatenate %get3A_39, %get3A_39, %get3A_39, %get3A_39 in 1 : vector<1x32xf32>, vector<1x32xf32>, vector<1x32xf32>, vector<1x32xf32> -> vector<1x128xf32>
    %get3A_41 = arith.constant 0 : index
    %get3A_42 = arith.constant 0 : index
    %get3A_43 = vector.load %arg2[%get3A_41, %get3A_42] : memref<8x32768xf32, #tpu.memory_space<vmem>>, vector<1x8192xf32>
    %reshape3A = vector.shape_cast %get3A_43 : vector<1x8192xf32> to vector<64x128xf32>
    %max3A_44 = arith.constant 1.000000e-07 : f32
    %max3A_45 = vector.broadcast %max3A_44 : f32 to vector<64x128xf32>
    %max3A_46 = arith.maximumf %reshape3A, %max3A_45 : vector<64x128xf32>
    %log3A = math.log %max3A_46 : vector<64x128xf32>
    %mul3A = vector.broadcast %max3A_3 : vector<1x128xf32> to vector<64x128xf32>
    %mul3A_47 = arith.mulf %mul3A, %log3A : vector<64x128xf32>
    %exp3A = math.exp %mul3A_47 : vector<64x128xf32>
    %mul3A_48 = vector.broadcast %concatenate3A_28 : vector<1x128xf32> to vector<64x128xf32>
    %mul3A_49 = arith.mulf %exp3A, %mul3A_48 : vector<64x128xf32>
    %get3A_50 = arith.constant 0 : index
    %get3A_51 = arith.constant 8192 : index
    %get3A_52 = vector.load %arg2[%get3A_50, %get3A_51] : memref<8x32768xf32, #tpu.memory_space<vmem>>, vector<1x8192xf32>
    %reshape3A_53 = vector.shape_cast %get3A_52 : vector<1x8192xf32> to vector<64x128xf32>
    %max3A_54 = arith.constant 1.000000e-07 : f32
    %max3A_55 = vector.broadcast %max3A_54 : f32 to vector<64x128xf32>
    %max3A_56 = arith.maximumf %reshape3A_53, %max3A_55 : vector<64x128xf32>
    %log3A_57 = math.log %max3A_56 : vector<64x128xf32>
    %mul3A_58 = vector.broadcast %max3A_10 : vector<1x128xf32> to vector<64x128xf32>
    %mul3A_59 = arith.mulf %mul3A_58, %log3A_57 : vector<64x128xf32>
    %exp3A_60 = math.exp %mul3A_59 : vector<64x128xf32>
    %mul3A_61 = vector.broadcast %concatenate3A_32 : vector<1x128xf32> to vector<64x128xf32>
    %mul3A_62 = arith.mulf %exp3A_60, %mul3A_61 : vector<64x128xf32>
    %get3A_63 = arith.constant 0 : index
    %get3A_64 = arith.constant 16384 : index
    %get3A_65 = vector.load %arg2[%get3A_63, %get3A_64] : memref<8x32768xf32, #tpu.memory_space<vmem>>, vector<1x8192xf32>
    %reshape3A_66 = vector.shape_cast %get3A_65 : vector<1x8192xf32> to vector<64x128xf32>
    %max3A_67 = arith.constant 1.000000e-07 : f32
    %max3A_68 = vector.broadcast %max3A_67 : f32 to vector<64x128xf32>
    %max3A_69 = arith.maximumf %reshape3A_66, %max3A_68 : vector<64x128xf32>
    %log3A_70 = math.log %max3A_69 : vector<64x128xf32>
    %mul3A_71 = vector.broadcast %max3A_17 : vector<1x128xf32> to vector<64x128xf32>
    %mul3A_72 = arith.mulf %mul3A_71, %log3A_70 : vector<64x128xf32>
    %exp3A_73 = math.exp %mul3A_72 : vector<64x128xf32>
    %mul3A_74 = vector.broadcast %concatenate3A_36 : vector<1x128xf32> to vector<64x128xf32>
    %mul3A_75 = arith.mulf %exp3A_73, %mul3A_74 : vector<64x128xf32>
    %get3A_76 = arith.constant 0 : index
    %get3A_77 = arith.constant 24576 : index
    %get3A_78 = vector.load %arg2[%get3A_76, %get3A_77] : memref<8x32768xf32, #tpu.memory_space<vmem>>, vector<1x8192xf32>
    %reshape3A_79 = vector.shape_cast %get3A_78 : vector<1x8192xf32> to vector<64x128xf32>
    %max3A_80 = arith.constant 1.000000e-07 : f32
    %max3A_81 = vector.broadcast %max3A_80 : f32 to vector<64x128xf32>
    %max3A_82 = arith.maximumf %reshape3A_79, %max3A_81 : vector<64x128xf32>
    %log3A_83 = math.log %max3A_82 : vector<64x128xf32>
    %mul3A_84 = vector.broadcast %max3A_24 : vector<1x128xf32> to vector<64x128xf32>
    %mul3A_85 = arith.mulf %mul3A_84, %log3A_83 : vector<64x128xf32>
    %exp3A_86 = math.exp %mul3A_85 : vector<64x128xf32>
    %mul3A_87 = vector.broadcast %concatenate3A_40 : vector<1x128xf32> to vector<64x128xf32>
    %mul3A_88 = arith.mulf %exp3A_86, %mul3A_87 : vector<64x128xf32>
    %add3A = arith.addf %mul3A_49, %mul3A_62 : vector<64x128xf32>
    %add3A_89 = arith.addf %mul3A_75, %mul3A_88 : vector<64x128xf32>
    %sign3A = tpu.bitcast %add3A_89 : vector<64x128xf32> -> vector<64x128xi32>
    %sign3A_90 = arith.constant -2147483648 : i32
    %sign3A_91 = vector.broadcast %sign3A_90 : i32 to vector<64x128xi32>
    %sign3A_92 = arith.andi %sign3A, %sign3A_91 : vector<64x128xi32>
    %sign3A_93 = arith.constant 1065353216 : i32
    %sign3A_94 = vector.broadcast %sign3A_93 : i32 to vector<64x128xi32>
    %sign3A_95 = arith.ori %sign3A_94, %sign3A_92 : vector<64x128xi32>
    %sign3A_96 = tpu.bitcast %sign3A_95 : vector<64x128xi32> -> vector<64x128xf32>
    %sign3A_97 = math.absf %add3A_89 : vector<64x128xf32>
    %sign3A_98 = arith.constant 0.000000e+00 : f32
    %sign3A_99 = vector.broadcast %sign3A_98 : f32 to vector<64x128xf32>
    %sign3A_100 = arith.cmpf ogt, %sign3A_97, %sign3A_99 : vector<64x128xf32>
    %sign3A_101 = arith.select %sign3A_100, %sign3A_96, %add3A_89 : vector<64x128xi1>, vector<64x128xf32>
    %max3A_102 = arith.constant 0.000000e+00 : f32
    %max3A_103 = vector.broadcast %max3A_102 : f32 to vector<64x128xf32>
    %max3A_104 = arith.maximumf %max3A_103, %sign3A_101 : vector<64x128xf32>
    %mul3A_105 = arith.constant 2.000000e+00 : f32
    %mul3A_106 = vector.broadcast %mul3A_105 : f32 to vector<64x128xf32>
    %mul3A_107 = arith.mulf %mul3A_106, %max3A_104 : vector<64x128xf32>
    %sub3A = arith.constant 1.000000e+00 : f32
    %sub3A_108 = vector.broadcast %sub3A : f32 to vector<64x128xf32>
    %sub3A_109 = arith.subf %mul3A_107, %sub3A_108 : vector<64x128xf32>
    %lt3A = arith.constant 1.000000e-07 : f32
    %lt3A_110 = vector.broadcast %lt3A : f32 to vector<64x128xf32>
    %lt3A_111 = arith.cmpf olt, %add3A_89, %lt3A_110 : vector<64x128xf32>
    %gt3A = arith.constant -1.000000e-07 : f32
    %gt3A_112 = vector.broadcast %gt3A : f32 to vector<64x128xf32>
    %gt3A_113 = arith.cmpf ogt, %add3A_89, %gt3A_112 : vector<64x128xf32>
    %and3A = arith.andi %lt3A_111, %gt3A_113 : vector<64x128xi1>
    %mul3A_114 = arith.constant 1.000000e-07 : f32
    %mul3A_115 = vector.broadcast %mul3A_114 : f32 to vector<64x128xf32>
    %mul3A_116 = arith.mulf %sub3A_109, %mul3A_115 : vector<64x128xf32>
    %select_n3A = arith.select %and3A, %mul3A_116, %add3A_89 : vector<64x128xi1>, vector<64x128xf32>
    %div3A = arith.divf %add3A, %select_n3A : vector<64x128xf32>
    %slice3A = vector.extract_strided_slice %div3A {offsets = [0, 0], sizes = [64, 32], strides = [1, 1]} : vector<64x128xf32> to vector<64x32xf32>
    %swap3A = arith.constant 0 : index
    %swap3A_117 = arith.constant 0 : index
    %swap3A_118 = arith.constant 0 : index
    %swap3A_119 = tpu.strided_load %arg4[%swap3A, %swap3A_117, %swap3A_118] {strides = array<i32: 4, 1, 1>} : memref<256x8x32xf32, #tpu.memory_space<vmem>>, vector<64x1x32xf32>
    %swap3A_120 = vector.shape_cast %swap3A_119 : vector<64x1x32xf32> to vector<64x32xf32>
    %swap3A_121 = vector.shape_cast %slice3A : vector<64x32xf32> to vector<64x1x32xf32>
    tpu.strided_store %arg4[%swap3A, %swap3A_117, %swap3A_118], %swap3A_121 {strides = array<i32: 4, 1, 1>} : memref<256x8x32xf32, #tpu.memory_space<vmem>>, vector<64x1x32xf32>
    %slice3A_122 = vector.extract_strided_slice %div3A {offsets = [0, 32], sizes = [64, 32], strides = [1, 1]} : vector<64x128xf32> to vector<64x32xf32>
    %swap3A_123 = arith.constant 1 : index
    %swap3A_124 = arith.constant 0 : index
    %swap3A_125 = arith.constant 0 : index
    %swap3A_126 = tpu.strided_load %arg4[%swap3A_123, %swap3A_124, %swap3A_125] {strides = array<i32: 4, 1, 1>} : memref<256x8x32xf32, #tpu.memory_space<vmem>>, vector<64x1x32xf32>
    %swap3A_127 = vector.shape_cast %swap3A_126 : vector<64x1x32xf32> to vector<64x32xf32>
    %swap3A_128 = vector.shape_cast %slice3A_122 : vector<64x32xf32> to vector<64x1x32xf32>
    tpu.strided_store %arg4[%swap3A_123, %swap3A_124, %swap3A_125], %swap3A_128 {strides = array<i32: 4, 1, 1>} : memref<256x8x32xf32, #tpu.memory_space<vmem>>, vector<64x1x32xf32>
    %slice3A_129 = vector.extract_strided_slice %div3A {offsets = [0, 64], sizes = [64, 32], strides = [1, 1]} : vector<64x128xf32> to vector<64x32xf32>
    %swap3A_130 = arith.constant 2 : index
    %swap3A_131 = arith.constant 0 : index
    %swap3A_132 = arith.constant 0 : index
    %swap3A_133 = tpu.strided_load %arg4[%swap3A_130, %swap3A_131, %swap3A_132] {strides = array<i32: 4, 1, 1>} : memref<256x8x32xf32, #tpu.memory_space<vmem>>, vector<64x1x32xf32>
    %swap3A_134 = vector.shape_cast %swap3A_133 : vector<64x1x32xf32> to vector<64x32xf32>
    %swap3A_135 = vector.shape_cast %slice3A_129 : vector<64x32xf32> to vector<64x1x32xf32>
    tpu.strided_store %arg4[%swap3A_130, %swap3A_131, %swap3A_132], %swap3A_135 {strides = array<i32: 4, 1, 1>} : memref<256x8x32xf32, #tpu.memory_space<vmem>>, vector<64x1x32xf32>
    %slice3A_136 = vector.extract_strided_slice %div3A {offsets = [0, 96], sizes = [64, 32], strides = [1, 1]} : vector<64x128xf32> to vector<64x32xf32>
    %swap3A_137 = arith.constant 3 : index
    %swap3A_138 = arith.constant 0 : index
    %swap3A_139 = arith.constant 0 : index
    %swap3A_140 = tpu.strided_load %arg4[%swap3A_137, %swap3A_138, %swap3A_139] {strides = array<i32: 4, 1, 1>} : memref<256x8x32xf32, #tpu.memory_space<vmem>>, vector<64x1x32xf32>
    %swap3A_141 = vector.shape_cast %swap3A_140 : vector<64x1x32xf32> to vector<64x32xf32>
    %swap3A_142 = vector.shape_cast %slice3A_136 : vector<64x32xf32> to vector<64x1x32xf32>
    tpu.strided_store %arg4[%swap3A_137, %swap3A_138, %swap3A_139], %swap3A_142 {strides = array<i32: 4, 1, 1>} : memref<256x8x32xf32, #tpu.memory_space<vmem>>, vector<64x1x32xf32>
    %get3A_143 = arith.constant 1 : index
    %get3A_144 = arith.constant 0 : index
    %get3A_145 = vector.load %arg2[%get3A_143, %get3A_144] : memref<8x32768xf32, #tpu.memory_space<vmem>>, vector<1x8192xf32>
    %reshape3A_146 = vector.shape_cast %get3A_145 : vector<1x8192xf32> to vector<64x128xf32>
    %max3A_147 = arith.constant 1.000000e-07 : f32
    %max3A_148 = vector.broadcast %max3A_147 : f32 to vector<64x128xf32>
    %max3A_149 = arith.maximumf %reshape3A_146, %max3A_148 : vector<64x128xf32>
    %log3A_150 = math.log %max3A_149 : vector<64x128xf32>
    %mul3A_151 = vector.broadcast %max3A_3 : vector<1x128xf32> to vector<64x128xf32>
    %mul3A_152 = arith.mulf %mul3A_151, %log3A_150 : vector<64x128xf32>
    %exp3A_153 = math.exp %mul3A_152 : vector<64x128xf32>
    %mul3A_154 = vector.broadcast %concatenate3A_28 : vector<1x128xf32> to vector<64x128xf32>
    %mul3A_155 = arith.mulf %exp3A_153, %mul3A_154 : vector<64x128xf32>
    %get3A_156 = arith.constant 1 : index
    %get3A_157 = arith.constant 8192 : index
    %get3A_158 = vector.load %arg2[%get3A_156, %get3A_157] : memref<8x32768xf32, #tpu.memory_space<vmem>>, vector<1x8192xf32>
    %reshape3A_159 = vector.shape_cast %get3A_158 : vector<1x8192xf32> to vector<64x128xf32>
    %max3A_160 = arith.constant 1.000000e-07 : f32
    %max3A_161 = vector.broadcast %max3A_160 : f32 to vector<64x128xf32>
    %max3A_162 = arith.maximumf %reshape3A_159, %max3A_161 : vector<64x128xf32>
    %log3A_163 = math.log %max3A_162 : vector<64x128xf32>
    %mul3A_164 = vector.broadcast %max3A_10 : vector<1x128xf32> to vector<64x128xf32>
    %mul3A_165 = arith.mulf %mul3A_164, %log3A_163 : vector<64x128xf32>
    %exp3A_166 = math.exp %mul3A_165 : vector<64x128xf32>
    %mul3A_167 = vector.broadcast %concatenate3A_32 : vector<1x128xf32> to vector<64x128xf32>
    %mul3A_168 = arith.mulf %exp3A_166, %mul3A_167 : vector<64x128xf32>
    %get3A_169 = arith.constant 1 : index
    %get3A_170 = arith.constant 16384 : index
    %get3A_171 = vector.load %arg2[%get3A_169, %get3A_170] : memref<8x32768xf32, #tpu.memory_space<vmem>>, vector<1x8192xf32>
    %reshape3A_172 = vector.shape_cast %get3A_171 : vector<1x8192xf32> to vector<64x128xf32>
    %max3A_173 = arith.constant 1.000000e-07 : f32
    %max3A_174 = vector.broadcast %max3A_173 : f32 to vector<64x128xf32>
    %max3A_175 = arith.maximumf %reshape3A_172, %max3A_174 : vector<64x128xf32>
    %log3A_176 = math.log %max3A_175 : vector<64x128xf32>
    %mul3A_177 = vector.broadcast %max3A_17 : vector<1x128xf32> to vector<64x128xf32>
    %mul3A_178 = arith.mulf %mul3A_177, %log3A_176 : vector<64x128xf32>
    %exp3A_179 = math.exp %mul3A_178 : vector<64x128xf32>
    %mul3A_180 = vector.broadcast %concatenate3A_36 : vector<1x128xf32> to vector<64x128xf32>
    %mul3A_181 = arith.mulf %exp3A_179, %mul3A_180 : vector<64x128xf32>
    %get3A_182 = arith.constant 1 : index
    %get3A_183 = arith.constant 24576 : index
    %get3A_184 = vector.load %arg2[%get3A_182, %get3A_183] : memref<8x32768xf32, #tpu.memory_space<vmem>>, vector<1x8192xf32>
    %reshape3A_185 = vector.shape_cast %get3A_184 : vector<1x8192xf32> to vector<64x128xf32>
    %max3A_186 = arith.constant 1.000000e-07 : f32
    %max3A_187 = vector.broadcast %max3A_186 : f32 to vector<64x128xf32>
    %max3A_188 = arith.maximumf %reshape3A_185, %max3A_187 : vector<64x128xf32>
    %log3A_189 = math.log %max3A_188 : vector<64x128xf32>
    %mul3A_190 = vector.broadcast %max3A_24 : vector<1x128xf32> to vector<64x128xf32>
    %mul3A_191 = arith.mulf %mul3A_190, %log3A_189 : vector<64x128xf32>
    %exp3A_192 = math.exp %mul3A_191 : vector<64x128xf32>
    %mul3A_193 = vector.broadcast %concatenate3A_40 : vector<1x128xf32> to vector<64x128xf32>
    %mul3A_194 = arith.mulf %exp3A_192, %mul3A_193 : vector<64x128xf32>
    %add3A_195 = arith.addf %mul3A_155, %mul3A_168 : vector<64x128xf32>
    %add3A_196 = arith.addf %mul3A_181, %mul3A_194 : vector<64x128xf32>
    %sign3A_197 = tpu.bitcast %add3A_196 : vector<64x128xf32> -> vector<64x128xi32>
    %sign3A_198 = arith.constant -2147483648 : i32
    %sign3A_199 = vector.broadcast %sign3A_198 : i32 to vector<64x128xi32>
    %sign3A_200 = arith.andi %sign3A_197, %sign3A_199 : vector<64x128xi32>
    %sign3A_201 = arith.constant 1065353216 : i32
    %sign3A_202 = vector.broadcast %sign3A_201 : i32 to vector<64x128xi32>
    %sign3A_203 = arith.ori %sign3A_202, %sign3A_200 : vector<64x128xi32>
    %sign3A_204 = tpu.bitcast %sign3A_203 : vector<64x128xi32> -> vector<64x128xf32>
    %sign3A_205 = math.absf %add3A_196 : vector<64x128xf32>
    %sign3A_206 = arith.constant 0.000000e+00 : f32
    %sign3A_207 = vector.broadcast %sign3A_206 : f32 to vector<64x128xf32>
    %sign3A_208 = arith.cmpf ogt, %sign3A_205, %sign3A_207 : vector<64x128xf32>
    %sign3A_209 = arith.select %sign3A_208, %sign3A_204, %add3A_196 : vector<64x128xi1>, vector<64x128xf32>
    %max3A_210 = arith.constant 0.000000e+00 : f32
    %max3A_211 = vector.broadcast %max3A_210 : f32 to vector<64x128xf32>
    %max3A_212 = arith.maximumf %max3A_211, %sign3A_209 : vector<64x128xf32>
    %mul3A_213 = arith.constant 2.000000e+00 : f32
    %mul3A_214 = vector.broadcast %mul3A_213 : f32 to vector<64x128xf32>
    %mul3A_215 = arith.mulf %mul3A_214, %max3A_212 : vector<64x128xf32>
    %sub3A_216 = arith.constant 1.000000e+00 : f32
    %sub3A_217 = vector.broadcast %sub3A_216 : f32 to vector<64x128xf32>
    %sub3A_218 = arith.subf %mul3A_215, %sub3A_217 : vector<64x128xf32>
    %lt3A_219 = arith.constant 1.000000e-07 : f32
    %lt3A_220 = vector.broadcast %lt3A_219 : f32 to vector<64x128xf32>
    %lt3A_221 = arith.cmpf olt, %add3A_196, %lt3A_220 : vector<64x128xf32>
    %gt3A_222 = arith.constant -1.000000e-07 : f32
    %gt3A_223 = vector.broadcast %gt3A_222 : f32 to vector<64x128xf32>
    %gt3A_224 = arith.cmpf ogt, %add3A_196, %gt3A_223 : vector<64x128xf32>
    %and3A_225 = arith.andi %lt3A_221, %gt3A_224 : vector<64x128xi1>
    %mul3A_226 = arith.constant 1.000000e-07 : f32
    %mul3A_227 = vector.broadcast %mul3A_226 : f32 to vector<64x128xf32>
    %mul3A_228 = arith.mulf %sub3A_218, %mul3A_227 : vector<64x128xf32>
    %select_n3A_229 = arith.select %and3A_225, %mul3A_228, %add3A_196 : vector<64x128xi1>, vector<64x128xf32>
    %div3A_230 = arith.divf %add3A_195, %select_n3A_229 : vector<64x128xf32>
    %slice3A_231 = vector.extract_strided_slice %div3A_230 {offsets = [0, 0], sizes = [64, 32], strides = [1, 1]} : vector<64x128xf32> to vector<64x32xf32>
    %swap3A_232 = arith.constant 0 : index
    %swap3A_233 = arith.constant 1 : index
    %swap3A_234 = arith.constant 0 : index
    %swap3A_235 = tpu.strided_load %arg4[%swap3A_232, %swap3A_233, %swap3A_234] {strides = array<i32: 4, 1, 1>} : memref<256x8x32xf32, #tpu.memory_space<vmem>>, vector<64x1x32xf32>
    %swap3A_236 = vector.shape_cast %swap3A_235 : vector<64x1x32xf32> to vector<64x32xf32>
    %swap3A_237 = vector.shape_cast %slice3A_231 : vector<64x32xf32> to vector<64x1x32xf32>
    tpu.strided_store %arg4[%swap3A_232, %swap3A_233, %swap3A_234], %swap3A_237 {strides = array<i32: 4, 1, 1>} : memref<256x8x32xf32, #tpu.memory_space<vmem>>, vector<64x1x32xf32>
    %slice3A_238 = vector.extract_strided_slice %div3A_230 {offsets = [0, 32], sizes = [64, 32], strides = [1, 1]} : vector<64x128xf32> to vector<64x32xf32>
    %swap3A_239 = arith.constant 1 : index
    %swap3A_240 = arith.constant 1 : index
    %swap3A_241 = arith.constant 0 : index
    %swap3A_242 = tpu.strided_load %arg4[%swap3A_239, %swap3A_240, %swap3A_241] {strides = array<i32: 4, 1, 1>} : memref<256x8x32xf32, #tpu.memory_space<vmem>>, vector<64x1x32xf32>
    %swap3A_243 = vector.shape_cast %swap3A_242 : vector<64x1x32xf32> to vector<64x32xf32>
    %swap3A_244 = vector.shape_cast %slice3A_238 : vector<64x32xf32> to vector<64x1x32xf32>
    tpu.strided_store %arg4[%swap3A_239, %swap3A_240, %swap3A_241], %swap3A_244 {strides = array<i32: 4, 1, 1>} : memref<256x8x32xf32, #tpu.memory_space<vmem>>, vector<64x1x32xf32>
    %slice3A_245 = vector.extract_strided_slice %div3A_230 {offsets = [0, 64], sizes = [64, 32], strides = [1, 1]} : vector<64x128xf32> to vector<64x32xf32>
    %swap3A_246 = arith.constant 2 : index
    %swap3A_247 = arith.constant 1 : index
    %swap3A_248 = arith.constant 0 : index
    %swap3A_249 = tpu.strided_load %arg4[%swap3A_246, %swap3A_247, %swap3A_248] {strides = array<i32: 4, 1, 1>} : memref<256x8x32xf32, #tpu.memory_space<vmem>>, vector<64x1x32xf32>
    %swap3A_250 = vector.shape_cast %swap3A_249 : vector<64x1x32xf32> to vector<64x32xf32>
    %swap3A_251 = vector.shape_cast %slice3A_245 : vector<64x32xf32> to vector<64x1x32xf32>
    tpu.strided_store %arg4[%swap3A_246, %swap3A_247, %swap3A_248], %swap3A_251 {strides = array<i32: 4, 1, 1>} : memref<256x8x32xf32, #tpu.memory_space<vmem>>, vector<64x1x32xf32>
    %slice3A_252 = vector.extract_strided_slice %div3A_230 {offsets = [0, 96], sizes = [64, 32], strides = [1, 1]} : vector<64x128xf32> to vector<64x32xf32>
    %swap3A_253 = arith.constant 3 : index
    %swap3A_254 = arith.constant 1 : index
    %swap3A_255 = arith.constant 0 : index
    %swap3A_256 = tpu.strided_load %arg4[%swap3A_253, %swap3A_254, %swap3A_255] {strides = array<i32: 4, 1, 1>} : memref<256x8x32xf32, #tpu.memory_space<vmem>>, vector<64x1x32xf32>
    %swap3A_257 = vector.shape_cast %swap3A_256 : vector<64x1x32xf32> to vector<64x32xf32>
    %swap3A_258 = vector.shape_cast %slice3A_252 : vector<64x32xf32> to vector<64x1x32xf32>
    tpu.strided_store %arg4[%swap3A_253, %swap3A_254, %swap3A_255], %swap3A_258 {strides = array<i32: 4, 1, 1>} : memref<256x8x32xf32, #tpu.memory_space<vmem>>, vector<64x1x32xf32>
    %get3A_259 = arith.constant 2 : index
    %get3A_260 = arith.constant 0 : index
    %get3A_261 = vector.load %arg2[%get3A_259, %get3A_260] : memref<8x32768xf32, #tpu.memory_space<vmem>>, vector<1x8192xf32>
    %reshape3A_262 = vector.shape_cast %get3A_261 : vector<1x8192xf32> to vector<64x128xf32>
    %max3A_263 = arith.constant 1.000000e-07 : f32
    %max3A_264 = vector.broadcast %max3A_263 : f32 to vector<64x128xf32>
    %max3A_265 = arith.maximumf %reshape3A_262, %max3A_264 : vector<64x128xf32>
    %log3A_266 = math.log %max3A_265 : vector<64x128xf32>
    %mul3A_267 = vector.broadcast %max3A_3 : vector<1x128xf32> to vector<64x128xf32>
    %mul3A_268 = arith.mulf %mul3A_267, %log3A_266 : vector<64x128xf32>
    %exp3A_269 = math.exp %mul3A_268 : vector<64x128xf32>
    %mul3A_270 = vector.broadcast %concatenate3A_28 : vector<1x128xf32> to vector<64x128xf32>
    %mul3A_271 = arith.mulf %exp3A_269, %mul3A_270 : vector<64x128xf32>
    %get3A_272 = arith.constant 2 : index
    %get3A_273 = arith.constant 8192 : index
    %get3A_274 = vector.load %arg2[%get3A_272, %get3A_273] : memref<8x32768xf32, #tpu.memory_space<vmem>>, vector<1x8192xf32>
    %reshape3A_275 = vector.shape_cast %get3A_274 : vector<1x8192xf32> to vector<64x128xf32>
    %max3A_276 = arith.constant 1.000000e-07 : f32
    %max3A_277 = vector.broadcast %max3A_276 : f32 to vector<64x128xf32>
    %max3A_278 = arith.maximumf %reshape3A_275, %max3A_277 : vector<64x128xf32>
    %log3A_279 = math.log %max3A_278 : vector<64x128xf32>
    %mul3A_280 = vector.broadcast %max3A_10 : vector<1x128xf32> to vector<64x128xf32>
    %mul3A_281 = arith.mulf %mul3A_280, %log3A_279 : vector<64x128xf32>
    %exp3A_282 = math.exp %mul3A_281 : vector<64x128xf32>
    %mul3A_283 = vector.broadcast %concatenate3A_32 : vector<1x128xf32> to vector<64x128xf32>
    %mul3A_284 = arith.mulf %exp3A_282, %mul3A_283 : vector<64x128xf32>
    %get3A_285 = arith.constant 2 : index
    %get3A_286 = arith.constant 16384 : index
    %get3A_287 = vector.load %arg2[%get3A_285, %get3A_286] : memref<8x32768xf32, #tpu.memory_space<vmem>>, vector<1x8192xf32>
    %reshape3A_288 = vector.shape_cast %get3A_287 : vector<1x8192xf32> to vector<64x128xf32>
    %max3A_289 = arith.constant 1.000000e-07 : f32
    %max3A_290 = vector.broadcast %max3A_289 : f32 to vector<64x128xf32>
    %max3A_291 = arith.maximumf %reshape3A_288, %max3A_290 : vector<64x128xf32>
    %log3A_292 = math.log %max3A_291 : vector<64x128xf32>
    %mul3A_293 = vector.broadcast %max3A_17 : vector<1x128xf32> to vector<64x128xf32>
    %mul3A_294 = arith.mulf %mul3A_293, %log3A_292 : vector<64x128xf32>
    %exp3A_295 = math.exp %mul3A_294 : vector<64x128xf32>
    %mul3A_296 = vector.broadcast %concatenate3A_36 : vector<1x128xf32> to vector<64x128xf32>
    %mul3A_297 = arith.mulf %exp3A_295, %mul3A_296 : vector<64x128xf32>
    %get3A_298 = arith.constant 2 : index
    %get3A_299 = arith.constant 24576 : index
    %get3A_300 = vector.load %arg2[%get3A_298, %get3A_299] : memref<8x32768xf32, #tpu.memory_space<vmem>>, vector<1x8192xf32>
    %reshape3A_301 = vector.shape_cast %get3A_300 : vector<1x8192xf32> to vector<64x128xf32>
    %max3A_302 = arith.constant 1.000000e-07 : f32
    %max3A_303 = vector.broadcast %max3A_302 : f32 to vector<64x128xf32>
    %max3A_304 = arith.maximumf %reshape3A_301, %max3A_303 : vector<64x128xf32>
    %log3A_305 = math.log %max3A_304 : vector<64x128xf32>
    %mul3A_306 = vector.broadcast %max3A_24 : vector<1x128xf32> to vector<64x128xf32>
    %mul3A_307 = arith.mulf %mul3A_306, %log3A_305 : vector<64x128xf32>
    %exp3A_308 = math.exp %mul3A_307 : vector<64x128xf32>
    %mul3A_309 = vector.broadcast %concatenate3A_40 : vector<1x128xf32> to vector<64x128xf32>
    %mul3A_310 = arith.mulf %exp3A_308, %mul3A_309 : vector<64x128xf32>
    %add3A_311 = arith.addf %mul3A_271, %mul3A_284 : vector<64x128xf32>
    %add3A_312 = arith.addf %mul3A_297, %mul3A_310 : vector<64x128xf32>
    %sign3A_313 = tpu.bitcast %add3A_312 : vector<64x128xf32> -> vector<64x128xi32>
    %sign3A_314 = arith.constant -2147483648 : i32
    %sign3A_315 = vector.broadcast %sign3A_314 : i32 to vector<64x128xi32>
    %sign3A_316 = arith.andi %sign3A_313, %sign3A_315 : vector<64x128xi32>
    %sign3A_317 = arith.constant 1065353216 : i32
    %sign3A_318 = vector.broadcast %sign3A_317 : i32 to vector<64x128xi32>
    %sign3A_319 = arith.ori %sign3A_318, %sign3A_316 : vector<64x128xi32>
    %sign3A_320 = tpu.bitcast %sign3A_319 : vector<64x128xi32> -> vector<64x128xf32>
    %sign3A_321 = math.absf %add3A_312 : vector<64x128xf32>
    %sign3A_322 = arith.constant 0.000000e+00 : f32
    %sign3A_323 = vector.broadcast %sign3A_322 : f32 to vector<64x128xf32>
    %sign3A_324 = arith.cmpf ogt, %sign3A_321, %sign3A_323 : vector<64x128xf32>
    %sign3A_325 = arith.select %sign3A_324, %sign3A_320, %add3A_312 : vector<64x128xi1>, vector<64x128xf32>
    %max3A_326 = arith.constant 0.000000e+00 : f32
    %max3A_327 = vector.broadcast %max3A_326 : f32 to vector<64x128xf32>
    %max3A_328 = arith.maximumf %max3A_327, %sign3A_325 : vector<64x128xf32>
    %mul3A_329 = arith.constant 2.000000e+00 : f32
    %mul3A_330 = vector.broadcast %mul3A_329 : f32 to vector<64x128xf32>
    %mul3A_331 = arith.mulf %mul3A_330, %max3A_328 : vector<64x128xf32>
    %sub3A_332 = arith.constant 1.000000e+00 : f32
    %sub3A_333 = vector.broadcast %sub3A_332 : f32 to vector<64x128xf32>
    %sub3A_334 = arith.subf %mul3A_331, %sub3A_333 : vector<64x128xf32>
    %lt3A_335 = arith.constant 1.000000e-07 : f32
    %lt3A_336 = vector.broadcast %lt3A_335 : f32 to vector<64x128xf32>
    %lt3A_337 = arith.cmpf olt, %add3A_312, %lt3A_336 : vector<64x128xf32>
    %gt3A_338 = arith.constant -1.000000e-07 : f32
    %gt3A_339 = vector.broadcast %gt3A_338 : f32 to vector<64x128xf32>
    %gt3A_340 = arith.cmpf ogt, %add3A_312, %gt3A_339 : vector<64x128xf32>
    %and3A_341 = arith.andi %lt3A_337, %gt3A_340 : vector<64x128xi1>
    %mul3A_342 = arith.constant 1.000000e-07 : f32
    %mul3A_343 = vector.broadcast %mul3A_342 : f32 to vector<64x128xf32>
    %mul3A_344 = arith.mulf %sub3A_334, %mul3A_343 : vector<64x128xf32>
    %select_n3A_345 = arith.select %and3A_341, %mul3A_344, %add3A_312 : vector<64x128xi1>, vector<64x128xf32>
    %div3A_346 = arith.divf %add3A_311, %select_n3A_345 : vector<64x128xf32>
    %slice3A_347 = vector.extract_strided_slice %div3A_346 {offsets = [0, 0], sizes = [64, 32], strides = [1, 1]} : vector<64x128xf32> to vector<64x32xf32>
    %swap3A_348 = arith.constant 0 : index
    %swap3A_349 = arith.constant 2 : index
    %swap3A_350 = arith.constant 0 : index
    %swap3A_351 = tpu.strided_load %arg4[%swap3A_348, %swap3A_349, %swap3A_350] {strides = array<i32: 4, 1, 1>} : memref<256x8x32xf32, #tpu.memory_space<vmem>>, vector<64x1x32xf32>
    %swap3A_352 = vector.shape_cast %swap3A_351 : vector<64x1x32xf32> to vector<64x32xf32>
    %swap3A_353 = vector.shape_cast %slice3A_347 : vector<64x32xf32> to vector<64x1x32xf32>
    tpu.strided_store %arg4[%swap3A_348, %swap3A_349, %swap3A_350], %swap3A_353 {strides = array<i32: 4, 1, 1>} : memref<256x8x32xf32, #tpu.memory_space<vmem>>, vector<64x1x32xf32>
    %slice3A_354 = vector.extract_strided_slice %div3A_346 {offsets = [0, 32], sizes = [64, 32], strides = [1, 1]} : vector<64x128xf32> to vector<64x32xf32>
    %swap3A_355 = arith.constant 1 : index
    %swap3A_356 = arith.constant 2 : index
    %swap3A_357 = arith.constant 0 : index
    %swap3A_358 = tpu.strided_load %arg4[%swap3A_355, %swap3A_356, %swap3A_357] {strides = array<i32: 4, 1, 1>} : memref<256x8x32xf32, #tpu.memory_space<vmem>>, vector<64x1x32xf32>
    %swap3A_359 = vector.shape_cast %swap3A_358 : vector<64x1x32xf32> to vector<64x32xf32>
    %swap3A_360 = vector.shape_cast %slice3A_354 : vector<64x32xf32> to vector<64x1x32xf32>
    tpu.strided_store %arg4[%swap3A_355, %swap3A_356, %swap3A_357], %swap3A_360 {strides = array<i32: 4, 1, 1>} : memref<256x8x32xf32, #tpu.memory_space<vmem>>, vector<64x1x32xf32>
    %slice3A_361 = vector.extract_strided_slice %div3A_346 {offsets = [0, 64], sizes = [64, 32], strides = [1, 1]} : vector<64x128xf32> to vector<64x32xf32>
    %swap3A_362 = arith.constant 2 : index
    %swap3A_363 = arith.constant 2 : index
    %swap3A_364 = arith.constant 0 : index
    %swap3A_365 = tpu.strided_load %arg4[%swap3A_362, %swap3A_363, %swap3A_364] {strides = array<i32: 4, 1, 1>} : memref<256x8x32xf32, #tpu.memory_space<vmem>>, vector<64x1x32xf32>
    %swap3A_366 = vector.shape_cast %swap3A_365 : vector<64x1x32xf32> to vector<64x32xf32>
    %swap3A_367 = vector.shape_cast %slice3A_361 : vector<64x32xf32> to vector<64x1x32xf32>
    tpu.strided_store %arg4[%swap3A_362, %swap3A_363, %swap3A_364], %swap3A_367 {strides = array<i32: 4, 1, 1>} : memref<256x8x32xf32, #tpu.memory_space<vmem>>, vector<64x1x32xf32>
    %slice3A_368 = vector.extract_strided_slice %div3A_346 {offsets = [0, 96], sizes = [64, 32], strides = [1, 1]} : vector<64x128xf32> to vector<64x32xf32>
    %swap3A_369 = arith.constant 3 : index
    %swap3A_370 = arith.constant 2 : index
    %swap3A_371 = arith.constant 0 : index
    %swap3A_372 = tpu.strided_load %arg4[%swap3A_369, %swap3A_370, %swap3A_371] {strides = array<i32: 4, 1, 1>} : memref<256x8x32xf32, #tpu.memory_space<vmem>>, vector<64x1x32xf32>
    %swap3A_373 = vector.shape_cast %swap3A_372 : vector<64x1x32xf32> to vector<64x32xf32>
    %swap3A_374 = vector.shape_cast %slice3A_368 : vector<64x32xf32> to vector<64x1x32xf32>
    tpu.strided_store %arg4[%swap3A_369, %swap3A_370, %swap3A_371], %swap3A_374 {strides = array<i32: 4, 1, 1>} : memref<256x8x32xf32, #tpu.memory_space<vmem>>, vector<64x1x32xf32>
    %get3A_375 = arith.constant 3 : index
    %get3A_376 = arith.constant 0 : index
    %get3A_377 = vector.load %arg2[%get3A_375, %get3A_376] : memref<8x32768xf32, #tpu.memory_space<vmem>>, vector<1x8192xf32>
    %reshape3A_378 = vector.shape_cast %get3A_377 : vector<1x8192xf32> to vector<64x128xf32>
    %max3A_379 = arith.constant 1.000000e-07 : f32
    %max3A_380 = vector.broadcast %max3A_379 : f32 to vector<64x128xf32>
    %max3A_381 = arith.maximumf %reshape3A_378, %max3A_380 : vector<64x128xf32>
    %log3A_382 = math.log %max3A_381 : vector<64x128xf32>
    %mul3A_383 = vector.broadcast %max3A_3 : vector<1x128xf32> to vector<64x128xf32>
    %mul3A_384 = arith.mulf %mul3A_383, %log3A_382 : vector<64x128xf32>
    %exp3A_385 = math.exp %mul3A_384 : vector<64x128xf32>
    %mul3A_386 = vector.broadcast %concatenate3A_28 : vector<1x128xf32> to vector<64x128xf32>
    %mul3A_387 = arith.mulf %exp3A_385, %mul3A_386 : vector<64x128xf32>
    %get3A_388 = arith.constant 3 : index
    %get3A_389 = arith.constant 8192 : index
    %get3A_390 = vector.load %arg2[%get3A_388, %get3A_389] : memref<8x32768xf32, #tpu.memory_space<vmem>>, vector<1x8192xf32>
    %reshape3A_391 = vector.shape_cast %get3A_390 : vector<1x8192xf32> to vector<64x128xf32>
    %max3A_392 = arith.constant 1.000000e-07 : f32
    %max3A_393 = vector.broadcast %max3A_392 : f32 to vector<64x128xf32>
    %max3A_394 = arith.maximumf %reshape3A_391, %max3A_393 : vector<64x128xf32>
    %log3A_395 = math.log %max3A_394 : vector<64x128xf32>
    %mul3A_396 = vector.broadcast %max3A_10 : vector<1x128xf32> to vector<64x128xf32>
    %mul3A_397 = arith.mulf %mul3A_396, %log3A_395 : vector<64x128xf32>
    %exp3A_398 = math.exp %mul3A_397 : vector<64x128xf32>
    %mul3A_399 = vector.broadcast %concatenate3A_32 : vector<1x128xf32> to vector<64x128xf32>
    %mul3A_400 = arith.mulf %exp3A_398, %mul3A_399 : vector<64x128xf32>
    %get3A_401 = arith.constant 3 : index
    %get3A_402 = arith.constant 16384 : index
    %get3A_403 = vector.load %arg2[%get3A_401, %get3A_402] : memref<8x32768xf32, #tpu.memory_space<vmem>>, vector<1x8192xf32>
    %reshape3A_404 = vector.shape_cast %get3A_403 : vector<1x8192xf32> to vector<64x128xf32>
    %max3A_405 = arith.constant 1.000000e-07 : f32
    %max3A_406 = vector.broadcast %max3A_405 : f32 to vector<64x128xf32>
    %max3A_407 = arith.maximumf %reshape3A_404, %max3A_406 : vector<64x128xf32>
    %log3A_408 = math.log %max3A_407 : vector<64x128xf32>
    %mul3A_409 = vector.broadcast %max3A_17 : vector<1x128xf32> to vector<64x128xf32>
    %mul3A_410 = arith.mulf %mul3A_409, %log3A_408 : vector<64x128xf32>
    %exp3A_411 = math.exp %mul3A_410 : vector<64x128xf32>
    %mul3A_412 = vector.broadcast %concatenate3A_36 : vector<1x128xf32> to vector<64x128xf32>
    %mul3A_413 = arith.mulf %exp3A_411, %mul3A_412 : vector<64x128xf32>
    %get3A_414 = arith.constant 3 : index
    %get3A_415 = arith.constant 24576 : index
    %get3A_416 = vector.load %arg2[%get3A_414, %get3A_415] : memref<8x32768xf32, #tpu.memory_space<vmem>>, vector<1x8192xf32>
    %reshape3A_417 = vector.shape_cast %get3A_416 : vector<1x8192xf32> to vector<64x128xf32>
    %max3A_418 = arith.constant 1.000000e-07 : f32
    %max3A_419 = vector.broadcast %max3A_418 : f32 to vector<64x128xf32>
    %max3A_420 = arith.maximumf %reshape3A_417, %max3A_419 : vector<64x128xf32>
    %log3A_421 = math.log %max3A_420 : vector<64x128xf32>
    %mul3A_422 = vector.broadcast %max3A_24 : vector<1x128xf32> to vector<64x128xf32>
    %mul3A_423 = arith.mulf %mul3A_422, %log3A_421 : vector<64x128xf32>
    %exp3A_424 = math.exp %mul3A_423 : vector<64x128xf32>
    %mul3A_425 = vector.broadcast %concatenate3A_40 : vector<1x128xf32> to vector<64x128xf32>
    %mul3A_426 = arith.mulf %exp3A_424, %mul3A_425 : vector<64x128xf32>
    %add3A_427 = arith.addf %mul3A_387, %mul3A_400 : vector<64x128xf32>
    %add3A_428 = arith.addf %mul3A_413, %mul3A_426 : vector<64x128xf32>
    %sign3A_429 = tpu.bitcast %add3A_428 : vector<64x128xf32> -> vector<64x128xi32>
    %sign3A_430 = arith.constant -2147483648 : i32
    %sign3A_431 = vector.broadcast %sign3A_430 : i32 to vector<64x128xi32>
    %sign3A_432 = arith.andi %sign3A_429, %sign3A_431 : vector<64x128xi32>
    %sign3A_433 = arith.constant 1065353216 : i32
    %sign3A_434 = vector.broadcast %sign3A_433 : i32 to vector<64x128xi32>
    %sign3A_435 = arith.ori %sign3A_434, %sign3A_432 : vector<64x128xi32>
    %sign3A_436 = tpu.bitcast %sign3A_435 : vector<64x128xi32> -> vector<64x128xf32>
    %sign3A_437 = math.absf %add3A_428 : vector<64x128xf32>
    %sign3A_438 = arith.constant 0.000000e+00 : f32
    %sign3A_439 = vector.broadcast %sign3A_438 : f32 to vector<64x128xf32>
    %sign3A_440 = arith.cmpf ogt, %sign3A_437, %sign3A_439 : vector<64x128xf32>
    %sign3A_441 = arith.select %sign3A_440, %sign3A_436, %add3A_428 : vector<64x128xi1>, vector<64x128xf32>
    %max3A_442 = arith.constant 0.000000e+00 : f32
    %max3A_443 = vector.broadcast %max3A_442 : f32 to vector<64x128xf32>
    %max3A_444 = arith.maximumf %max3A_443, %sign3A_441 : vector<64x128xf32>
    %mul3A_445 = arith.constant 2.000000e+00 : f32
    %mul3A_446 = vector.broadcast %mul3A_445 : f32 to vector<64x128xf32>
    %mul3A_447 = arith.mulf %mul3A_446, %max3A_444 : vector<64x128xf32>
    %sub3A_448 = arith.constant 1.000000e+00 : f32
    %sub3A_449 = vector.broadcast %sub3A_448 : f32 to vector<64x128xf32>
    %sub3A_450 = arith.subf %mul3A_447, %sub3A_449 : vector<64x128xf32>
    %lt3A_451 = arith.constant 1.000000e-07 : f32
    %lt3A_452 = vector.broadcast %lt3A_451 : f32 to vector<64x128xf32>
    %lt3A_453 = arith.cmpf olt, %add3A_428, %lt3A_452 : vector<64x128xf32>
    %gt3A_454 = arith.constant -1.000000e-07 : f32
    %gt3A_455 = vector.broadcast %gt3A_454 : f32 to vector<64x128xf32>
    %gt3A_456 = arith.cmpf ogt, %add3A_428, %gt3A_455 : vector<64x128xf32>
    %and3A_457 = arith.andi %lt3A_453, %gt3A_456 : vector<64x128xi1>
    %mul3A_458 = arith.constant 1.000000e-07 : f32
    %mul3A_459 = vector.broadcast %mul3A_458 : f32 to vector<64x128xf32>
    %mul3A_460 = arith.mulf %sub3A_450, %mul3A_459 : vector<64x128xf32>
    %select_n3A_461 = arith.select %and3A_457, %mul3A_460, %add3A_428 : vector<64x128xi1>, vector<64x128xf32>
    %div3A_462 = arith.divf %add3A_427, %select_n3A_461 : vector<64x128xf32>
    %slice3A_463 = vector.extract_strided_slice %div3A_462 {offsets = [0, 0], sizes = [64, 32], strides = [1, 1]} : vector<64x128xf32> to vector<64x32xf32>
    %swap3A_464 = arith.constant 0 : index
    %swap3A_465 = arith.constant 3 : index
    %swap3A_466 = arith.constant 0 : index
    %swap3A_467 = tpu.strided_load %arg4[%swap3A_464, %swap3A_465, %swap3A_466] {strides = array<i32: 4, 1, 1>} : memref<256x8x32xf32, #tpu.memory_space<vmem>>, vector<64x1x32xf32>
    %swap3A_468 = vector.shape_cast %swap3A_467 : vector<64x1x32xf32> to vector<64x32xf32>
    %swap3A_469 = vector.shape_cast %slice3A_463 : vector<64x32xf32> to vector<64x1x32xf32>
    tpu.strided_store %arg4[%swap3A_464, %swap3A_465, %swap3A_466], %swap3A_469 {strides = array<i32: 4, 1, 1>} : memref<256x8x32xf32, #tpu.memory_space<vmem>>, vector<64x1x32xf32>
    %slice3A_470 = vector.extract_strided_slice %div3A_462 {offsets = [0, 32], sizes = [64, 32], strides = [1, 1]} : vector<64x128xf32> to vector<64x32xf32>
    %swap3A_471 = arith.constant 1 : index
    %swap3A_472 = arith.constant 3 : index
    %swap3A_473 = arith.constant 0 : index
    %swap3A_474 = tpu.strided_load %arg4[%swap3A_471, %swap3A_472, %swap3A_473] {strides = array<i32: 4, 1, 1>} : memref<256x8x32xf32, #tpu.memory_space<vmem>>, vector<64x1x32xf32>
    %swap3A_475 = vector.shape_cast %swap3A_474 : vector<64x1x32xf32> to vector<64x32xf32>
    %swap3A_476 = vector.shape_cast %slice3A_470 : vector<64x32xf32> to vector<64x1x32xf32>
    tpu.strided_store %arg4[%swap3A_471, %swap3A_472, %swap3A_473], %swap3A_476 {strides = array<i32: 4, 1, 1>} : memref<256x8x32xf32, #tpu.memory_space<vmem>>, vector<64x1x32xf32>
    %slice3A_477 = vector.extract_strided_slice %div3A_462 {offsets = [0, 64], sizes = [64, 32], strides = [1, 1]} : vector<64x128xf32> to vector<64x32xf32>
    %swap3A_478 = arith.constant 2 : index
    %swap3A_479 = arith.constant 3 : index
    %swap3A_480 = arith.constant 0 : index
    %swap3A_481 = tpu.strided_load %arg4[%swap3A_478, %swap3A_479, %swap3A_480] {strides = array<i32: 4, 1, 1>} : memref<256x8x32xf32, #tpu.memory_space<vmem>>, vector<64x1x32xf32>
    %swap3A_482 = vector.shape_cast %swap3A_481 : vector<64x1x32xf32> to vector<64x32xf32>
    %swap3A_483 = vector.shape_cast %slice3A_477 : vector<64x32xf32> to vector<64x1x32xf32>
    tpu.strided_store %arg4[%swap3A_478, %swap3A_479, %swap3A_480], %swap3A_483 {strides = array<i32: 4, 1, 1>} : memref<256x8x32xf32, #tpu.memory_space<vmem>>, vector<64x1x32xf32>
    %slice3A_484 = vector.extract_strided_slice %div3A_462 {offsets = [0, 96], sizes = [64, 32], strides = [1, 1]} : vector<64x128xf32> to vector<64x32xf32>
    %swap3A_485 = arith.constant 3 : index
    %swap3A_486 = arith.constant 3 : index
    %swap3A_487 = arith.constant 0 : index
    %swap3A_488 = tpu.strided_load %arg4[%swap3A_485, %swap3A_486, %swap3A_487] {strides = array<i32: 4, 1, 1>} : memref<256x8x32xf32, #tpu.memory_space<vmem>>, vector<64x1x32xf32>
    %swap3A_489 = vector.shape_cast %swap3A_488 : vector<64x1x32xf32> to vector<64x32xf32>
    %swap3A_490 = vector.shape_cast %slice3A_484 : vector<64x32xf32> to vector<64x1x32xf32>
    tpu.strided_store %arg4[%swap3A_485, %swap3A_486, %swap3A_487], %swap3A_490 {strides = array<i32: 4, 1, 1>} : memref<256x8x32xf32, #tpu.memory_space<vmem>>, vector<64x1x32xf32>
    %get3A_491 = arith.constant 4 : index
    %get3A_492 = arith.constant 0 : index
    %get3A_493 = vector.load %arg2[%get3A_491, %get3A_492] : memref<8x32768xf32, #tpu.memory_space<vmem>>, vector<1x8192xf32>
    %reshape3A_494 = vector.shape_cast %get3A_493 : vector<1x8192xf32> to vector<64x128xf32>
    %max3A_495 = arith.constant 1.000000e-07 : f32
    %max3A_496 = vector.broadcast %max3A_495 : f32 to vector<64x128xf32>
    %max3A_497 = arith.maximumf %reshape3A_494, %max3A_496 : vector<64x128xf32>
    %log3A_498 = math.log %max3A_497 : vector<64x128xf32>
    %mul3A_499 = vector.broadcast %max3A_3 : vector<1x128xf32> to vector<64x128xf32>
    %mul3A_500 = arith.mulf %mul3A_499, %log3A_498 : vector<64x128xf32>
    %exp3A_501 = math.exp %mul3A_500 : vector<64x128xf32>
    %mul3A_502 = vector.broadcast %concatenate3A_28 : vector<1x128xf32> to vector<64x128xf32>
    %mul3A_503 = arith.mulf %exp3A_501, %mul3A_502 : vector<64x128xf32>
    %get3A_504 = arith.constant 4 : index
    %get3A_505 = arith.constant 8192 : index
    %get3A_506 = vector.load %arg2[%get3A_504, %get3A_505] : memref<8x32768xf32, #tpu.memory_space<vmem>>, vector<1x8192xf32>
    %reshape3A_507 = vector.shape_cast %get3A_506 : vector<1x8192xf32> to vector<64x128xf32>
    %max3A_508 = arith.constant 1.000000e-07 : f32
    %max3A_509 = vector.broadcast %max3A_508 : f32 to vector<64x128xf32>
    %max3A_510 = arith.maximumf %reshape3A_507, %max3A_509 : vector<64x128xf32>
    %log3A_511 = math.log %max3A_510 : vector<64x128xf32>
    %mul3A_512 = vector.broadcast %max3A_10 : vector<1x128xf32> to vector<64x128xf32>
    %mul3A_513 = arith.mulf %mul3A_512, %log3A_511 : vector<64x128xf32>
    %exp3A_514 = math.exp %mul3A_513 : vector<64x128xf32>
    %mul3A_515 = vector.broadcast %concatenate3A_32 : vector<1x128xf32> to vector<64x128xf32>
    %mul3A_516 = arith.mulf %exp3A_514, %mul3A_515 : vector<64x128xf32>
    %get3A_517 = arith.constant 4 : index
    %get3A_518 = arith.constant 16384 : index
    %get3A_519 = vector.load %arg2[%get3A_517, %get3A_518] : memref<8x32768xf32, #tpu.memory_space<vmem>>, vector<1x8192xf32>
    %reshape3A_520 = vector.shape_cast %get3A_519 : vector<1x8192xf32> to vector<64x128xf32>
    %max3A_521 = arith.constant 1.000000e-07 : f32
    %max3A_522 = vector.broadcast %max3A_521 : f32 to vector<64x128xf32>
    %max3A_523 = arith.maximumf %reshape3A_520, %max3A_522 : vector<64x128xf32>
    %log3A_524 = math.log %max3A_523 : vector<64x128xf32>
    %mul3A_525 = vector.broadcast %max3A_17 : vector<1x128xf32> to vector<64x128xf32>
    %mul3A_526 = arith.mulf %mul3A_525, %log3A_524 : vector<64x128xf32>
    %exp3A_527 = math.exp %mul3A_526 : vector<64x128xf32>
    %mul3A_528 = vector.broadcast %concatenate3A_36 : vector<1x128xf32> to vector<64x128xf32>
    %mul3A_529 = arith.mulf %exp3A_527, %mul3A_528 : vector<64x128xf32>
    %get3A_530 = arith.constant 4 : index
    %get3A_531 = arith.constant 24576 : index
    %get3A_532 = vector.load %arg2[%get3A_530, %get3A_531] : memref<8x32768xf32, #tpu.memory_space<vmem>>, vector<1x8192xf32>
    %reshape3A_533 = vector.shape_cast %get3A_532 : vector<1x8192xf32> to vector<64x128xf32>
    %max3A_534 = arith.constant 1.000000e-07 : f32
    %max3A_535 = vector.broadcast %max3A_534 : f32 to vector<64x128xf32>
    %max3A_536 = arith.maximumf %reshape3A_533, %max3A_535 : vector<64x128xf32>
    %log3A_537 = math.log %max3A_536 : vector<64x128xf32>
    %mul3A_538 = vector.broadcast %max3A_24 : vector<1x128xf32> to vector<64x128xf32>
    %mul3A_539 = arith.mulf %mul3A_538, %log3A_537 : vector<64x128xf32>
    %exp3A_540 = math.exp %mul3A_539 : vector<64x128xf32>
    %mul3A_541 = vector.broadcast %concatenate3A_40 : vector<1x128xf32> to vector<64x128xf32>
    %mul3A_542 = arith.mulf %exp3A_540, %mul3A_541 : vector<64x128xf32>
    %add3A_543 = arith.addf %mul3A_503, %mul3A_516 : vector<64x128xf32>
    %add3A_544 = arith.addf %mul3A_529, %mul3A_542 : vector<64x128xf32>
    %sign3A_545 = tpu.bitcast %add3A_544 : vector<64x128xf32> -> vector<64x128xi32>
    %sign3A_546 = arith.constant -2147483648 : i32
    %sign3A_547 = vector.broadcast %sign3A_546 : i32 to vector<64x128xi32>
    %sign3A_548 = arith.andi %sign3A_545, %sign3A_547 : vector<64x128xi32>
    %sign3A_549 = arith.constant 1065353216 : i32
    %sign3A_550 = vector.broadcast %sign3A_549 : i32 to vector<64x128xi32>
    %sign3A_551 = arith.ori %sign3A_550, %sign3A_548 : vector<64x128xi32>
    %sign3A_552 = tpu.bitcast %sign3A_551 : vector<64x128xi32> -> vector<64x128xf32>
    %sign3A_553 = math.absf %add3A_544 : vector<64x128xf32>
    %sign3A_554 = arith.constant 0.000000e+00 : f32
    %sign3A_555 = vector.broadcast %sign3A_554 : f32 to vector<64x128xf32>
    %sign3A_556 = arith.cmpf ogt, %sign3A_553, %sign3A_555 : vector<64x128xf32>
    %sign3A_557 = arith.select %sign3A_556, %sign3A_552, %add3A_544 : vector<64x128xi1>, vector<64x128xf32>
    %max3A_558 = arith.constant 0.000000e+00 : f32
    %max3A_559 = vector.broadcast %max3A_558 : f32 to vector<64x128xf32>
    %max3A_560 = arith.maximumf %max3A_559, %sign3A_557 : vector<64x128xf32>
    %mul3A_561 = arith.constant 2.000000e+00 : f32
    %mul3A_562 = vector.broadcast %mul3A_561 : f32 to vector<64x128xf32>
    %mul3A_563 = arith.mulf %mul3A_562, %max3A_560 : vector<64x128xf32>
    %sub3A_564 = arith.constant 1.000000e+00 : f32
    %sub3A_565 = vector.broadcast %sub3A_564 : f32 to vector<64x128xf32>
    %sub3A_566 = arith.subf %mul3A_563, %sub3A_565 : vector<64x128xf32>
    %lt3A_567 = arith.constant 1.000000e-07 : f32
    %lt3A_568 = vector.broadcast %lt3A_567 : f32 to vector<64x128xf32>
    %lt3A_569 = arith.cmpf olt, %add3A_544, %lt3A_568 : vector<64x128xf32>
    %gt3A_570 = arith.constant -1.000000e-07 : f32
    %gt3A_571 = vector.broadcast %gt3A_570 : f32 to vector<64x128xf32>
    %gt3A_572 = arith.cmpf ogt, %add3A_544, %gt3A_571 : vector<64x128xf32>
    %and3A_573 = arith.andi %lt3A_569, %gt3A_572 : vector<64x128xi1>
    %mul3A_574 = arith.constant 1.000000e-07 : f32
    %mul3A_575 = vector.broadcast %mul3A_574 : f32 to vector<64x128xf32>
    %mul3A_576 = arith.mulf %sub3A_566, %mul3A_575 : vector<64x128xf32>
    %select_n3A_577 = arith.select %and3A_573, %mul3A_576, %add3A_544 : vector<64x128xi1>, vector<64x128xf32>
    %div3A_578 = arith.divf %add3A_543, %select_n3A_577 : vector<64x128xf32>
    %slice3A_579 = vector.extract_strided_slice %div3A_578 {offsets = [0, 0], sizes = [64, 32], strides = [1, 1]} : vector<64x128xf32> to vector<64x32xf32>
    %swap3A_580 = arith.constant 0 : index
    %swap3A_581 = arith.constant 4 : index
    %swap3A_582 = arith.constant 0 : index
    %swap3A_583 = tpu.strided_load %arg4[%swap3A_580, %swap3A_581, %swap3A_582] {strides = array<i32: 4, 1, 1>} : memref<256x8x32xf32, #tpu.memory_space<vmem>>, vector<64x1x32xf32>
    %swap3A_584 = vector.shape_cast %swap3A_583 : vector<64x1x32xf32> to vector<64x32xf32>
    %swap3A_585 = vector.shape_cast %slice3A_579 : vector<64x32xf32> to vector<64x1x32xf32>
    tpu.strided_store %arg4[%swap3A_580, %swap3A_581, %swap3A_582], %swap3A_585 {strides = array<i32: 4, 1, 1>} : memref<256x8x32xf32, #tpu.memory_space<vmem>>, vector<64x1x32xf32>
    %slice3A_586 = vector.extract_strided_slice %div3A_578 {offsets = [0, 32], sizes = [64, 32], strides = [1, 1]} : vector<64x128xf32> to vector<64x32xf32>
    %swap3A_587 = arith.constant 1 : index
    %swap3A_588 = arith.constant 4 : index
    %swap3A_589 = arith.constant 0 : index
    %swap3A_590 = tpu.strided_load %arg4[%swap3A_587, %swap3A_588, %swap3A_589] {strides = array<i32: 4, 1, 1>} : memref<256x8x32xf32, #tpu.memory_space<vmem>>, vector<64x1x32xf32>
    %swap3A_591 = vector.shape_cast %swap3A_590 : vector<64x1x32xf32> to vector<64x32xf32>
    %swap3A_592 = vector.shape_cast %slice3A_586 : vector<64x32xf32> to vector<64x1x32xf32>
    tpu.strided_store %arg4[%swap3A_587, %swap3A_588, %swap3A_589], %swap3A_592 {strides = array<i32: 4, 1, 1>} : memref<256x8x32xf32, #tpu.memory_space<vmem>>, vector<64x1x32xf32>
    %slice3A_593 = vector.extract_strided_slice %div3A_578 {offsets = [0, 64], sizes = [64, 32], strides = [1, 1]} : vector<64x128xf32> to vector<64x32xf32>
    %swap3A_594 = arith.constant 2 : index
    %swap3A_595 = arith.constant 4 : index
    %swap3A_596 = arith.constant 0 : index
    %swap3A_597 = tpu.strided_load %arg4[%swap3A_594, %swap3A_595, %swap3A_596] {strides = array<i32: 4, 1, 1>} : memref<256x8x32xf32, #tpu.memory_space<vmem>>, vector<64x1x32xf32>
    %swap3A_598 = vector.shape_cast %swap3A_597 : vector<64x1x32xf32> to vector<64x32xf32>
    %swap3A_599 = vector.shape_cast %slice3A_593 : vector<64x32xf32> to vector<64x1x32xf32>
    tpu.strided_store %arg4[%swap3A_594, %swap3A_595, %swap3A_596], %swap3A_599 {strides = array<i32: 4, 1, 1>} : memref<256x8x32xf32, #tpu.memory_space<vmem>>, vector<64x1x32xf32>
    %slice3A_600 = vector.extract_strided_slice %div3A_578 {offsets = [0, 96], sizes = [64, 32], strides = [1, 1]} : vector<64x128xf32> to vector<64x32xf32>
    %swap3A_601 = arith.constant 3 : index
    %swap3A_602 = arith.constant 4 : index
    %swap3A_603 = arith.constant 0 : index
    %swap3A_604 = tpu.strided_load %arg4[%swap3A_601, %swap3A_602, %swap3A_603] {strides = array<i32: 4, 1, 1>} : memref<256x8x32xf32, #tpu.memory_space<vmem>>, vector<64x1x32xf32>
    %swap3A_605 = vector.shape_cast %swap3A_604 : vector<64x1x32xf32> to vector<64x32xf32>
    %swap3A_606 = vector.shape_cast %slice3A_600 : vector<64x32xf32> to vector<64x1x32xf32>
    tpu.strided_store %arg4[%swap3A_601, %swap3A_602, %swap3A_603], %swap3A_606 {strides = array<i32: 4, 1, 1>} : memref<256x8x32xf32, #tpu.memory_space<vmem>>, vector<64x1x32xf32>
    %get3A_607 = arith.constant 5 : index
    %get3A_608 = arith.constant 0 : index
    %get3A_609 = vector.load %arg2[%get3A_607, %get3A_608] : memref<8x32768xf32, #tpu.memory_space<vmem>>, vector<1x8192xf32>
    %reshape3A_610 = vector.shape_cast %get3A_609 : vector<1x8192xf32> to vector<64x128xf32>
    %max3A_611 = arith.constant 1.000000e-07 : f32
    %max3A_612 = vector.broadcast %max3A_611 : f32 to vector<64x128xf32>
    %max3A_613 = arith.maximumf %reshape3A_610, %max3A_612 : vector<64x128xf32>
    %log3A_614 = math.log %max3A_613 : vector<64x128xf32>
    %mul3A_615 = vector.broadcast %max3A_3 : vector<1x128xf32> to vector<64x128xf32>
    %mul3A_616 = arith.mulf %mul3A_615, %log3A_614 : vector<64x128xf32>
    %exp3A_617 = math.exp %mul3A_616 : vector<64x128xf32>
    %mul3A_618 = vector.broadcast %concatenate3A_28 : vector<1x128xf32> to vector<64x128xf32>
    %mul3A_619 = arith.mulf %exp3A_617, %mul3A_618 : vector<64x128xf32>
    %get3A_620 = arith.constant 5 : index
    %get3A_621 = arith.constant 8192 : index
    %get3A_622 = vector.load %arg2[%get3A_620, %get3A_621] : memref<8x32768xf32, #tpu.memory_space<vmem>>, vector<1x8192xf32>
    %reshape3A_623 = vector.shape_cast %get3A_622 : vector<1x8192xf32> to vector<64x128xf32>
    %max3A_624 = arith.constant 1.000000e-07 : f32
    %max3A_625 = vector.broadcast %max3A_624 : f32 to vector<64x128xf32>
    %max3A_626 = arith.maximumf %reshape3A_623, %max3A_625 : vector<64x128xf32>
    %log3A_627 = math.log %max3A_626 : vector<64x128xf32>
    %mul3A_628 = vector.broadcast %max3A_10 : vector<1x128xf32> to vector<64x128xf32>
    %mul3A_629 = arith.mulf %mul3A_628, %log3A_627 : vector<64x128xf32>
    %exp3A_630 = math.exp %mul3A_629 : vector<64x128xf32>
    %mul3A_631 = vector.broadcast %concatenate3A_32 : vector<1x128xf32> to vector<64x128xf32>
    %mul3A_632 = arith.mulf %exp3A_630, %mul3A_631 : vector<64x128xf32>
    %get3A_633 = arith.constant 5 : index
    %get3A_634 = arith.constant 16384 : index
    %get3A_635 = vector.load %arg2[%get3A_633, %get3A_634] : memref<8x32768xf32, #tpu.memory_space<vmem>>, vector<1x8192xf32>
    %reshape3A_636 = vector.shape_cast %get3A_635 : vector<1x8192xf32> to vector<64x128xf32>
    %max3A_637 = arith.constant 1.000000e-07 : f32
    %max3A_638 = vector.broadcast %max3A_637 : f32 to vector<64x128xf32>
    %max3A_639 = arith.maximumf %reshape3A_636, %max3A_638 : vector<64x128xf32>
    %log3A_640 = math.log %max3A_639 : vector<64x128xf32>
    %mul3A_641 = vector.broadcast %max3A_17 : vector<1x128xf32> to vector<64x128xf32>
    %mul3A_642 = arith.mulf %mul3A_641, %log3A_640 : vector<64x128xf32>
    %exp3A_643 = math.exp %mul3A_642 : vector<64x128xf32>
    %mul3A_644 = vector.broadcast %concatenate3A_36 : vector<1x128xf32> to vector<64x128xf32>
    %mul3A_645 = arith.mulf %exp3A_643, %mul3A_644 : vector<64x128xf32>
    %get3A_646 = arith.constant 5 : index
    %get3A_647 = arith.constant 24576 : index
    %get3A_648 = vector.load %arg2[%get3A_646, %get3A_647] : memref<8x32768xf32, #tpu.memory_space<vmem>>, vector<1x8192xf32>
    %reshape3A_649 = vector.shape_cast %get3A_648 : vector<1x8192xf32> to vector<64x128xf32>
    %max3A_650 = arith.constant 1.000000e-07 : f32
    %max3A_651 = vector.broadcast %max3A_650 : f32 to vector<64x128xf32>
    %max3A_652 = arith.maximumf %reshape3A_649, %max3A_651 : vector<64x128xf32>
    %log3A_653 = math.log %max3A_652 : vector<64x128xf32>
    %mul3A_654 = vector.broadcast %max3A_24 : vector<1x128xf32> to vector<64x128xf32>
    %mul3A_655 = arith.mulf %mul3A_654, %log3A_653 : vector<64x128xf32>
    %exp3A_656 = math.exp %mul3A_655 : vector<64x128xf32>
    %mul3A_657 = vector.broadcast %concatenate3A_40 : vector<1x128xf32> to vector<64x128xf32>
    %mul3A_658 = arith.mulf %exp3A_656, %mul3A_657 : vector<64x128xf32>
    %add3A_659 = arith.addf %mul3A_619, %mul3A_632 : vector<64x128xf32>
    %add3A_660 = arith.addf %mul3A_645, %mul3A_658 : vector<64x128xf32>
    %sign3A_661 = tpu.bitcast %add3A_660 : vector<64x128xf32> -> vector<64x128xi32>
    %sign3A_662 = arith.constant -2147483648 : i32
    %sign3A_663 = vector.broadcast %sign3A_662 : i32 to vector<64x128xi32>
    %sign3A_664 = arith.andi %sign3A_661, %sign3A_663 : vector<64x128xi32>
    %sign3A_665 = arith.constant 1065353216 : i32
    %sign3A_666 = vector.broadcast %sign3A_665 : i32 to vector<64x128xi32>
    %sign3A_667 = arith.ori %sign3A_666, %sign3A_664 : vector<64x128xi32>
    %sign3A_668 = tpu.bitcast %sign3A_667 : vector<64x128xi32> -> vector<64x128xf32>
    %sign3A_669 = math.absf %add3A_660 : vector<64x128xf32>
    %sign3A_670 = arith.constant 0.000000e+00 : f32
    %sign3A_671 = vector.broadcast %sign3A_670 : f32 to vector<64x128xf32>
    %sign3A_672 = arith.cmpf ogt, %sign3A_669, %sign3A_671 : vector<64x128xf32>
    %sign3A_673 = arith.select %sign3A_672, %sign3A_668, %add3A_660 : vector<64x128xi1>, vector<64x128xf32>
    %max3A_674 = arith.constant 0.000000e+00 : f32
    %max3A_675 = vector.broadcast %max3A_674 : f32 to vector<64x128xf32>
    %max3A_676 = arith.maximumf %max3A_675, %sign3A_673 : vector<64x128xf32>
    %mul3A_677 = arith.constant 2.000000e+00 : f32
    %mul3A_678 = vector.broadcast %mul3A_677 : f32 to vector<64x128xf32>
    %mul3A_679 = arith.mulf %mul3A_678, %max3A_676 : vector<64x128xf32>
    %sub3A_680 = arith.constant 1.000000e+00 : f32
    %sub3A_681 = vector.broadcast %sub3A_680 : f32 to vector<64x128xf32>
    %sub3A_682 = arith.subf %mul3A_679, %sub3A_681 : vector<64x128xf32>
    %lt3A_683 = arith.constant 1.000000e-07 : f32
    %lt3A_684 = vector.broadcast %lt3A_683 : f32 to vector<64x128xf32>
    %lt3A_685 = arith.cmpf olt, %add3A_660, %lt3A_684 : vector<64x128xf32>
    %gt3A_686 = arith.constant -1.000000e-07 : f32
    %gt3A_687 = vector.broadcast %gt3A_686 : f32 to vector<64x128xf32>
    %gt3A_688 = arith.cmpf ogt, %add3A_660, %gt3A_687 : vector<64x128xf32>
    %and3A_689 = arith.andi %lt3A_685, %gt3A_688 : vector<64x128xi1>
    %mul3A_690 = arith.constant 1.000000e-07 : f32
    %mul3A_691 = vector.broadcast %mul3A_690 : f32 to vector<64x128xf32>
    %mul3A_692 = arith.mulf %sub3A_682, %mul3A_691 : vector<64x128xf32>
    %select_n3A_693 = arith.select %and3A_689, %mul3A_692, %add3A_660 : vector<64x128xi1>, vector<64x128xf32>
    %div3A_694 = arith.divf %add3A_659, %select_n3A_693 : vector<64x128xf32>
    %slice3A_695 = vector.extract_strided_slice %div3A_694 {offsets = [0, 0], sizes = [64, 32], strides = [1, 1]} : vector<64x128xf32> to vector<64x32xf32>
    %swap3A_696 = arith.constant 0 : index
    %swap3A_697 = arith.constant 5 : index
    %swap3A_698 = arith.constant 0 : index
    %swap3A_699 = tpu.strided_load %arg4[%swap3A_696, %swap3A_697, %swap3A_698] {strides = array<i32: 4, 1, 1>} : memref<256x8x32xf32, #tpu.memory_space<vmem>>, vector<64x1x32xf32>
    %swap3A_700 = vector.shape_cast %swap3A_699 : vector<64x1x32xf32> to vector<64x32xf32>
    %swap3A_701 = vector.shape_cast %slice3A_695 : vector<64x32xf32> to vector<64x1x32xf32>
    tpu.strided_store %arg4[%swap3A_696, %swap3A_697, %swap3A_698], %swap3A_701 {strides = array<i32: 4, 1, 1>} : memref<256x8x32xf32, #tpu.memory_space<vmem>>, vector<64x1x32xf32>
    %slice3A_702 = vector.extract_strided_slice %div3A_694 {offsets = [0, 32], sizes = [64, 32], strides = [1, 1]} : vector<64x128xf32> to vector<64x32xf32>
    %swap3A_703 = arith.constant 1 : index
    %swap3A_704 = arith.constant 5 : index
    %swap3A_705 = arith.constant 0 : index
    %swap3A_706 = tpu.strided_load %arg4[%swap3A_703, %swap3A_704, %swap3A_705] {strides = array<i32: 4, 1, 1>} : memref<256x8x32xf32, #tpu.memory_space<vmem>>, vector<64x1x32xf32>
    %swap3A_707 = vector.shape_cast %swap3A_706 : vector<64x1x32xf32> to vector<64x32xf32>
    %swap3A_708 = vector.shape_cast %slice3A_702 : vector<64x32xf32> to vector<64x1x32xf32>
    tpu.strided_store %arg4[%swap3A_703, %swap3A_704, %swap3A_705], %swap3A_708 {strides = array<i32: 4, 1, 1>} : memref<256x8x32xf32, #tpu.memory_space<vmem>>, vector<64x1x32xf32>
    %slice3A_709 = vector.extract_strided_slice %div3A_694 {offsets = [0, 64], sizes = [64, 32], strides = [1, 1]} : vector<64x128xf32> to vector<64x32xf32>
    %swap3A_710 = arith.constant 2 : index
    %swap3A_711 = arith.constant 5 : index
    %swap3A_712 = arith.constant 0 : index
    %swap3A_713 = tpu.strided_load %arg4[%swap3A_710, %swap3A_711, %swap3A_712] {strides = array<i32: 4, 1, 1>} : memref<256x8x32xf32, #tpu.memory_space<vmem>>, vector<64x1x32xf32>
    %swap3A_714 = vector.shape_cast %swap3A_713 : vector<64x1x32xf32> to vector<64x32xf32>
    %swap3A_715 = vector.shape_cast %slice3A_709 : vector<64x32xf32> to vector<64x1x32xf32>
    tpu.strided_store %arg4[%swap3A_710, %swap3A_711, %swap3A_712], %swap3A_715 {strides = array<i32: 4, 1, 1>} : memref<256x8x32xf32, #tpu.memory_space<vmem>>, vector<64x1x32xf32>
    %slice3A_716 = vector.extract_strided_slice %div3A_694 {offsets = [0, 96], sizes = [64, 32], strides = [1, 1]} : vector<64x128xf32> to vector<64x32xf32>
    %swap3A_717 = arith.constant 3 : index
    %swap3A_718 = arith.constant 5 : index
    %swap3A_719 = arith.constant 0 : index
    %swap3A_720 = tpu.strided_load %arg4[%swap3A_717, %swap3A_718, %swap3A_719] {strides = array<i32: 4, 1, 1>} : memref<256x8x32xf32, #tpu.memory_space<vmem>>, vector<64x1x32xf32>
    %swap3A_721 = vector.shape_cast %swap3A_720 : vector<64x1x32xf32> to vector<64x32xf32>
    %swap3A_722 = vector.shape_cast %slice3A_716 : vector<64x32xf32> to vector<64x1x32xf32>
    tpu.strided_store %arg4[%swap3A_717, %swap3A_718, %swap3A_719], %swap3A_722 {strides = array<i32: 4, 1, 1>} : memref<256x8x32xf32, #tpu.memory_space<vmem>>, vector<64x1x32xf32>
    %get3A_723 = arith.constant 6 : index
    %get3A_724 = arith.constant 0 : index
    %get3A_725 = vector.load %arg2[%get3A_723, %get3A_724] : memref<8x32768xf32, #tpu.memory_space<vmem>>, vector<1x8192xf32>
    %reshape3A_726 = vector.shape_cast %get3A_725 : vector<1x8192xf32> to vector<64x128xf32>
    %max3A_727 = arith.constant 1.000000e-07 : f32
    %max3A_728 = vector.broadcast %max3A_727 : f32 to vector<64x128xf32>
    %max3A_729 = arith.maximumf %reshape3A_726, %max3A_728 : vector<64x128xf32>
    %log3A_730 = math.log %max3A_729 : vector<64x128xf32>
    %mul3A_731 = vector.broadcast %max3A_3 : vector<1x128xf32> to vector<64x128xf32>
    %mul3A_732 = arith.mulf %mul3A_731, %log3A_730 : vector<64x128xf32>
    %exp3A_733 = math.exp %mul3A_732 : vector<64x128xf32>
    %mul3A_734 = vector.broadcast %concatenate3A_28 : vector<1x128xf32> to vector<64x128xf32>
    %mul3A_735 = arith.mulf %exp3A_733, %mul3A_734 : vector<64x128xf32>
    %get3A_736 = arith.constant 6 : index
    %get3A_737 = arith.constant 8192 : index
    %get3A_738 = vector.load %arg2[%get3A_736, %get3A_737] : memref<8x32768xf32, #tpu.memory_space<vmem>>, vector<1x8192xf32>
    %reshape3A_739 = vector.shape_cast %get3A_738 : vector<1x8192xf32> to vector<64x128xf32>
    %max3A_740 = arith.constant 1.000000e-07 : f32
    %max3A_741 = vector.broadcast %max3A_740 : f32 to vector<64x128xf32>
    %max3A_742 = arith.maximumf %reshape3A_739, %max3A_741 : vector<64x128xf32>
    %log3A_743 = math.log %max3A_742 : vector<64x128xf32>
    %mul3A_744 = vector.broadcast %max3A_10 : vector<1x128xf32> to vector<64x128xf32>
    %mul3A_745 = arith.mulf %mul3A_744, %log3A_743 : vector<64x128xf32>
    %exp3A_746 = math.exp %mul3A_745 : vector<64x128xf32>
    %mul3A_747 = vector.broadcast %concatenate3A_32 : vector<1x128xf32> to vector<64x128xf32>
    %mul3A_748 = arith.mulf %exp3A_746, %mul3A_747 : vector<64x128xf32>
    %get3A_749 = arith.constant 6 : index
    %get3A_750 = arith.constant 16384 : index
    %get3A_751 = vector.load %arg2[%get3A_749, %get3A_750] : memref<8x32768xf32, #tpu.memory_space<vmem>>, vector<1x8192xf32>
    %reshape3A_752 = vector.shape_cast %get3A_751 : vector<1x8192xf32> to vector<64x128xf32>
    %max3A_753 = arith.constant 1.000000e-07 : f32
    %max3A_754 = vector.broadcast %max3A_753 : f32 to vector<64x128xf32>
    %max3A_755 = arith.maximumf %reshape3A_752, %max3A_754 : vector<64x128xf32>
    %log3A_756 = math.log %max3A_755 : vector<64x128xf32>
    %mul3A_757 = vector.broadcast %max3A_17 : vector<1x128xf32> to vector<64x128xf32>
    %mul3A_758 = arith.mulf %mul3A_757, %log3A_756 : vector<64x128xf32>
    %exp3A_759 = math.exp %mul3A_758 : vector<64x128xf32>
    %mul3A_760 = vector.broadcast %concatenate3A_36 : vector<1x128xf32> to vector<64x128xf32>
    %mul3A_761 = arith.mulf %exp3A_759, %mul3A_760 : vector<64x128xf32>
    %get3A_762 = arith.constant 6 : index
    %get3A_763 = arith.constant 24576 : index
    %get3A_764 = vector.load %arg2[%get3A_762, %get3A_763] : memref<8x32768xf32, #tpu.memory_space<vmem>>, vector<1x8192xf32>
    %reshape3A_765 = vector.shape_cast %get3A_764 : vector<1x8192xf32> to vector<64x128xf32>
    %max3A_766 = arith.constant 1.000000e-07 : f32
    %max3A_767 = vector.broadcast %max3A_766 : f32 to vector<64x128xf32>
    %max3A_768 = arith.maximumf %reshape3A_765, %max3A_767 : vector<64x128xf32>
    %log3A_769 = math.log %max3A_768 : vector<64x128xf32>
    %mul3A_770 = vector.broadcast %max3A_24 : vector<1x128xf32> to vector<64x128xf32>
    %mul3A_771 = arith.mulf %mul3A_770, %log3A_769 : vector<64x128xf32>
    %exp3A_772 = math.exp %mul3A_771 : vector<64x128xf32>
    %mul3A_773 = vector.broadcast %concatenate3A_40 : vector<1x128xf32> to vector<64x128xf32>
    %mul3A_774 = arith.mulf %exp3A_772, %mul3A_773 : vector<64x128xf32>
    %add3A_775 = arith.addf %mul3A_735, %mul3A_748 : vector<64x128xf32>
    %add3A_776 = arith.addf %mul3A_761, %mul3A_774 : vector<64x128xf32>
    %sign3A_777 = tpu.bitcast %add3A_776 : vector<64x128xf32> -> vector<64x128xi32>
    %sign3A_778 = arith.constant -2147483648 : i32
    %sign3A_779 = vector.broadcast %sign3A_778 : i32 to vector<64x128xi32>
    %sign3A_780 = arith.andi %sign3A_777, %sign3A_779 : vector<64x128xi32>
    %sign3A_781 = arith.constant 1065353216 : i32
    %sign3A_782 = vector.broadcast %sign3A_781 : i32 to vector<64x128xi32>
    %sign3A_783 = arith.ori %sign3A_782, %sign3A_780 : vector<64x128xi32>
    %sign3A_784 = tpu.bitcast %sign3A_783 : vector<64x128xi32> -> vector<64x128xf32>
    %sign3A_785 = math.absf %add3A_776 : vector<64x128xf32>
    %sign3A_786 = arith.constant 0.000000e+00 : f32
    %sign3A_787 = vector.broadcast %sign3A_786 : f32 to vector<64x128xf32>
    %sign3A_788 = arith.cmpf ogt, %sign3A_785, %sign3A_787 : vector<64x128xf32>
    %sign3A_789 = arith.select %sign3A_788, %sign3A_784, %add3A_776 : vector<64x128xi1>, vector<64x128xf32>
    %max3A_790 = arith.constant 0.000000e+00 : f32
    %max3A_791 = vector.broadcast %max3A_790 : f32 to vector<64x128xf32>
    %max3A_792 = arith.maximumf %max3A_791, %sign3A_789 : vector<64x128xf32>
    %mul3A_793 = arith.constant 2.000000e+00 : f32
    %mul3A_794 = vector.broadcast %mul3A_793 : f32 to vector<64x128xf32>
    %mul3A_795 = arith.mulf %mul3A_794, %max3A_792 : vector<64x128xf32>
    %sub3A_796 = arith.constant 1.000000e+00 : f32
    %sub3A_797 = vector.broadcast %sub3A_796 : f32 to vector<64x128xf32>
    %sub3A_798 = arith.subf %mul3A_795, %sub3A_797 : vector<64x128xf32>
    %lt3A_799 = arith.constant 1.000000e-07 : f32
    %lt3A_800 = vector.broadcast %lt3A_799 : f32 to vector<64x128xf32>
    %lt3A_801 = arith.cmpf olt, %add3A_776, %lt3A_800 : vector<64x128xf32>
    %gt3A_802 = arith.constant -1.000000e-07 : f32
    %gt3A_803 = vector.broadcast %gt3A_802 : f32 to vector<64x128xf32>
    %gt3A_804 = arith.cmpf ogt, %add3A_776, %gt3A_803 : vector<64x128xf32>
    %and3A_805 = arith.andi %lt3A_801, %gt3A_804 : vector<64x128xi1>
    %mul3A_806 = arith.constant 1.000000e-07 : f32
    %mul3A_807 = vector.broadcast %mul3A_806 : f32 to vector<64x128xf32>
    %mul3A_808 = arith.mulf %sub3A_798, %mul3A_807 : vector<64x128xf32>
    %select_n3A_809 = arith.select %and3A_805, %mul3A_808, %add3A_776 : vector<64x128xi1>, vector<64x128xf32>
    %div3A_810 = arith.divf %add3A_775, %select_n3A_809 : vector<64x128xf32>
    %slice3A_811 = vector.extract_strided_slice %div3A_810 {offsets = [0, 0], sizes = [64, 32], strides = [1, 1]} : vector<64x128xf32> to vector<64x32xf32>
    %swap3A_812 = arith.constant 0 : index
    %swap3A_813 = arith.constant 6 : index
    %swap3A_814 = arith.constant 0 : index
    %swap3A_815 = tpu.strided_load %arg4[%swap3A_812, %swap3A_813, %swap3A_814] {strides = array<i32: 4, 1, 1>} : memref<256x8x32xf32, #tpu.memory_space<vmem>>, vector<64x1x32xf32>
    %swap3A_816 = vector.shape_cast %swap3A_815 : vector<64x1x32xf32> to vector<64x32xf32>
    %swap3A_817 = vector.shape_cast %slice3A_811 : vector<64x32xf32> to vector<64x1x32xf32>
    tpu.strided_store %arg4[%swap3A_812, %swap3A_813, %swap3A_814], %swap3A_817 {strides = array<i32: 4, 1, 1>} : memref<256x8x32xf32, #tpu.memory_space<vmem>>, vector<64x1x32xf32>
    %slice3A_818 = vector.extract_strided_slice %div3A_810 {offsets = [0, 32], sizes = [64, 32], strides = [1, 1]} : vector<64x128xf32> to vector<64x32xf32>
    %swap3A_819 = arith.constant 1 : index
    %swap3A_820 = arith.constant 6 : index
    %swap3A_821 = arith.constant 0 : index
    %swap3A_822 = tpu.strided_load %arg4[%swap3A_819, %swap3A_820, %swap3A_821] {strides = array<i32: 4, 1, 1>} : memref<256x8x32xf32, #tpu.memory_space<vmem>>, vector<64x1x32xf32>
    %swap3A_823 = vector.shape_cast %swap3A_822 : vector<64x1x32xf32> to vector<64x32xf32>
    %swap3A_824 = vector.shape_cast %slice3A_818 : vector<64x32xf32> to vector<64x1x32xf32>
    tpu.strided_store %arg4[%swap3A_819, %swap3A_820, %swap3A_821], %swap3A_824 {strides = array<i32: 4, 1, 1>} : memref<256x8x32xf32, #tpu.memory_space<vmem>>, vector<64x1x32xf32>
    %slice3A_825 = vector.extract_strided_slice %div3A_810 {offsets = [0, 64], sizes = [64, 32], strides = [1, 1]} : vector<64x128xf32> to vector<64x32xf32>
    %swap3A_826 = arith.constant 2 : index
    %swap3A_827 = arith.constant 6 : index
    %swap3A_828 = arith.constant 0 : index
    %swap3A_829 = tpu.strided_load %arg4[%swap3A_826, %swap3A_827, %swap3A_828] {strides = array<i32: 4, 1, 1>} : memref<256x8x32xf32, #tpu.memory_space<vmem>>, vector<64x1x32xf32>
    %swap3A_830 = vector.shape_cast %swap3A_829 : vector<64x1x32xf32> to vector<64x32xf32>
    %swap3A_831 = vector.shape_cast %slice3A_825 : vector<64x32xf32> to vector<64x1x32xf32>
    tpu.strided_store %arg4[%swap3A_826, %swap3A_827, %swap3A_828], %swap3A_831 {strides = array<i32: 4, 1, 1>} : memref<256x8x32xf32, #tpu.memory_space<vmem>>, vector<64x1x32xf32>
    %slice3A_832 = vector.extract_strided_slice %div3A_810 {offsets = [0, 96], sizes = [64, 32], strides = [1, 1]} : vector<64x128xf32> to vector<64x32xf32>
    %swap3A_833 = arith.constant 3 : index
    %swap3A_834 = arith.constant 6 : index
    %swap3A_835 = arith.constant 0 : index
    %swap3A_836 = tpu.strided_load %arg4[%swap3A_833, %swap3A_834, %swap3A_835] {strides = array<i32: 4, 1, 1>} : memref<256x8x32xf32, #tpu.memory_space<vmem>>, vector<64x1x32xf32>
    %swap3A_837 = vector.shape_cast %swap3A_836 : vector<64x1x32xf32> to vector<64x32xf32>
    %swap3A_838 = vector.shape_cast %slice3A_832 : vector<64x32xf32> to vector<64x1x32xf32>
    tpu.strided_store %arg4[%swap3A_833, %swap3A_834, %swap3A_835], %swap3A_838 {strides = array<i32: 4, 1, 1>} : memref<256x8x32xf32, #tpu.memory_space<vmem>>, vector<64x1x32xf32>
    %get3A_839 = arith.constant 7 : index
    %get3A_840 = arith.constant 0 : index
    %get3A_841 = vector.load %arg2[%get3A_839, %get3A_840] : memref<8x32768xf32, #tpu.memory_space<vmem>>, vector<1x8192xf32>
    %reshape3A_842 = vector.shape_cast %get3A_841 : vector<1x8192xf32> to vector<64x128xf32>
    %max3A_843 = arith.constant 1.000000e-07 : f32
    %max3A_844 = vector.broadcast %max3A_843 : f32 to vector<64x128xf32>
    %max3A_845 = arith.maximumf %reshape3A_842, %max3A_844 : vector<64x128xf32>
    %log3A_846 = math.log %max3A_845 : vector<64x128xf32>
    %mul3A_847 = vector.broadcast %max3A_3 : vector<1x128xf32> to vector<64x128xf32>
    %mul3A_848 = arith.mulf %mul3A_847, %log3A_846 : vector<64x128xf32>
    %exp3A_849 = math.exp %mul3A_848 : vector<64x128xf32>
    %mul3A_850 = vector.broadcast %concatenate3A_28 : vector<1x128xf32> to vector<64x128xf32>
    %mul3A_851 = arith.mulf %exp3A_849, %mul3A_850 : vector<64x128xf32>
    %get3A_852 = arith.constant 7 : index
    %get3A_853 = arith.constant 8192 : index
    %get3A_854 = vector.load %arg2[%get3A_852, %get3A_853] : memref<8x32768xf32, #tpu.memory_space<vmem>>, vector<1x8192xf32>
    %reshape3A_855 = vector.shape_cast %get3A_854 : vector<1x8192xf32> to vector<64x128xf32>
    %max3A_856 = arith.constant 1.000000e-07 : f32
    %max3A_857 = vector.broadcast %max3A_856 : f32 to vector<64x128xf32>
    %max3A_858 = arith.maximumf %reshape3A_855, %max3A_857 : vector<64x128xf32>
    %log3A_859 = math.log %max3A_858 : vector<64x128xf32>
    %mul3A_860 = vector.broadcast %max3A_10 : vector<1x128xf32> to vector<64x128xf32>
    %mul3A_861 = arith.mulf %mul3A_860, %log3A_859 : vector<64x128xf32>
    %exp3A_862 = math.exp %mul3A_861 : vector<64x128xf32>
    %mul3A_863 = vector.broadcast %concatenate3A_32 : vector<1x128xf32> to vector<64x128xf32>
    %mul3A_864 = arith.mulf %exp3A_862, %mul3A_863 : vector<64x128xf32>
    %get3A_865 = arith.constant 7 : index
    %get3A_866 = arith.constant 16384 : index
    %get3A_867 = vector.load %arg2[%get3A_865, %get3A_866] : memref<8x32768xf32, #tpu.memory_space<vmem>>, vector<1x8192xf32>
    %reshape3A_868 = vector.shape_cast %get3A_867 : vector<1x8192xf32> to vector<64x128xf32>
    %max3A_869 = arith.constant 1.000000e-07 : f32
    %max3A_870 = vector.broadcast %max3A_869 : f32 to vector<64x128xf32>
    %max3A_871 = arith.maximumf %reshape3A_868, %max3A_870 : vector<64x128xf32>
    %log3A_872 = math.log %max3A_871 : vector<64x128xf32>
    %mul3A_873 = vector.broadcast %max3A_17 : vector<1x128xf32> to vector<64x128xf32>
    %mul3A_874 = arith.mulf %mul3A_873, %log3A_872 : vector<64x128xf32>
    %exp3A_875 = math.exp %mul3A_874 : vector<64x128xf32>
    %mul3A_876 = vector.broadcast %concatenate3A_36 : vector<1x128xf32> to vector<64x128xf32>
    %mul3A_877 = arith.mulf %exp3A_875, %mul3A_876 : vector<64x128xf32>
    %get3A_878 = arith.constant 7 : index
    %get3A_879 = arith.constant 24576 : index
    %get3A_880 = vector.load %arg2[%get3A_878, %get3A_879] : memref<8x32768xf32, #tpu.memory_space<vmem>>, vector<1x8192xf32>
    %reshape3A_881 = vector.shape_cast %get3A_880 : vector<1x8192xf32> to vector<64x128xf32>
    %max3A_882 = arith.constant 1.000000e-07 : f32
    %max3A_883 = vector.broadcast %max3A_882 : f32 to vector<64x128xf32>
    %max3A_884 = arith.maximumf %reshape3A_881, %max3A_883 : vector<64x128xf32>
    %log3A_885 = math.log %max3A_884 : vector<64x128xf32>
    %mul3A_886 = vector.broadcast %max3A_24 : vector<1x128xf32> to vector<64x128xf32>
    %mul3A_887 = arith.mulf %mul3A_886, %log3A_885 : vector<64x128xf32>
    %exp3A_888 = math.exp %mul3A_887 : vector<64x128xf32>
    %mul3A_889 = vector.broadcast %concatenate3A_40 : vector<1x128xf32> to vector<64x128xf32>
    %mul3A_890 = arith.mulf %exp3A_888, %mul3A_889 : vector<64x128xf32>
    %add3A_891 = arith.addf %mul3A_851, %mul3A_864 : vector<64x128xf32>
    %add3A_892 = arith.addf %mul3A_877, %mul3A_890 : vector<64x128xf32>
    %sign3A_893 = tpu.bitcast %add3A_892 : vector<64x128xf32> -> vector<64x128xi32>
    %sign3A_894 = arith.constant -2147483648 : i32
    %sign3A_895 = vector.broadcast %sign3A_894 : i32 to vector<64x128xi32>
    %sign3A_896 = arith.andi %sign3A_893, %sign3A_895 : vector<64x128xi32>
    %sign3A_897 = arith.constant 1065353216 : i32
    %sign3A_898 = vector.broadcast %sign3A_897 : i32 to vector<64x128xi32>
    %sign3A_899 = arith.ori %sign3A_898, %sign3A_896 : vector<64x128xi32>
    %sign3A_900 = tpu.bitcast %sign3A_899 : vector<64x128xi32> -> vector<64x128xf32>
    %sign3A_901 = math.absf %add3A_892 : vector<64x128xf32>
    %sign3A_902 = arith.constant 0.000000e+00 : f32
    %sign3A_903 = vector.broadcast %sign3A_902 : f32 to vector<64x128xf32>
    %sign3A_904 = arith.cmpf ogt, %sign3A_901, %sign3A_903 : vector<64x128xf32>
    %sign3A_905 = arith.select %sign3A_904, %sign3A_900, %add3A_892 : vector<64x128xi1>, vector<64x128xf32>
    %max3A_906 = arith.constant 0.000000e+00 : f32
    %max3A_907 = vector.broadcast %max3A_906 : f32 to vector<64x128xf32>
    %max3A_908 = arith.maximumf %max3A_907, %sign3A_905 : vector<64x128xf32>
    %mul3A_909 = arith.constant 2.000000e+00 : f32
    %mul3A_910 = vector.broadcast %mul3A_909 : f32 to vector<64x128xf32>
    %mul3A_911 = arith.mulf %mul3A_910, %max3A_908 : vector<64x128xf32>
    %sub3A_912 = arith.constant 1.000000e+00 : f32
    %sub3A_913 = vector.broadcast %sub3A_912 : f32 to vector<64x128xf32>
    %sub3A_914 = arith.subf %mul3A_911, %sub3A_913 : vector<64x128xf32>
    %lt3A_915 = arith.constant 1.000000e-07 : f32
    %lt3A_916 = vector.broadcast %lt3A_915 : f32 to vector<64x128xf32>
    %lt3A_917 = arith.cmpf olt, %add3A_892, %lt3A_916 : vector<64x128xf32>
    %gt3A_918 = arith.constant -1.000000e-07 : f32
    %gt3A_919 = vector.broadcast %gt3A_918 : f32 to vector<64x128xf32>
    %gt3A_920 = arith.cmpf ogt, %add3A_892, %gt3A_919 : vector<64x128xf32>
    %and3A_921 = arith.andi %lt3A_917, %gt3A_920 : vector<64x128xi1>
    %mul3A_922 = arith.constant 1.000000e-07 : f32
    %mul3A_923 = vector.broadcast %mul3A_922 : f32 to vector<64x128xf32>
    %mul3A_924 = arith.mulf %sub3A_914, %mul3A_923 : vector<64x128xf32>
    %select_n3A_925 = arith.select %and3A_921, %mul3A_924, %add3A_892 : vector<64x128xi1>, vector<64x128xf32>
    %div3A_926 = arith.divf %add3A_891, %select_n3A_925 : vector<64x128xf32>
    %slice3A_927 = vector.extract_strided_slice %div3A_926 {offsets = [0, 0], sizes = [64, 32], strides = [1, 1]} : vector<64x128xf32> to vector<64x32xf32>
    %swap3A_928 = arith.constant 0 : index
    %swap3A_929 = arith.constant 7 : index
    %swap3A_930 = arith.constant 0 : index
    %swap3A_931 = tpu.strided_load %arg4[%swap3A_928, %swap3A_929, %swap3A_930] {strides = array<i32: 4, 1, 1>} : memref<256x8x32xf32, #tpu.memory_space<vmem>>, vector<64x1x32xf32>
    %swap3A_932 = vector.shape_cast %swap3A_931 : vector<64x1x32xf32> to vector<64x32xf32>
    %swap3A_933 = vector.shape_cast %slice3A_927 : vector<64x32xf32> to vector<64x1x32xf32>
    tpu.strided_store %arg4[%swap3A_928, %swap3A_929, %swap3A_930], %swap3A_933 {strides = array<i32: 4, 1, 1>} : memref<256x8x32xf32, #tpu.memory_space<vmem>>, vector<64x1x32xf32>
    %slice3A_934 = vector.extract_strided_slice %div3A_926 {offsets = [0, 32], sizes = [64, 32], strides = [1, 1]} : vector<64x128xf32> to vector<64x32xf32>
    %swap3A_935 = arith.constant 1 : index
    %swap3A_936 = arith.constant 7 : index
    %swap3A_937 = arith.constant 0 : index
    %swap3A_938 = tpu.strided_load %arg4[%swap3A_935, %swap3A_936, %swap3A_937] {strides = array<i32: 4, 1, 1>} : memref<256x8x32xf32, #tpu.memory_space<vmem>>, vector<64x1x32xf32>
    %swap3A_939 = vector.shape_cast %swap3A_938 : vector<64x1x32xf32> to vector<64x32xf32>
    %swap3A_940 = vector.shape_cast %slice3A_934 : vector<64x32xf32> to vector<64x1x32xf32>
    tpu.strided_store %arg4[%swap3A_935, %swap3A_936, %swap3A_937], %swap3A_940 {strides = array<i32: 4, 1, 1>} : memref<256x8x32xf32, #tpu.memory_space<vmem>>, vector<64x1x32xf32>
    %slice3A_941 = vector.extract_strided_slice %div3A_926 {offsets = [0, 64], sizes = [64, 32], strides = [1, 1]} : vector<64x128xf32> to vector<64x32xf32>
    %swap3A_942 = arith.constant 2 : index
    %swap3A_943 = arith.constant 7 : index
    %swap3A_944 = arith.constant 0 : index
    %swap3A_945 = tpu.strided_load %arg4[%swap3A_942, %swap3A_943, %swap3A_944] {strides = array<i32: 4, 1, 1>} : memref<256x8x32xf32, #tpu.memory_space<vmem>>, vector<64x1x32xf32>
    %swap3A_946 = vector.shape_cast %swap3A_945 : vector<64x1x32xf32> to vector<64x32xf32>
    %swap3A_947 = vector.shape_cast %slice3A_941 : vector<64x32xf32> to vector<64x1x32xf32>
    tpu.strided_store %arg4[%swap3A_942, %swap3A_943, %swap3A_944], %swap3A_947 {strides = array<i32: 4, 1, 1>} : memref<256x8x32xf32, #tpu.memory_space<vmem>>, vector<64x1x32xf32>
    %slice3A_948 = vector.extract_strided_slice %div3A_926 {offsets = [0, 96], sizes = [64, 32], strides = [1, 1]} : vector<64x128xf32> to vector<64x32xf32>
    %swap3A_949 = arith.constant 3 : index
    %swap3A_950 = arith.constant 7 : index
    %swap3A_951 = arith.constant 0 : index
    %swap3A_952 = tpu.strided_load %arg4[%swap3A_949, %swap3A_950, %swap3A_951] {strides = array<i32: 4, 1, 1>} : memref<256x8x32xf32, #tpu.memory_space<vmem>>, vector<64x1x32xf32>
    %swap3A_953 = vector.shape_cast %swap3A_952 : vector<64x1x32xf32> to vector<64x32xf32>
    %swap3A_954 = vector.shape_cast %slice3A_948 : vector<64x32xf32> to vector<64x1x32xf32>
    tpu.strided_store %arg4[%swap3A_949, %swap3A_950, %swap3A_951], %swap3A_954 {strides = array<i32: 4, 1, 1>} : memref<256x8x32xf32, #tpu.memory_space<vmem>>, vector<64x1x32xf32>
    return
  }
  func.func @transform_0(%arg0: i32) -> (i32, i32, i32) {
    %c0_i32 = arith.constant 0 : i32
    %c0_i32_0 = arith.constant 0 : i32
    %c0_i32_1 = arith.constant 0 : i32
    return %c0_i32, %arg0, %c0_i32_0 : i32, i32, i32
  }
  func.func @transform_1(%arg0: i32) -> (i32, i32) {
    %c0_i32 = arith.constant 0 : i32
    %c0_i32_0 = arith.constant 0 : i32
    return %arg0, %c0_i32 : i32, i32
  }
  func.func @transform_2(%arg0: i32) -> (i32, i32) {
    %c0_i32 = arith.constant 0 : i32
    %c0_i32_0 = arith.constant 0 : i32
    %c0_i32_1 = arith.constant 0 : i32
    return %c0_i32, %c0_i32_0 : i32, i32
  }
  func.func @transform_3(%arg0: i32) -> (i32, i32, i32) {
    %c0_i32 = arith.constant 0 : i32
    %c0_i32_0 = arith.constant 0 : i32
    %c0_i32_1 = arith.constant 0 : i32
    return %c0_i32, %arg0, %c0_i32_0 : i32, i32, i32
  }
}

</mosaic_0001>

<sc_bundles>
// kernel: kernel.6.cloned.1.call-start
scs
__scs_entry_jumppad:
0x0: {  	(pc) =	sbr.rel $0x88, $3  }
0x1: {  	(tag) =	ssettag $0x0;
	lr =	simm.s32 $0x1  }
0x2: {  	[smem:$0x3F9E] =	sst lr;
	_ =	strace $0xD0000000  }
0x3: {  	_ = 	snop  }
0x4: {  	_ = 	snop  }
0x5: {  	_ = 	snop  }
0x6: {  	_ = 	snop  }
0x7: {  	_ = 	snop  }
__scs_overlays_trampoline_lowered:
0x8: {  	[smem:$0x3FAD] =	sst s0  }
0x9: {  	[smem:$0x3FAE] =	sst s1  }
0xa: {  	[smem:$0x3FAF] =	sst s2  }
0xb: {  	[smem:$0x3FB0] =	sst s3  }
0xc: {  	[smem:$0x3FB1] =	sst s4  }
0xd: {  	[smem:$0x3FB2] =	sst s5  }
0xe: {  	[smem:$0x3FB3] =	sst s6  }
0xf: {  	[smem:$0x3FB4] =	sst s7  }
0x10: {  	[smem:$0x3FB5] =	sst s8  }
0x11: {  	[smem:$0x3FB6] =	sst s9;
	s0 =	simm.s32 @!p0 $0x0  }
0x12: {  	s1 =	sld [smem:$0x3F9C];
	s0 =	simm.s32 @p0 $0x1  }
0x13: {  	[smem:$0x3FB7] =	sst s0;
	s0 =	simm.s32 @!p1 $0x0  }
0x14: {  	s2 =	sld [smem:$0x3F9B];
	s0 =	simm.s32 @p1 $0x1  }
0x15: {  	[smem:$0x3FB8] =	sst s0;
	s0 =	simm.s32 @!p2 $0x0  }
0x16: {  	s3 =	sld [smem:$0x3FDB];
	s0 =	simm.s32 @p2 $0x1  }
0x17: {  	s4 =	simm.s32 $0x1BF5;
	[smem:$0x3FBA] =	sst s0  }
0x18: {  	s0 =	sld [smem:$0x3F9D];
	_ =	swait.ge [sflag:s4], $0x0  }
0x19: {  	s7 =	sld [smem:$0x3F9E]  }
0x1a: {  	s8 =	sadd.s32 $0xFFFFE003, lr  }
0x1b: {  	s9 =	sadd.s32 $0xFFFFFEF7, lr;
	s5 =	simm.s32 $0xFFFFFFFF;
	p2 =	slt.u32 s8, $0xFFFFF086  }
0x1c: {  	p1 =	slt.u32 s9, $0xF7A;
	s5 =	simm.s32 @!p2 $0x0  }
0x1d: {  	s5 =	simm.s32 @p1 $0x1;
	p0 =	seq.s32 s7, s2  }
0x1e: {  	s7 =	smul.u32 @!p0 $0xF7A, s2;
	p2 =	seq.s32 @!p0 s5, $0x0  }
0x1f: {  	s9 =	smul.u32 $0xF7A, s1;
	s8 =	simm.s32 @!p0 $0x1BF5;
	p2 =	por !p2, p0  }
0x20: {  	[sflag:s8] =	ssyncset.s32 @!p0 $0xFFFFF086;
	s6 =	sadd.s32 @!p0 s3, s7;
	s7 =	simm.s32 @!p0 $0x108  }
0x21: {  	s3 =	sadd.s32 s3, s9;
	s6 =	sadd.s32 @!p0 $0x88, s6;
	s7 =	simm.s32 @p2 $0x1082  }
0x22: {  	[simem:s7], [sflag:s8] =	dma.local @!p0 [hbm:s6], $0xF7A  }
0x23: {  	s9 =	sor.u32 $0xD0000000, s2;
	s6 =	simm.s32 $0x108;
	_ =	swait.ge @!p0 [sflag:s8], $0x0  }
0x24: {  	s3 =	sadd.s32 $0x88, s3;
	s6 =	simm.s32 @!p1 $0x1082;
	[sflag:s4] =	ssyncset.s32 $0xFFFFF086  }
0x25: {  	[simem:s6], [sflag:s4] =	dma.local [hbm:s3], $0xF7A  }
0x26: {  	[smem:$0x3F9E] =	sst s1;
	(tag) =	ssettag s2;
	_ =	strace s9  }
0x27: {  	s1 =	sld [smem:$0x3FAE]  }
0x28: {  	s2 =	sld [smem:$0x3FAF]  }
0x29: {  	s4 =	sld [smem:$0x3FB1]  }
0x2a: {  	p0 =	seq.s32 s5, $0x0;
	s5 =	sld [smem:$0x3FB2]  }
0x2b: {  	s6 =	sld [smem:$0x3FB3]  }
0x2c: {  	s7 =	sld [smem:$0x3FB4]  }
0x2d: {  	s3 =	simm.s32 $0x108;
	s8 =	sld [smem:$0x3FB5]  }
0x2e: {  	s3 =	simm.s32 @!p0 $0x1082;
	s9 =	sld [smem:$0x3FB6]  }
0x2f: {  	lr =	sadd.s32 s0, s3;
	s0 =	sld [smem:$0x3FAD]  }
0x30: {  	s3 =	sld [smem:$0x3FB0]  }
0x31: {  	[smem:$0x3FB9] =	sst s10  }
0x32: {  	s10 =	sld [smem:$0x3FB7];
	_ =	sdelay $0x3  }
0x33: {  	p0 =	seq.s32 s10, $0x1;
	s10 =	sld [smem:$0x3FB9];
	_ =	sdelay $0x3  }
0x34: {  	[smem:$0x3FB9] =	sst s10  }
0x35: {  	s10 =	sld [smem:$0x3FB8];
	_ =	sdelay $0x3  }
0x36: {  	p1 =	seq.s32 s10, $0x1;
	s10 =	sld [smem:$0x3FB9];
	_ =	sdelay $0x3  }
0x37: {  	[smem:$0x3FB9] =	sst s10  }
0x38: {  	s10 =	sld [smem:$0x3FBA]  }
0x39: {  	_ = 	snop;
	(pc) =	sbr.ind lr, $3  }
0x3a: {  	_ = 	snop  }
0x3b: {  	_ = 	snop  }
0x3c: {  	p2 =	seq.s32 s10, $0x1;
	s10 =	sld [smem:$0x3FB9]  }
0x3d: {  	_ =	shalt  }
0x3e: {  	_ =	shalt  }
0x3f: {  	_ =	shalt  }
0x40: {  	_ =	shalt  }
0x41: {  	_ =	shalt  }
0x42: {  	_ =	shalt  }
0x43: {  	_ =	shalt  }
0x44: {  	_ =	shalt  }
0x45: {  	_ =	shalt  }
0x46: {  	_ =	shalt  }
0x47: {  	_ =	shalt  }
0x48: {  	_ =	shalt  }
0x49: {  	_ =	shalt  }
0x4a: {  	_ =	shalt  }
0x4b: {  	_ =	shalt  }
0x4c: {  	_ =	shalt  }
0x4d: {  	_ =	shalt  }
0x4e: {  	_ =	shalt  }
0x4f: {  	_ =	shalt  }
0x50: {  	_ =	shalt  }
0x51: {  	_ =	shalt  }
0x52: {  	_ =	shalt  }
0x53: {  	_ =	shalt  }
0x54: {  	_ =	shalt  }
0x55: {  	_ =	shalt  }
0x56: {  	_ =	shalt  }
0x57: {  	_ =	shalt  }
0x58: {  	_ =	shalt  }
0x59: {  	_ =	shalt  }
0x5a: {  	_ =	shalt  }
0x5b: {  	_ =	shalt  }
0x5c: {  	_ =	shalt  }
0x5d: {  	_ =	shalt  }
0x5e: {  	_ =	shalt  }
0x5f: {  	_ =	shalt  }
0x60: {  	_ =	shalt  }
0x61: {  	_ =	shalt  }
0x62: {  	_ =	shalt  }
0x63: {  	_ =	shalt  }
0x64: {  	_ =	shalt  }
0x65: {  	_ =	shalt  }
0x66: {  	_ =	shalt  }
0x67: {  	_ =	shalt  }
0x68: {  	_ =	shalt  }
0x69: {  	_ =	shalt  }
0x6a: {  	_ =	shalt  }
0x6b: {  	_ =	shalt  }
0x6c: {  	_ =	shalt  }
0x6d: {  	_ =	shalt  }
0x6e: {  	_ =	shalt  }
0x6f: {  	_ =	shalt  }
0x70: {  	_ =	shalt  }
0x71: {  	_ =	shalt  }
0x72: {  	_ =	shalt  }
0x73: {  	_ =	shalt  }
0x74: {  	_ =	shalt  }
0x75: {  	_ =	shalt  }
0x76: {  	_ =	shalt  }
0x77: {  	_ =	shalt  }
0x78: {  	_ =	shalt  }
0x79: {  	_ =	shalt  }
0x7a: {  	_ =	shalt  }
0x7b: {  	_ =	shalt  }
0x7c: {  	_ =	shalt  }
0x7d: {  	_ =	shalt  }
0x7e: {  	_ =	shalt  }
0x7f: {  	_ =	shalt  }
0x80: {  	_ =	shalt  }
0x81: {  	_ =	shalt  }
0x82: {  	_ =	shalt  }
0x83: {  	_ =	shalt  }
0x84: {  	_ =	shalt  }
0x85: {  	_ =	shalt  }
0x86: {  	_ =	shalt  }
0x87: {  	_ =	shalt  }
.Lfunc_end0:
.L_simem_size_0:
called_computation_lowered:
.L_overlay_start_0:
0x88: {  	s2 =	sld [smem:$0x3FD9]  }
0x89: {  	s3 =	sld [smem:$0x3FFE];
	_ =	sdelay $0x1  }
0x8a: {  	s1 =	srdreg.scid  }
0x8b: {  	s0 =	sand.u32 $0x1, s1  }
0x8c: {  	s17 =	sshll.u32 s0, $0xA;
	s2 =	sadd.s32 s3, s2  }
0x8d: {  	s2 =	sadd.s32 s2, s17  }
0x8e: {  	[smem:$0x3FC5] =	sst s2  }
0x8f: {  	_ = 	snop  }
0x90: {  	s2 =	sld [smem:$0x3FC7]  }
0x91: {  	s18 =	sld [smem:$0x3FD0];
	(tm) =	ssettm $0x1  }
0x92: {  	s4 =	sld [smem:$0x3FFB];
	_ =	sdelay $0x3  }
0x93: {  	_ =	strace s4  }
0x94: {  	s4 =	sld [smem:$0x3FFC];
	_ =	sdelay $0x3  }
0x95: {  	_ =	strace s4  }
0x96: {  	s4 =	sld [smem:$0x3FFD];
	_ =	sdelay $0x3  }
0x97: {  	_ =	strace s4  }
0x98: {  	_ =	strace $0x8FFFFFFF  }
0x99: {  	s19 =	sld [smem:$0x3FDB];
	_ =	sdelay $0x1  }
0x9a: {  	s5 =	simm.s32 $_scs_section_size  }
0x9b: {  	s6 =	simm.s32 $_size__tile_overlayer_lowered;
	s7 =	simm.s32 $_tile_overlayer_lowered  }
0x9c: {  	s22 =	simm.s32 $0x1BFF;
	s21 =	sshll.u32 s7, $0x1;
	s4 =	sadd.s32 s5, s19  }
0x9d: {  	s8 =	simm.s32 $0x0;
	s20 =	sshll.u32 s6, $0x1;
	s6 =	sadd.s32 s21, s4  }
0x9e: {  	[timem:s8], [sflag:s22] =	dma.local [hbm:s6], s20  }
0x9f: {  	_ =	swait.ge [sflag:s22], s20  }
0xa0: {  	s5 =	ssub.s32 $0x0, s20;
	[sflag:s22] =	ssyncset.done $0x0  }
0xa1: {  	[sflag:s22] =	ssyncadd.s32 s5;
	_ =	sdelay $0x1  }
0xa2: {  	s23 =	simm.s32 $0x1B8B  }
0xa3: {  	_ =	swait.ge [sflag:s23], $0x1  }
0xa4: {  	[sflag:s23] =	ssyncset.done $0x0  }
0xa5: {  	s25 =	simm.s32 $0x1B8E;
	s24 =	sld [smem:$0x3FFE];
	[sflag:s23] =	ssyncadd.s32 $0xFFFFFFFF  }
0xa6: {  	s26 =	simm.s32 $execute0_lowered;
	[smem:$0x3FD2] =	sst s25  }
0xa7: {  	s6 =	sshll.u32 s26, $0x1;
	_ =	strace $0x80000046;
	[dreg:$0x1] =	wrdreg $0xFFFFFFFF  }
0xa8: {  	s28 =	simm.s32 $_size_execute0_lowered;
	s4 =	sadd.s32 s4, s6;
	[dreg:$0x0] =	wrdreg $0x0  }
0xa9: {  	s6 =	sshll.u32 s28, $0x1;
	[dreg:$0x2] =	wrdreg s4  }
0xaa: {  	[dreg:$0x3] =	wrdreg s6  }
0xab: {  	[dreg:$0x4] =	wrdreg $0xC0  }
0xac: {  	_ =	task [dreg:s8], $0x5FFFF  }
0xad: {  	[dreg:$0x1] =	wrdreg $0xFFFFFFFF  }
0xae: {  	[dreg:$0x0] =	wrdreg $0x60  }
0xaf: {  	[dreg:$0x2] =	wrdreg s24  }
0xb0: {  	[dreg:$0x3] =	wrdreg s2  }
0xb1: {  	[dreg:$0x4] =	wrdreg s18  }
0xb2: {  	[dreg:$0x5] =	wrdreg $0x9  }
0xb3: {  	_ =	task.clear_ibuf [dreg:s8], $0x6FFFF;
	_ =	strace $0x90000046  }
0xb4: {  	s29 =	simm.s32 $0x9;
	_ =	strace $0x80000048  }
0xb5: {  	_ =	swait.ge [sflag:s29], $0x1  }
0xb6: {  	[sflag:s29] =	ssyncadd.s32 $0xFFFFFFFF  }
0xb7: {  	_ =	strace $0x90000048  }
0xb8: {  	_ =	sfence  }
0xb9: {  	s30 =	sld [smem:$0x0];
	_ =	sdelay $0x2  }
0xba: {  	s31 =	sshll.u32 s1, $0xD;
	s1 =	sshrl.u32 s1, $0x2  }
0xbb: {  	s3 =	sand.u32 $0x4000, s31;
	s1 =	sadd.s32 s1, s30  }
0xbc: {  	s0 =	sor.u32 s3, s0;
	s1 =	sshll.u32 s1, $0x11  }
0xbd: {  	s0 =	sor.u32 s1, s0  }
0xbe: {  	s0 =	sadd.s32 $0x8F2B, s0  }
0xbf: {  	[sflag:s0] =	ssyncadd.remote.s32 $0x1  }
0xc0: {  	_ =	sfence.sel $0xFFFF  }
0xc1: {  	[dreg:$0x0] =	wrdreg $0xFFFFFFFF;
	(pc) =	sbr.abs _section_cstart, $3  }
0xc2: {  	[dreg:$0x1] =	wrdreg $0xFFFFFFFF  }
0xc3: {  	_ =	task.clear_ibuf [dreg:s8], $0x2FFFF;
	_ =	strace $0x9FFFFFFF  }
0xc4: {  	(tm) =	ssettm $0x7FFFFFFF  }
0xc5: {  	_ =	shalt  }
tec
execute0_lowered:
.L_overlay_start_1:
0x0: {  	(tag) =	ssettag $0x1  }
0x1: {  	s4 =	rddreg [dreg:$0x0]  }
0x2: {  	s1 =	rddreg [dreg:$0x1]  }
0x3: {  	s7 =	rddreg [dreg:$0x2]  }
0x4: {  	s0 =	rddreg [dreg:$0x3];
	s2 =	simm.s32 $0x0  }
0x5: {  	s3 =	srdreg.scid;
	s12 =	simm.s32 $0x800;
	s13 =	simm.s32 $0x1000  }
0x6: {  	s14 =	simm.s32 $0x1100;
	s15 =	simm.s32 $0x1900;
	s16 =	simm.s32 $0x0  }
0x7: {  	[smem:$0x7FF] =	sst s2;
	s5 =	sand.u32 $0x1, s3;
	s8 =	sadd.s32 $0x1000, s4  }
0x8: {  	s3 =	stileid.u32;
	s4 =	sadd.s32 $0x5000, s4;
	_ =	strace $0x80000047  }
0x9: {  	s6 =	ssub.s32 $0x2, s5;
	s29 =	sshll.u32 s3, $0x8;
	s5 =	sshll.u32 s5, $0x7  }
0xa: {  	s10 =	sshll.u32 s3, $0xC;
	s11 =	sshrl.u32 s3, $0x2;
	s9 =	sshrl.u32 s6, $0x1  }
0xb: {  	s30 =	sand.u32 $0xC000, s10;
	s9 =	ssub.s32 s6, s9;
	s6 =	sand.u32 $0x300, s29  }
0xc: {  	s31 =	sshll.u32 s11, $0xE;
	s11 =	sshll.u32 s11, $0x12;
	s5 =	sor.u32 s5, s6  }
.Ltmp0:
0xd: {  	s6 =	sor.u32 s30, s5;
	s10 =	sor.u32 s31, s5;
	(pc) =	sbr.rel .LBB2_1-.Ltmp0, $4  }
0xe: {  	s5 =	sor.u32 s11, s5;
	s6 =	sshrl.u32 s6, $0x3;
	s10 =	sshrl.u32 s10, $0x3  }
0xf: {  	s11 =	sshrl.u32 s5, $0x3;
	s6 =	sadd.s32 s6, s8;
	s5 =	sadd.s32 s8, s10  }
0x10: {  	s7 =	sadd.s32 s7, s11;
	s8 =	smax.u32 s9, $0x1;
	s9 =	simm.s32 $0x80  }
0x11: {  	v0 =	vlaneseq.u32;
	s10 =	simm.s32 $0x400;
	s11 =	simm.s32 $0x1;
	s6 =	sadd.s32 $0x2000, s6  }
.LBB2_15:
0x12: {  	s16 =	sadd.s32 $0x1, s16  }
0x13: {  	p0 =	sne.s32 s16, s8  }
.Ltmp1:
0x14: {  	_ = 	snop;
	(pc) =	sbr.rel @!p0 .LBB2_16-.Ltmp1, $4  }
0x15: {  	[hbm4b:s7+s9] =	stream.strided.scatter [tilespmem:s15], [sflag:$0x1], $0x8000, s10, s9, $0x38;
	[tilespmem:$0x9900] =	vst v63  }
0x16: {  	_ =	swait.ge [sflag:s11], $0x8000  }
0x17: {  	[sflag:s11] =	ssyncset.done $0x0  }
0x18: {  	[sflag:s11] =	ssyncadd.s32 $0xFFFF8000  }
.LBB2_1:
0x19: {  	[tilespmem:s2], [sflag:$0x1] =	stream.strided.gather [hbm4b:s5+s9], $0x800, s10, s9, $0x38;
	[tilespmem:$0x9900] =	vst v63  }
0x1a: {  	_ =	swait.ge [sflag:s11], $0x800  }
0x1b: {  	[sflag:s11] =	ssyncset.done $0x0  }
0x1c: {  	[sflag:s11] =	ssyncadd.s32 $0xFFFFF800  }
0x1d: {  	[tilespmem:s12], [sflag:$0x1] =	stream.strided.gather [hbm4b:s6+s9], $0x800, s10, s9, $0x38;
	[tilespmem:$0x9900] =	vst v63  }
0x1e: {  	_ =	swait.ge [sflag:s11], $0x800  }
0x1f: {  	[sflag:s11] =	ssyncset.done $0x0  }
0x20: {  	[sflag:s11] =	ssyncadd.s32 $0xFFFFF800  }
0x21: {  	[tilespmem:s13], [sflag:$0x1] =	stream.linear.gather [hbm4b:s4+s2], $0x100, $0x38;
	[tilespmem:$0x9900] =	vst v63  }
0x22: {  	_ =	swait.ge [sflag:s11], $0x100  }
0x23: {  	[sflag:s11] =	ssyncset.done $0x0  }
0x24: {  	[sflag:s11] =	ssyncadd.s32 $0xFFFFFF00  }
0x25: {  	[tilespmem:s14], [sflag:$0x1] =	stream.linear.gather [hbm4b:s1+s2], $0x600, $0x38;
	[tilespmem:$0x9900] =	vst v63  }
0x26: {  	_ =	swait.ge [sflag:s11], $0x600  }
0x27: {  	[sflag:s11] =	ssyncset.done $0x0  }
0x28: {  	[sflag:s11] =	ssyncadd.s32 $0xFFFFFA00  }
0x29: {  	v1 =	vld [tilespmem:$0x1180]  }
0x2a: {  	v2 =	vld [tilespmem:$0x1190]  }
0x2b: {  	v3 =	vld [tilespmem:$0x1280]  }
0x2c: {  	v4 =	vld [tilespmem:$0x1290]  }
0x2d: {  	v5 =	vld [tilespmem:$0x1380]  }
0x2e: {  	v6 =	vld [tilespmem:$0x1390]  }
0x2f: {  	v7 =	vld [tilespmem:$0x1480]  }
0x30: {  	v8 =	vld [tilespmem:$0x1490]  }
.Ltmp2:
0x31: {  	_ = 	snop;
	(pc) =	sbr.rel .LBB2_2-.Ltmp2, $4  }
0x32: {  	_ = 	snop  }
0x33: {  	v1 =	vmax.f32 v1, $0.0e+00;
	v2 =	vmax.f32 v2, $0.0e+00  }
0x34: {  	v3 =	vmax.f32 v3, $0.0e+00;
	v4 =	vmax.f32 v4, $0.0e+00;
	v5 =	vmax.f32 v5, $0.0e+00  }
0x35: {  	s19 =	simm.s32 $0x0;
	s17 =	simm.s32 $0x0;
	v6 =	vmax.f32 v6, $0.0e+00;
	v7 =	vmax.f32 v7, $0.0e+00;
	v8 =	vmax.f32 v8, $0.0e+00  }
.LBB2_3:
0x36: {  	v14 =	vimm.f32 $0.0e+00  }
0x37: {  	v12 =	vimm.f32 $0.0e+00;
	v13 =	vimm.f32 $0.0e+00;
	v16 =	vimm.f32 $0.0e+00  }
0x38: {  	v15 =	vimm.f32 $0.0e+00;
	v10 =	vimm.f32 $0.0e+00;
	v11 =	vimm.f32 $0.0e+00  }
.LBB2_14:
0x39: {  	s19 =	sshll.u32 s17, $0x5  }
0x3a: {  	[tilespmem:s19+$0x1900] =	vst v9  }
0x3b: {  	s17 =	sadd.s32 $0x1, s17;
	[tilespmem:s19+$0x1910] =	vst v14;
	s20 =	sand.u32 $0x1FE0, s19  }
0x3c: {  	p0 =	sne.s32 s17, $0x100;
	[tilespmem:s20+$0x3900] =	vst v12  }
.Ltmp3:
0x3d: {  	[tilespmem:s19+$0x3910] =	vst v13;
	(pc) =	sbr.rel @!p0 .LBB2_15-.Ltmp3, $4  }
0x3e: {  	[tilespmem:s20+$0x5900] =	vst v16  }
0x3f: {  	[tilespmem:s19+$0x5910] =	vst v15  }
0x40: {  	[tilespmem:s20+$0x7900] =	vst v10  }
0x41: {  	[tilespmem:s19+$0x7910] =	vst v11;
	s19 =	smov.u32 s18  }
.LBB2_2:
0x42: {  	s18 =	sand.u32 $0xF0, s17  }
0x43: {  	v9 =	vld [tilespmem:s18+$0x1000];
	_ =	sdelay $0x3  }
0x44: {  	s30 =	sand.u32 $0xF, s17  }
0x45: {  	v10 =	vmov s30;
	v9 =	vcvt.s32.f32 v9  }
0x46: {  	vm0 =	veq.s32 v10, v0  }
0x47: {  	v9 =	vnsel vm0, $0x0, v9  }
0x48: {  	(xrf2) =	vadd.scan.msk.f32 $0xffff, v9;
	_ =	sdelay $0x9  }
0x49: {  	v9, _, _ =	vpop (xrf2)  }
0x4a: {  	(v2sf) =	vpush v9, $0xF;
	_ =	sdelay $0xe  }
0x4b: {  	s31 =	spop (v2sf)  }
0x4c: {  	s18 =	scvt.f32.s32 s31;
	_ =	sdelay $0x1  }
0x4d: {  	p0 =	sge.s32 s19, s18  }
.Ltmp4:
0x4e: {  	_ = 	snop;
	(pc) =	sbr.rel @p0 .LBB2_3-.Ltmp4, $2  }
0x4f: {  	_ =	sdelay $0x2  }
0x50: {  	v9 =	vimm.f32 $0.0e+00  }
0x51: {  	s20 =	sand.u32 $0xF, s19  }
0x52: {  	s21 =	sshra.s32 s19, $0x1F;
	p0 =	slt.s32 s19, $0x1;
	p1 =	sne.s32 s20, $0x0  }
0x53: {  	s30 =	sshrl.u32 s21, $0x1C;
	p0 =	por !p0, !p1  }
0x54: {  	s21 =	simm.s32 $0x1;
	s20 =	sadd.s32 s30, s19;
	p0 =	por !p0, !p0  }
0x55: {  	s20 =	sshrl.u32 s20, $0x4;
	s21 =	simm.s32 @!p0 $0x0  }
0x56: {  	s20 =	ssub.s32 s20, s21  }
0x57: {  	s21 =	sadd.s32 $0x1, s19;
	s20 =	sshll.u32 s20, $0x4  }
0x58: {  	p3 =	sne.s32 s18, s21;
	v11 =	vld [tilespmem:s20+$0x800]  }
.Ltmp5:
0x59: {  	_ = 	snop;
	(pc) =	sbr.rel @!p3 .LBB2_5-.Ltmp5, $4  }
0x5a: {  	_ = 	snop  }
0x5b: {  	s31 =	ssub.s32 s19, s20  }
0x5c: {  	v10 =	vmov s31  }
0x5d: {  	p2 =	por $0x0, $0x0;
	p1 =	por $0x0, $0x0;
	p0 =	por $0x0, $0x0;
	v28 =	vld [tilespmem:s20+$0x0];
	v16 =	vperm.xlane v11, v10  }
0x5e: {  	s19 =	sand.u32 $0xF, s21  }
0x5f: {  	s20 =	sshra.s32 s21, $0x1F;
	p0 =	slt.s32 s21, $0x1;
	p3 =	sne.s32 s19, $0x0  }
0x60: {  	s30 =	sshrl.u32 s20, $0x1C;
	p0 =	por !p0, !p3  }
0x61: {  	s20 =	simm.s32 $0x1;
	s19 =	sadd.s32 s30, s21;
	p0 =	por !p0, !p0  }
0x62: {  	s19 =	sshrl.u32 s19, $0x4;
	s20 =	simm.s32 @!p0 $0x0  }
0x63: {  	s19 =	ssub.s32 s19, s20  }
0x64: {  	s20 =	sadd.s32 $0x1, s21;
	s19 =	sshll.u32 s19, $0x4  }
0x65: {  	p3 =	sne.s32 s18, s20;
	v11 =	vld [tilespmem:s19+$0x800]  }
.Ltmp6:
0x66: {  	v13 =	vmul.f32 v16, v7;
	v14 =	vmul.f32 v16, v3;
	(pc) =	sbr.rel @!p3 .LBB2_7-.Ltmp6, $4  }
0x67: {  	v12 =	vmul.f32 v16, v4;
	v15 =	vmul.f32 v16, v8  }
0x68: {  	v24 =	vmul.f32 $1.442695020e+00, v13;
	v23 =	vmul.f32 $1.442695020e+00, v14;
	s31 =	ssub.s32 s21, s19  }
0x69: {  	v22 =	vmul.f32 $1.442695020e+00, v15;
	v30 =	vperm.xlane v28, v10;
	v10 =	vmov s31  }
0x6a: {  	v17 =	vmul.f32 $1.442695020e+00, v12;
	p0 =	por $0x1, $0x1;
	v28 =	vld [tilespmem:s19+$0x0];
	v16 =	vperm.xlane v11, v10  }
0x6b: {  	s19 =	sand.u32 $0xF, s20  }
0x6c: {  	(erf) = vpow2.f32 v24;
	s21 =	sshra.s32 s20, $0x1F;
	p1 =	slt.s32 s20, $0x1;
	p3 =	sne.s32 s19, $0x0  }
0x6d: {  	v11 =	vmul.f32 v30, v2;
	s30 =	sshrl.u32 s21, $0x1C;
	(erf) = vpow2.f32 v22;
	p1 =	por !p1, !p3  }
0x6e: {  	v15 =	vmul.f32 v30, v5;
	v18 =	vmul.f32 v30, v6;
	s21 =	simm.s32 $0x1;
	s19 =	sadd.s32 s30, s20;
	p1 =	por !p1, !p1  }
0x6f: {  	v12 =	vmul.f32 v16, v4;
	v13 =	vmul.f32 v16, v3;
	s19 =	sshrl.u32 s19, $0x4;
	s21 =	simm.s32 @!p1 $0x0  }
0x70: {  	v14 =	vmul.f32 v16, v7;
	v16 =	vmul.f32 v16, v8;
	s19 =	ssub.s32 s19, s21  }
0x71: {  	v25 =	vmul.f32 $1.442695020e+00, v11;
	(erf) = vpow2.f32 v23;
	s21 =	sshll.u32 s19, $0x4;
	s19 =	sadd.s32 $0x1, s20  }
0x72: {  	v24 =	vmul.f32 $1.442695020e+00, v14;
	v19 =	vmul.f32 $1.442695020e+00, v13;
	v21 =	vld [tilespmem:s21+$0x800];
	p3 =	sne.s32 s18, s19  }
.Ltmp7:
0x73: {  	v22 =	vmul.f32 $1.442695020e+00, v16;
	v29 =	vmul.f32 $1.442695020e+00, v12;
	(pc) =	sbr.rel @!p3 .LBB2_9-.Ltmp7, $4  }
0x74: {  	v14 =	vmul.f32 $1.442695020e+00, v18;
	v13 =	vmul.f32 $1.442695020e+00, v15  }
0x75: {  	v15 =	vmul.f32 v30, v1;
	v28 =	vperm.xlane v28, v10;
	s31 =	ssub.s32 s20, s21;
	v11 =	vpop (erf)  }
0x76: {  	v10 =	vmov s31;
	(erf) = vpow2.f32 v17;
	v11 =	vadd.f32 v11, v9;
	v12 =	vpop (erf)  }
0x77: {  	p1 =	por $0x1, $0x1;
	v20 =	vld [tilespmem:s21+$0x0];
	(erf) = vpow2.f32 v25;
	v12 =	vadd.f32 v12, v9;
	v16 =	vperm.xlane v21, v10  }
0x78: {  	v17 =	vmul.f32 v28, v2;
	(erf) = vpow2.f32 v24  }
0x79: {  	s20 =	sand.u32 $0xF, s19;
	v25 =	vmul.f32 v28, v5;
	v18 =	vmul.f32 $1.442695020e+00, v15  }
0x7a: {  	s21 =	sshra.s32 s19, $0x1F;
	p2 =	slt.s32 s19, $0x1;
	v26 =	vmul.f32 v28, v6;
	v34 =	vmul.f32 v28, v1;
	p3 =	sne.s32 s20, $0x0  }
0x7b: {  	v21 =	vmul.f32 v16, v4;
	(erf) = vpow2.f32 v14;
	s30 =	sshrl.u32 s21, $0x1C;
	p2 =	por !p2, !p3  }
0x7c: {  	v23 =	vmul.f32 v16, v3;
	s21 =	simm.s32 $0x1;
	(erf) = vpow2.f32 v22;
	s20 =	sadd.s32 s30, s19;
	p2 =	por !p2, !p2  }
0x7d: {  	v22 =	vmul.f32 v16, v7;
	v16 =	vmul.f32 v16, v8;
	s20 =	sshrl.u32 s20, $0x4;
	s21 =	simm.s32 @!p2 $0x0  }
0x7e: {  	v35 =	vmul.f32 $1.442695020e+00, v17;
	v32 =	vmul.f32 $1.442695020e+00, v26;
	s20 =	ssub.s32 s20, s21  }
0x7f: {  	v31 =	vmul.f32 $1.442695020e+00, v25;
	(erf) = vpow2.f32 v18;
	s20 =	sshll.u32 s20, $0x4  }
0x80: {  	v23 =	vmul.f32 $1.442695020e+00, v23;
	v18 =	vpop (erf);
	(erf) = vpow2.f32 v13;
	v27 =	vld [tilespmem:s20+$0x800];
	s31 =	ssub.s32 s19, s20;
	s19 =	sadd.s32 $0x1, s19  }
0x81: {  	v24 =	vmul.f32 $1.442695020e+00, v22;
	v22 =	vmul.f32 $1.442695020e+00, v16;
	v17 =	vpop (erf);
	p3 =	sne.s32 s18, s19  }
.Ltmp8:
0x82: {  	v30 =	vperm.xlane v20, v10;
	v18 =	vadd.f32 v18, v9;
	(erf) = vpow2.f32 v19;
	v28 =	vld [tilespmem:s20+$0x0];
	v16 =	vpop (erf);
	(pc) =	sbr.rel @!p3 .LBB2_11-.Ltmp8, $4  }
0x83: {  	(erf) = vpow2.f32 v29;
	v19 =	vadd.f32 v17, v9;
	v17 =	vmul.f32 $1.442695020e+00, v21;
	v26 =	vpop (erf)  }
0x84: {  	v10 =	vmov s31;
	(erf) = vpow2.f32 v35;
	v21 =	vadd.f32 v16, v9;
	v33 =	vpop (erf)  }
0x85: {  	v20 =	vadd.f32 v26, v11;
	v26 =	vimm.f32 $0.0e+00;
	v25 =	vpop (erf);
	v16 =	vperm.xlane v27, v10  }
0x86: {  	p2 =	por $0x1, $0x1;
	v29 =	vadd.f32 v25, v12;
	v25 =	vimm.f32 $0.0e+00;
	v27 =	vimm.f32 $0.0e+00  }
.LBB2_12:
0x87: {  	s20 =	sand.u32 $0xF, s19;
	v35 =	vmul.f32 v30, v2;
	(erf) = vpow2.f32 v24;
	v25 =	vadd.f32 v33, v25;
	v33 =	vmovc v28;
	v36 =	vmovc v30;
	s21 =	smov.u32 s19;
	s19 =	sadd.s32 $0x1, s19  }
0x88: {  	s22 =	sshra.s32 s21, $0x1F;
	p3 =	slt.s32 s21, $0x1;
	p4 =	sne.s32 s20, $0x0;
	v30 =	vmul.f32 v16, v4;
	(erf) = vpow2.f32 v32;
	v24 =	vpop (erf)  }
0x89: {  	v28 =	vmul.f32 v16, v3;
	s20 =	sshrl.u32 s22, $0x1C;
	p4 =	por !p3, !p4;
	p3 =	sne.s32 s18, s19;
	(erf) = vpow2.f32 v22;
	v26 =	vadd.f32 v24, v26;
	v22 =	vpop (erf)  }
0x8a: {  	v37 =	vmul.f32 v36, v5;
	v24 =	vmul.f32 $1.442695020e+00, v34;
	s22 =	simm.s32 $0x1;
	s20 =	sadd.s32 s20, s21;
	p4 =	por !p4, !p4;
	v27 =	vadd.f32 v22, v27  }
0x8b: {  	v32 =	vmul.f32 v36, v6;
	v22 =	vmul.f32 v16, v7;
	s20 =	sshrl.u32 s20, $0x4;
	s22 =	simm.s32 @!p4 $0x0;
	v34 =	vpop (erf)  }
0x8c: {  	v40 =	vmul.f32 v16, v8;
	s20 =	ssub.s32 s20, s22;
	v18 =	vadd.f32 v34, v18;
	(erf) = vpow2.f32 v24  }
0x8d: {  	v24 =	vmul.f32 $1.442695020e+00, v22;
	s20 =	sshll.u32 s20, $0x4;
	(erf) = vpow2.f32 v31  }
0x8e: {  	v35 =	vmul.f32 $1.442695020e+00, v35;
	v39 =	vmul.f32 $1.442695020e+00, v28;
	v38 =	vld [tilespmem:s20+$0x800];
	v31 =	vpop (erf)  }
.Ltmp9:
0x8f: {  	v22 =	vmul.f32 $1.442695020e+00, v40;
	v28 =	vld [tilespmem:s20+$0x0];
	(erf) = vpow2.f32 v23;
	v19 =	vadd.f32 v31, v19;
	v16 =	vpop (erf);
	(pc) =	sbr.rel @p3 .LBB2_12-.Ltmp9, $4  }
0x90: {  	v32 =	vmul.f32 $1.442695020e+00, v32;
	v40 =	vmul.f32 $1.442695020e+00, v30;
	v23 =	vpop (erf);
	v21 =	vadd.f32 v16, v21  }
0x91: {  	v30 =	vperm.xlane v33, v10;
	s20 =	ssub.s32 s21, s20;
	v31 =	vmul.f32 $1.442695020e+00, v37;
	v20 =	vadd.f32 v23, v20;
	v33 =	vpop (erf)  }
0x92: {  	v34 =	vmul.f32 v36, v1;
	v10 =	vmov s20;
	(erf) = vpow2.f32 v17;
	v17 =	vpop (erf)  }
0x93: {  	v23 =	vmovc v39;
	v16 =	vperm.xlane v38, v10;
	v29 =	vadd.f32 v17, v29;
	(erf) = vpow2.f32 v35;
	v17 =	vmovc v40  }
.LBB2_13:
0x94: {  	v35 =	vmul.f32 @p0 v30, v2  }
0x95: {  	(erf) = vpow2.f32 @p0 v24;
	v34 =	vmul.f32 @p1 $1.442695020e+00, v34  }
0x96: {  	v37 =	vmul.f32 @p0 v30, v6;
	v10 =	vperm.xlane v28, v10  }
0x97: {  	v54 =	vmul.f32 v16, v4;
	(erf) = vpow2.f32 @p1 v32  }
0x98: {  	v55 =	vmul.f32 v16, v3;
	v36 =	vmul.f32 v16, v7  }
0x99: {  	v16 =	vmul.f32 v16, v8;
	(erf) = vpow2.f32 @p0 v22  }
0x9a: {  	v25 =	vadd.f32 @p2 v33, v25;
	v22 =	vmul.f32 @p0 v30, v5;
	v33 =	vmul.f32 @p0 $1.442695020e+00, v35  }
0x9b: {  	v59 =	vmul.f32 v10, v2;
	v60 =	vmul.f32 v10, v6  }
0x9c: {  	v32 =	vpop @p2 (erf);
	(erf) = vpow2.f32 @p1 v34;
	v56 =	vmul.f32 $1.442695020e+00, v36  }
0x9d: {  	v26 =	vadd.f32 @p2 v32, v26;
	v32 =	vpop @p2 (erf);
	v57 =	vmul.f32 $1.442695020e+00, v55;
	v16 =	vmul.f32 $1.442695020e+00, v16  }
0x9e: {  	v24 =	vadd.f32 @p2 v32, v27;
	v32 =	vmul.f32 @p0 $1.442695020e+00, v37;
	(erf) = vpow2.f32 @p1 v31  }
0x9f: {  	v27 =	vpop @p1 (erf);
	v22 =	vmul.f32 @p0 $1.442695020e+00, v22;
	(erf) = vpow2.f32 @p0 v23  }
0xa0: {  	v18 =	vadd.f32 @p1 v27, v18;
	v27 =	vmul.f32 @p0 v30, v1;
	(erf) = vpow2.f32 @p0 v17  }
0xa1: {  	v58 =	vmul.f32 $1.442695020e+00, v54;
	v14 =	vpsel p0, v32, v14;
	v17 =	vpop @p1 (erf);
	(erf) = vpow2.f32 @p0 v33  }
0xa2: {  	v13 =	vpsel p0, v22, v13;
	v15 =	vpsel p0, v27, v15;
	v28 =	vpop @p1 (erf);
	(erf) = vpow2.f32 v56  }
0xa3: {  	v17 =	vadd.f32 @p1 v17, v19;
	v19 =	vpop @p0 (erf);
	(erf) = vpow2.f32 @p0 v14;
	v14 =	vmul.f32 @p0 $1.442695020e+00, v15  }
0xa4: {  	v22 =	vmul.f32 $1.442695020e+00, v60;
	v15 =	vadd.f32 @p1 v28, v21;
	v21 =	vpop @p1 (erf);
	(erf) = vpow2.f32 v16  }
0xa5: {  	v25 =	vpsel p2, v25, v9;
	v16 =	vmul.f32 v10, v5;
	v28 =	vpop @p0 (erf);
	(erf) = vpow2.f32 @p0 v14  }
0xa6: {  	v10 =	vmul.f32 v10, v1;
	v14 =	vadd.f32 @p0 v19, v20;
	v19 =	vpop @p1 (erf);
	(erf) = vpow2.f32 @p0 v13  }
0xa7: {  	v18 =	vpsel p1, v18, v9;
	v13 =	vmul.f32 $1.442695020e+00, v59;
	v27 =	vpop @p1 (erf);
	(erf) = vpow2.f32 v57  }
0xa8: {  	v20 =	vadd.f32 @p0 v28, v29;
	v10 =	vmul.f32 $1.442695020e+00, v10;
	v28 =	vpop @p0 (erf);
	(erf) = vpow2.f32 v58  }
0xa9: {  	v21 =	vpsel p1, v21, v0;
	v16 =	vmul.f32 $1.442695020e+00, v16;
	v23 =	vpop @p0 (erf);
	(erf) = vpow2.f32 v13  }
0xaa: {  	v11 =	vpsel p0, v14, v11;
	v13 =	vpsel p2, v26, v9;
	v26 =	vpop @p0 (erf);
	(erf) = vpow2.f32 v22  }
0xab: {  	v14 =	vadd.f32 @p0 v28, v18;
	v22 =	vpsel p2, v24, v9;
	v61 =	vpop (erf);
	(erf) = vpow2.f32 v10  }
0xac: {  	v10 =	vpsel p1, v17, v9;
	v17 =	vadd.f32 @p1 v21, v25;
	v21 =	vpop @p0 (erf);
	(erf) = vpow2.f32 v16  }
0xad: {  	v15 =	vpsel p1, v15, v9;
	v13 =	vadd.f32 @p1 v19, v13;
	v19 =	vadd.f32 @p1 v27, v22;
	v16 =	vpop (erf)  }
0xae: {  	v12 =	vpsel p0, v20, v12;
	v18 =	vadd.f32 @p0 v23, v10;
	v10 =	vadd.f32 v61, v11;
	v22 =	vpop @p0 (erf)  }
0xaf: {  	v11 =	vadd.f32 v16, v12;
	v12 =	vpsel p1, v17, v9;
	v16 =	vpsel p0, v21, v0;
	v20 =	vpop @p0 (erf)  }
0xb0: {  	v15 =	vadd.f32 @p0 v26, v15;
	v16 =	vadd.f32 @p0 v16, v12;
	v17 =	vpop (erf)  }
0xb1: {  	v14 =	vpsel p0, v14, v9;
	v13 =	vpsel p1, v13, v9;
	v62 =	vpop (erf)  }
.Ltmp10:
0xb2: {  	v19 =	vpsel p1, v19, v9;
	v15 =	vpsel p0, v15, v9;
	v22 =	vadd.f32 @p0 v22, v13;
	v63 =	vpop (erf);
	(pc) =	sbr.rel .LBB2_14-.Ltmp10, $4  }
0xb3: {  	v18 =	vpsel p0, v18, v9;
	v19 =	vadd.f32 @p0 v20, v19;
	v12 =	vadd.f32 v17, v14;
	v17 =	vpop (erf)  }
0xb4: {  	v13 =	vadd.f32 v62, v18;
	v14 =	vadd.f32 v63, v15;
	v15 =	vpsel p0, v16, v9;
	v16 =	vpop (erf)  }
0xb5: {  	v18 =	vpsel p0, v22, v9;
	v19 =	vpsel p0, v19, v9;
	v15 =	vadd.f32 v17, v15;
	v17 =	vpop (erf)  }
0xb6: {  	v9 =	vadd.f32 v16, v18;
	v16 =	vadd.f32 v17, v19  }
.LBB2_5:
.Ltmp11:
0xb7: {  	(pc) =	sbr.rel .LBB2_13-.Ltmp11, $4  }
0xb8: {  	v25 =	vimm.f32 $0.0e+00  }
0xb9: {  	v26 =	vimm.f32 $0.0e+00;
	v27 =	vimm.f32 $0.0e+00;
	v18 =	vimm.f32 $0.0e+00  }
0xba: {  	v19 =	vimm.f32 $0.0e+00;
	v21 =	vimm.f32 $0.0e+00;
	v20 =	vimm.f32 $0.0e+00  }
0xbb: {  	v29 =	vimm.f32 $0.0e+00;
	v11 =	vimm.f32 $0.0e+00;
	v12 =	vimm.f32 $0.0e+00  }
.LBB2_7:
.Ltmp12:
0xbc: {  	(pc) =	sbr.rel .LBB2_13-.Ltmp12, $4  }
0xbd: {  	v25 =	vimm.f32 $0.0e+00  }
0xbe: {  	v26 =	vimm.f32 $0.0e+00;
	v27 =	vimm.f32 $0.0e+00;
	v18 =	vimm.f32 $0.0e+00  }
0xbf: {  	v19 =	vimm.f32 $0.0e+00;
	v21 =	vimm.f32 $0.0e+00;
	v20 =	vimm.f32 $0.0e+00  }
0xc0: {  	v29 =	vimm.f32 $0.0e+00;
	v11 =	vimm.f32 $0.0e+00;
	v12 =	vimm.f32 $0.0e+00  }
.LBB2_9:
.Ltmp13:
0xc1: {  	_ = 	snop;
	(pc) =	sbr.rel .LBB2_13-.Ltmp13, $4  }
0xc2: {  	_ = 	snop  }
0xc3: {  	v25 =	vimm.f32 $0.0e+00;
	v26 =	vimm.f32 $0.0e+00;
	v27 =	vimm.f32 $0.0e+00;
	v30 =	vmovc v28;
	v32 =	vmovc v14  }
0xc4: {  	v34 =	vmovc v15;
	v18 =	vimm.f32 $0.0e+00;
	v31 =	vmovc v13;
	v23 =	vmov v19;
	v19 =	vimm.f32 $0.0e+00  }
0xc5: {  	v21 =	vimm.f32 $0.0e+00;
	v17 =	vmovc v29;
	v29 =	vmovc v12;
	v28 =	vmov v20;
	v20 =	vmov v11  }
.LBB2_11:
.Ltmp14:
0xc6: {  	(pc) =	sbr.rel .LBB2_13-.Ltmp14, $2  }
0xc7: {  	_ =	sdelay $0x2  }
0xc8: {  	v25 =	vimm.f32 $0.0e+00;
	v26 =	vimm.f32 $0.0e+00;
	v27 =	vimm.f32 $0.0e+00  }
.LBB2_16:
0xc9: {  	_ =	sfence.sel $0x180000  }
0xca: {  	[bflag:$0x0] =	sbarrier.arrive $0xFFFF  }
0xcb: {  	p0 =	sne.s32 s3, $0x0;
	_ =	strace $0x90000047  }
0xcc: {  	s0 =	sadd.s32 @!p0 $0x100000, s0;
	[bflag:$0x2] =	sbarrier.arrive $0xFFFF  }
0xcd: {  	[sflag:s0] =	ssyncadd.tile.s32 @!p0 $0x1;
	_ =	shalt  }
.Lfunc_end2:
_tile_overlayer_lowered:
.L_overlay_start_2:
0xce: {  	(tag) =	ssettag $0x2  }
0xcf: {  	s0 =	rddreg [dreg:$0x0];
	s2 =	stileid.u32  }
0xd0: {  	s1 =	rddreg [dreg:$0x1];
	p0 =	sne.s32 s2, $0x0  }
0xd1: {  	s3 =	rddreg [dreg:$0x2];
	[bflag:$0x3] =	sbarrier.arrive $0xFFFF;
	s2 =	simm.s32 @!p0 $0x1C01  }
0xd2: {  	[timem:s3], [sflag:s2] =	dma.local @!p0 [hbm:s0], s1  }
0xd3: {  	s0 =	simm.s32 @!p0 $0x1  }
0xd4: {  	_ =	swait.ge @!p0 [sflag:s0], s1  }
0xd5: {  	s1 =	ssub.s32 @!p0 $0x0, s1;
	[sflag:s0] =	ssyncset.done @!p0 $0x0  }
0xd6: {  	[sflag:s0] =	ssyncadd.s32 @!p0 s1  }
0xd7: {  	[bflag:$0x3] =	sbarrier.arrive $0xFFFF  }
0xd8: {  	_ =	shalt  }

</sc_bundles>
